<compile_context>
chip_gen: v7x
topology: tpu7x:2x2x1
jax: 0.10.2.dev20260603
libtpu: 0.0.44.dev20260713+nightly
codegen_flags: <defaults>
</compile_context>

<pallas_src>
import jax
import jax.numpy as jnp
from jax import lax
from jax.experimental import pallas as pl
from jax.experimental.pallas import tpu as pltpu
from jax.experimental.pallas import tpu_sc as plsc

N_NODES = 100000
N_RELATIONS = 500
EMBED_DIM = 32
BATCH = 1024

_NUM_CORES = 2
_NUM_SUBCORES = 16
_NUM_WORKERS = _NUM_CORES * _NUM_SUBCORES
_B_PER_W = BATCH // _NUM_WORKERS

_BM = 32
_NBM = BATCH // _BM


def _coef_sc_kernel(heads_hbm, rels_hbm, node_r_hbm, node_i_hbm,
                    rel_r_hbm, rel_i_hbm, coef_hbm,
                    hidx_v, ridx_v, src_r_v, src_i_v, rel_r_v, rel_i_v,
                    coef_v, sem):
    wid = lax.axis_index("s") * _NUM_CORES + lax.axis_index("c")
    base = wid * _B_PER_W

    pltpu.sync_copy(heads_hbm.at[pl.ds(base, _B_PER_W)], hidx_v)
    pltpu.sync_copy(rels_hbm.at[pl.ds(base, _B_PER_W)], ridx_v)

    pltpu.async_copy(node_r_hbm.at[hidx_v], src_r_v, sem).wait()
    pltpu.async_copy(node_i_hbm.at[hidx_v], src_i_v, sem).wait()
    pltpu.async_copy(rel_r_hbm.at[ridx_v], rel_r_v, sem).wait()
    pltpu.async_copy(rel_i_hbm.at[ridx_v], rel_i_v, sem).wait()

    for r in range(_B_PER_W):
        for c in range(EMBED_DIM // 16):
            sl = pl.ds(c * 16, 16)
            sr = src_r_v[r, sl]
            si = src_i_v[r, sl]
            rr = rel_r_v[r, sl]
            ri = rel_i_v[r, sl]
            coef_v[r, sl] = rr * sr - ri * si
            coef_v[r, pl.ds(EMBED_DIM + c * 16, 16)] = rr * si + ri * sr

    pltpu.sync_copy(coef_v, coef_hbm.at[pl.ds(base, _B_PER_W)])


def _make_coef_fn():
    mesh = plsc.VectorSubcoreMesh(core_axis_name="c", subcore_axis_name="s")
    return pl.kernel(
        _coef_sc_kernel,
        mesh=mesh,
        out_type=jax.ShapeDtypeStruct((BATCH, 2 * EMBED_DIM), jnp.float32),
        scratch_types=[
            pltpu.VMEM((_B_PER_W,), jnp.int32),
            pltpu.VMEM((_B_PER_W,), jnp.int32),
            pltpu.VMEM((_B_PER_W, EMBED_DIM), jnp.float32),
            pltpu.VMEM((_B_PER_W, EMBED_DIM), jnp.float32),
            pltpu.VMEM((_B_PER_W, EMBED_DIM), jnp.float32),
            pltpu.VMEM((_B_PER_W, EMBED_DIM), jnp.float32),
            pltpu.VMEM((_B_PER_W, 2 * EMBED_DIM), jnp.float32),
            pltpu.SemaphoreType.DMA,
        ],
        compiler_params=pltpu.CompilerParams(use_tc_tiling_on_sc=False),
    )


def _score_tc_kernel(coef_ref, nodes_t_ref, out_ref):
    out_ref[...] = lax.dot_general(
        coef_ref[...].astype(jnp.bfloat16), nodes_t_ref[...],
        (((1,), (0,)), ((), ())),
        preferred_element_type=jnp.float32)


@jax.jit
def kernel(heads, rels, node_embeddings_r, node_embeddings_i,
           relation_embeddings_r, relation_embeddings_i):
    heads = heads.astype(jnp.int32)
    rels = rels.astype(jnp.int32)

    coef = _make_coef_fn()(heads, rels, node_embeddings_r, node_embeddings_i,
                           relation_embeddings_r, relation_embeddings_i)
    nodes_t = jnp.concatenate([node_embeddings_r.T, node_embeddings_i.T],
                              axis=0).astype(jnp.bfloat16)

    phi = pl.pallas_call(
        _score_tc_kernel,
        grid=(_NBM,),
        in_specs=[
            pl.BlockSpec((_BM, 2 * EMBED_DIM), lambda i: (i, 0)),
            pl.BlockSpec((2 * EMBED_DIM, N_NODES), lambda i: (0, 0)),
        ],
        out_specs=pl.BlockSpec((_BM, N_NODES), lambda i: (i, 0)),
        out_shape=jax.ShapeDtypeStruct((BATCH, N_NODES), jnp.float32),
        compiler_params=pltpu.CompilerParams(
            dimension_semantics=("arbitrary",),
            vmem_limit_bytes=62 * 1024 * 1024,
        ),
    )(coef, nodes_t)
    return phi

# --- scband reference (transcript-rebuilt; emitter-appended) ---
"""Pipeline reference for scband-complex-model-56942676411130 (READ-ONLY COPY).

The authoritative reference and input builder live on the scoring server;
editing this copy changes nothing except your own understanding.
"""

import jax, jax.numpy as jnp
import numpy as np

N_NODES = 100000
N_RELATIONS = 500
EMBED_DIM = 32
BATCH = 1024


def setup_inputs(seed: int = 0) -> dict:
    key = jax.random.key(seed)
    k1, k2, k3, k4, k5, k6 = jax.random.split(key, 6)
    heads = jax.random.randint(k1, (BATCH,), 0, N_NODES, dtype=jnp.int64) if jax.config.jax_enable_x64 else jax.random.randint(k1, (BATCH,), 0, N_NODES).astype(jnp.int32)
    rels = jax.random.randint(k2, (BATCH,), 0, N_RELATIONS).astype(heads.dtype)
    # Xavier-uniform init like tf.contrib.layers.xavier_initializer
    limit_n = float(np.sqrt(6.0 / (N_NODES + EMBED_DIM)))
    limit_r = float(np.sqrt(6.0 / (N_RELATIONS + EMBED_DIM)))
    node_embeddings_r = jax.random.uniform(k3, (N_NODES, EMBED_DIM), jnp.float32, -limit_n, limit_n)
    node_embeddings_i = jax.random.uniform(k4, (N_NODES, EMBED_DIM), jnp.float32, -limit_n, limit_n)
    relation_embeddings_r = jax.random.uniform(k5, (N_RELATIONS, EMBED_DIM), jnp.float32, -limit_r, limit_r)
    relation_embeddings_i = jax.random.uniform(k6, (N_RELATIONS, EMBED_DIM), jnp.float32, -limit_r, limit_r)
    return {
        "heads": heads,
        "rels": rels,
        "node_embeddings_r": node_embeddings_r,
        "node_embeddings_i": node_embeddings_i,
        "relation_embeddings_r": relation_embeddings_r,
        "relation_embeddings_i": relation_embeddings_i,
    }


def reference(heads, rels, node_embeddings_r, node_embeddings_i, relation_embeddings_r, relation_embeddings_i):
    # ComplEx tail-prediction scoring (Model.score with predict_tails=True):
    # gather head/relation embeddings, then score against ALL entity embeddings.
    src_r = jnp.take(node_embeddings_r, heads, axis=0)      # [B, d]
    src_i = jnp.take(node_embeddings_i, heads, axis=0)      # [B, d]
    rel_r = jnp.take(relation_embeddings_r, rels, axis=0)   # [B, d]
    rel_i = jnp.take(relation_embeddings_i, rels, axis=0)   # [B, d]
    # phi = sum_d rel_r*src_r*tar_r + rel_r*src_i*tar_i + rel_i*src_r*tar_i - rel_i*src_i*tar_r
    # broadcast against all targets via matmul factorization:
    coef_r = rel_r * src_r - rel_i * src_i                  # multiplies tar_r
    coef_i = rel_r * src_i + rel_i * src_r                  # multiplies tar_i
    phi = coef_r @ node_embeddings_r.T + coef_i @ node_embeddings_i.T  # [B, N]
    return phi

if __name__ == "__main__":
    import jax
    _d = setup_inputs()
    print(jax.jit(kernel)(*tuple(_d.values())))

</pallas_src>

<mosaic_0001>
#map = affine_map<(d0, d1) -> (0)>
#map1 = affine_map<(d0, d1) -> (0, 0)>
module attributes {stable_mosaic.version = 14 : i64} {
  func.func @_coef_sc_kernel(%arg0: i32, %arg1: i32, %arg2: memref<1024xi32, #tpu.memory_space<hbm>>, %arg3: memref<1024xi32, #tpu.memory_space<hbm>>, %arg4: memref<100000x32xf32, #tpu.memory_space<hbm>>, %arg5: memref<100000x32xf32, #tpu.memory_space<hbm>>, %arg6: memref<500x32xf32, #tpu.memory_space<hbm>>, %arg7: memref<500x32xf32, #tpu.memory_space<hbm>>, %arg8: memref<1024x64xf32, #tpu.memory_space<hbm>>, %arg9: memref<32xi32, #tpu.memory_space<vmem>>, %arg10: memref<32xi32, #tpu.memory_space<vmem>>, %arg11: memref<32x32xf32, #tpu.memory_space<vmem>>, %arg12: memref<32x32xf32, #tpu.memory_space<vmem>>, %arg13: memref<32x32xf32, #tpu.memory_space<vmem>>, %arg14: memref<32x32xf32, #tpu.memory_space<vmem>>, %arg15: memref<32x64xf32, #tpu.memory_space<vmem>>, %arg16: memref<!tpu.dma_semaphore, #tpu.memory_space<semaphore_mem>>) attributes {dimension_semantics = [#tpu.dimension_semantics<core_parallel>, #tpu.dimension_semantics<subcore_parallel>], iteration_bounds = array<i64: 2, 16>, scalar_prefetch = 0 : i64, scratch_operands = 8 : i64, tpu.core_type = #tpu.core_type<sc_vector_subcore>, window_params = [{transform_indices = #map}, {transform_indices = #map}, {transform_indices = #map1}, {transform_indices = #map1}, {transform_indices = #map1}, {transform_indices = #map1}, {transform_indices = #map1}]} {
    %mul3A = arith.constant 2 : i32
    %mul3A_0 = arith.muli %arg1, %mul3A : i32
    %add3A = arith.addi %mul3A_0, %arg0 : i32
    %mul3A_1 = arith.constant 32 : i32
    %mul3A_2 = arith.muli %add3A, %mul3A_1 : i32
    "tpu.region"() ({
      %run_scoped3A = tpu.sem_alloc : memref<!tpu.dma_semaphore, #tpu.memory_space<semaphore_mem>>
      %dma_start3A_2454 = tpu.memref_slice %arg2[%mul3A_2] : memref<1024xi32, #tpu.memory_space<hbm>> -> memref<32xi32, #tpu.memory_space<hbm>>
      %dma_start3A_2455 = tpu.memref_slice %arg2[%mul3A_2] : memref<1024xi32, #tpu.memory_space<hbm>> -> memref<32xi32, #tpu.memory_space<hbm>>
      tpu.enqueue_dma source(%dma_start3A_2455 : memref<32xi32, #tpu.memory_space<hbm>>) target(%arg9 : memref<32xi32, #tpu.memory_space<vmem>>) target_semaphore(%run_scoped3A : memref<!tpu.dma_semaphore, #tpu.memory_space<semaphore_mem>>)
      %dma_wait3A_2456 = tpu.memref_slice %arg2[%mul3A_2] : memref<1024xi32, #tpu.memory_space<hbm>> -> memref<32xi32, #tpu.memory_space<hbm>>
      %dma_wait3A_2457 = tpu.memref_slice %arg2[%mul3A_2] : memref<1024xi32, #tpu.memory_space<hbm>> -> memref<32xi32, #tpu.memory_space<hbm>>
      tpu.wait_dma2 semaphore(%run_scoped3A : memref<!tpu.dma_semaphore, #tpu.memory_space<semaphore_mem>>) src(%dma_wait3A_2457 : memref<32xi32, #tpu.memory_space<hbm>>) dst(%arg9 : memref<32xi32, #tpu.memory_space<vmem>>)
      tpu.yield
    }) : () -> ()
    "tpu.region"() ({
      %run_scoped3A = tpu.sem_alloc : memref<!tpu.dma_semaphore, #tpu.memory_space<semaphore_mem>>
      %dma_start3A_2454 = tpu.memref_slice %arg3[%mul3A_2] : memref<1024xi32, #tpu.memory_space<hbm>> -> memref<32xi32, #tpu.memory_space<hbm>>
      %dma_start3A_2455 = tpu.memref_slice %arg3[%mul3A_2] : memref<1024xi32, #tpu.memory_space<hbm>> -> memref<32xi32, #tpu.memory_space<hbm>>
      tpu.enqueue_dma source(%dma_start3A_2455 : memref<32xi32, #tpu.memory_space<hbm>>) target(%arg10 : memref<32xi32, #tpu.memory_space<vmem>>) target_semaphore(%run_scoped3A : memref<!tpu.dma_semaphore, #tpu.memory_space<semaphore_mem>>)
      %dma_wait3A_2456 = tpu.memref_slice %arg3[%mul3A_2] : memref<1024xi32, #tpu.memory_space<hbm>> -> memref<32xi32, #tpu.memory_space<hbm>>
      %dma_wait3A_2457 = tpu.memref_slice %arg3[%mul3A_2] : memref<1024xi32, #tpu.memory_space<hbm>> -> memref<32xi32, #tpu.memory_space<hbm>>
      tpu.wait_dma2 semaphore(%run_scoped3A : memref<!tpu.dma_semaphore, #tpu.memory_space<semaphore_mem>>) src(%dma_wait3A_2457 : memref<32xi32, #tpu.memory_space<hbm>>) dst(%arg10 : memref<32xi32, #tpu.memory_space<vmem>>)
      tpu.yield
    }) : () -> ()
    %dma_start3A = arith.constant 0 : i32
    %dma_start3A_3 = arith.constant 0 : i32
    %dma_start3A_4 = tpu.memref_slice %arg4[%dma_start3A, %dma_start3A_3] : memref<100000x32xf32, #tpu.memory_space<hbm>> -> memref<100000x32xf32, #tpu.memory_space<hbm>>
    tpu.enqueue_indirect_dma source(%dma_start3A_4 : memref<100000x32xf32, #tpu.memory_space<hbm>>) target(%arg11 : memref<32x32xf32, #tpu.memory_space<vmem>>) offsets(%arg9 : memref<32xi32, #tpu.memory_space<vmem>>) semaphore(%arg16 : memref<!tpu.dma_semaphore, #tpu.memory_space<semaphore_mem>>)
    %dma_wait3A = arith.constant 0 : i32
    %dma_wait3A_5 = arith.constant 0 : i32
    %dma_wait3A_6 = tpu.memref_slice %arg4[%dma_wait3A, %dma_wait3A_5] : memref<100000x32xf32, #tpu.memory_space<hbm>> -> memref<100000x32xf32, #tpu.memory_space<hbm>>
    tpu.wait_indirect_dma semaphore(%arg16 : memref<!tpu.dma_semaphore, #tpu.memory_space<semaphore_mem>>) src(%dma_wait3A_6 : memref<100000x32xf32, #tpu.memory_space<hbm>>) dst(%arg11 : memref<32x32xf32, #tpu.memory_space<vmem>>)
    %dma_start3A_7 = arith.constant 0 : i32
    %dma_start3A_8 = arith.constant 0 : i32
    %dma_start3A_9 = tpu.memref_slice %arg5[%dma_start3A_7, %dma_start3A_8] : memref<100000x32xf32, #tpu.memory_space<hbm>> -> memref<100000x32xf32, #tpu.memory_space<hbm>>
    tpu.enqueue_indirect_dma source(%dma_start3A_9 : memref<100000x32xf32, #tpu.memory_space<hbm>>) target(%arg12 : memref<32x32xf32, #tpu.memory_space<vmem>>) offsets(%arg9 : memref<32xi32, #tpu.memory_space<vmem>>) semaphore(%arg16 : memref<!tpu.dma_semaphore, #tpu.memory_space<semaphore_mem>>)
    %dma_wait3A_10 = arith.constant 0 : i32
    %dma_wait3A_11 = arith.constant 0 : i32
    %dma_wait3A_12 = tpu.memref_slice %arg5[%dma_wait3A_10, %dma_wait3A_11] : memref<100000x32xf32, #tpu.memory_space<hbm>> -> memref<100000x32xf32, #tpu.memory_space<hbm>>
    tpu.wait_indirect_dma semaphore(%arg16 : memref<!tpu.dma_semaphore, #tpu.memory_space<semaphore_mem>>) src(%dma_wait3A_12 : memref<100000x32xf32, #tpu.memory_space<hbm>>) dst(%arg12 : memref<32x32xf32, #tpu.memory_space<vmem>>)
    %dma_start3A_13 = arith.constant 0 : i32
    %dma_start3A_14 = arith.constant 0 : i32
    %dma_start3A_15 = tpu.memref_slice %arg6[%dma_start3A_13, %dma_start3A_14] : memref<500x32xf32, #tpu.memory_space<hbm>> -> memref<500x32xf32, #tpu.memory_space<hbm>>
    tpu.enqueue_indirect_dma source(%dma_start3A_15 : memref<500x32xf32, #tpu.memory_space<hbm>>) target(%arg13 : memref<32x32xf32, #tpu.memory_space<vmem>>) offsets(%arg10 : memref<32xi32, #tpu.memory_space<vmem>>) semaphore(%arg16 : memref<!tpu.dma_semaphore, #tpu.memory_space<semaphore_mem>>)
    %dma_wait3A_16 = arith.constant 0 : i32
    %dma_wait3A_17 = arith.constant 0 : i32
    %dma_wait3A_18 = tpu.memref_slice %arg6[%dma_wait3A_16, %dma_wait3A_17] : memref<500x32xf32, #tpu.memory_space<hbm>> -> memref<500x32xf32, #tpu.memory_space<hbm>>
    tpu.wait_indirect_dma semaphore(%arg16 : memref<!tpu.dma_semaphore, #tpu.memory_space<semaphore_mem>>) src(%dma_wait3A_18 : memref<500x32xf32, #tpu.memory_space<hbm>>) dst(%arg13 : memref<32x32xf32, #tpu.memory_space<vmem>>)
    %dma_start3A_19 = arith.constant 0 : i32
    %dma_start3A_20 = arith.constant 0 : i32
    %dma_start3A_21 = tpu.memref_slice %arg7[%dma_start3A_19, %dma_start3A_20] : memref<500x32xf32, #tpu.memory_space<hbm>> -> memref<500x32xf32, #tpu.memory_space<hbm>>
    tpu.enqueue_indirect_dma source(%dma_start3A_21 : memref<500x32xf32, #tpu.memory_space<hbm>>) target(%arg14 : memref<32x32xf32, #tpu.memory_space<vmem>>) offsets(%arg10 : memref<32xi32, #tpu.memory_space<vmem>>) semaphore(%arg16 : memref<!tpu.dma_semaphore, #tpu.memory_space<semaphore_mem>>)
    %dma_wait3A_22 = arith.constant 0 : i32
    %dma_wait3A_23 = arith.constant 0 : i32
    %dma_wait3A_24 = tpu.memref_slice %arg7[%dma_wait3A_22, %dma_wait3A_23] : memref<500x32xf32, #tpu.memory_space<hbm>> -> memref<500x32xf32, #tpu.memory_space<hbm>>
    tpu.wait_indirect_dma semaphore(%arg16 : memref<!tpu.dma_semaphore, #tpu.memory_space<semaphore_mem>>) src(%dma_wait3A_24 : memref<500x32xf32, #tpu.memory_space<hbm>>) dst(%arg14 : memref<32x32xf32, #tpu.memory_space<vmem>>)
    %get3A = arith.constant 0 : i32
    %get3A_25 = arith.index_cast %get3A : i32 to index
    %get3A_26 = arith.constant 0 : index
    %get3A_27 = tpu.vector_load %arg11[%get3A_25, %get3A_26] {strides = array<i32>} : memref<32x32xf32, #tpu.memory_space<vmem>>, vector<1x16xf32>,
    %get3A_28 = vector.shape_cast %get3A_27 : vector<1x16xf32> to vector<16xf32>
    %get3A_29 = arith.constant 0 : i32
    %get3A_30 = arith.index_cast %get3A_29 : i32 to index
    %get3A_31 = arith.constant 0 : index
    %get3A_32 = tpu.vector_load %arg12[%get3A_30, %get3A_31] {strides = array<i32>} : memref<32x32xf32, #tpu.memory_space<vmem>>, vector<1x16xf32>,
    %get3A_33 = vector.shape_cast %get3A_32 : vector<1x16xf32> to vector<16xf32>
    %get3A_34 = arith.constant 0 : i32
    %get3A_35 = arith.index_cast %get3A_34 : i32 to index
    %get3A_36 = arith.constant 0 : index
    %get3A_37 = tpu.vector_load %arg13[%get3A_35, %get3A_36] {strides = array<i32>} : memref<32x32xf32, #tpu.memory_space<vmem>>, vector<1x16xf32>,
    %get3A_38 = vector.shape_cast %get3A_37 : vector<1x16xf32> to vector<16xf32>
    %get3A_39 = arith.constant 0 : i32
    %get3A_40 = arith.index_cast %get3A_39 : i32 to index
    %get3A_41 = arith.constant 0 : index
    %get3A_42 = tpu.vector_load %arg14[%get3A_40, %get3A_41] {strides = array<i32>} : memref<32x32xf32, #tpu.memory_space<vmem>>, vector<1x16xf32>,
    %get3A_43 = vector.shape_cast %get3A_42 : vector<1x16xf32> to vector<16xf32>
    %mul3A_44 = arith.mulf %get3A_38, %get3A_28 : vector<16xf32>
    %mul3A_45 = arith.mulf %get3A_43, %get3A_33 : vector<16xf32>
    %sub3A = arith.subf %mul3A_44, %mul3A_45 : vector<16xf32>
    %swap3A = arith.constant 0 : i32
    %swap3A_46 = arith.index_cast %swap3A : i32 to index
    %swap3A_47 = arith.constant 0 : index
    %swap3A_48 = tpu.vector_load %arg15[%swap3A_46, %swap3A_47] {strides = array<i32>} : memref<32x64xf32, #tpu.memory_space<vmem>>, vector<1x16xf32>,
    %swap3A_49 = vector.shape_cast %swap3A_48 : vector<1x16xf32> to vector<16xf32>
    %swap3A_50 = vector.shape_cast %sub3A : vector<16xf32> to vector<1x16xf32>
    tpu.vector_store %arg15[%swap3A_46, %swap3A_47], %swap3A_50 {strides = array<i32>} : memref<32x64xf32, #tpu.memory_space<vmem>>, vector<1x16xf32>,
    %mul3A_51 = arith.mulf %get3A_38, %get3A_33 : vector<16xf32>
    %mul3A_52 = arith.mulf %get3A_43, %get3A_28 : vector<16xf32>
    %add3A_53 = arith.addf %mul3A_51, %mul3A_52 : vector<16xf32>
    %swap3A_54 = arith.constant 0 : i32
    %swap3A_55 = arith.index_cast %swap3A_54 : i32 to index
    %swap3A_56 = arith.constant 32 : index
    %swap3A_57 = tpu.vector_load %arg15[%swap3A_55, %swap3A_56] {strides = array<i32>} : memref<32x64xf32, #tpu.memory_space<vmem>>, vector<1x16xf32>,
    %swap3A_58 = vector.shape_cast %swap3A_57 : vector<1x16xf32> to vector<16xf32>
    %swap3A_59 = vector.shape_cast %add3A_53 : vector<16xf32> to vector<1x16xf32>
    tpu.vector_store %arg15[%swap3A_55, %swap3A_56], %swap3A_59 {strides = array<i32>} : memref<32x64xf32, #tpu.memory_space<vmem>>, vector<1x16xf32>,
    %get3A_60 = arith.constant 0 : i32
    %get3A_61 = arith.index_cast %get3A_60 : i32 to index
    %get3A_62 = arith.constant 16 : index
    %get3A_63 = tpu.vector_load %arg11[%get3A_61, %get3A_62] {strides = array<i32>} : memref<32x32xf32, #tpu.memory_space<vmem>>, vector<1x16xf32>,
    %get3A_64 = vector.shape_cast %get3A_63 : vector<1x16xf32> to vector<16xf32>
    %get3A_65 = arith.constant 0 : i32
    %get3A_66 = arith.index_cast %get3A_65 : i32 to index
    %get3A_67 = arith.constant 16 : index
    %get3A_68 = tpu.vector_load %arg12[%get3A_66, %get3A_67] {strides = array<i32>} : memref<32x32xf32, #tpu.memory_space<vmem>>, vector<1x16xf32>,
    %get3A_69 = vector.shape_cast %get3A_68 : vector<1x16xf32> to vector<16xf32>
    %get3A_70 = arith.constant 0 : i32
    %get3A_71 = arith.index_cast %get3A_70 : i32 to index
    %get3A_72 = arith.constant 16 : index
    %get3A_73 = tpu.vector_load %arg13[%get3A_71, %get3A_72] {strides = array<i32>} : memref<32x32xf32, #tpu.memory_space<vmem>>, vector<1x16xf32>,
    %get3A_74 = vector.shape_cast %get3A_73 : vector<1x16xf32> to vector<16xf32>
    %get3A_75 = arith.constant 0 : i32
    %get3A_76 = arith.index_cast %get3A_75 : i32 to index
    %get3A_77 = arith.constant 16 : index
    %get3A_78 = tpu.vector_load %arg14[%get3A_76, %get3A_77] {strides = array<i32>} : memref<32x32xf32, #tpu.memory_space<vmem>>, vector<1x16xf32>,
    %get3A_79 = vector.shape_cast %get3A_78 : vector<1x16xf32> to vector<16xf32>
    %mul3A_80 = arith.mulf %get3A_74, %get3A_64 : vector<16xf32>
    %mul3A_81 = arith.mulf %get3A_79, %get3A_69 : vector<16xf32>
    %sub3A_82 = arith.subf %mul3A_80, %mul3A_81 : vector<16xf32>
    %swap3A_83 = arith.constant 0 : i32
    %swap3A_84 = arith.index_cast %swap3A_83 : i32 to index
    %swap3A_85 = arith.constant 16 : index
    %swap3A_86 = tpu.vector_load %arg15[%swap3A_84, %swap3A_85] {strides = array<i32>} : memref<32x64xf32, #tpu.memory_space<vmem>>, vector<1x16xf32>,
    %swap3A_87 = vector.shape_cast %swap3A_86 : vector<1x16xf32> to vector<16xf32>
    %swap3A_88 = vector.shape_cast %sub3A_82 : vector<16xf32> to vector<1x16xf32>
    tpu.vector_store %arg15[%swap3A_84, %swap3A_85], %swap3A_88 {strides = array<i32>} : memref<32x64xf32, #tpu.memory_space<vmem>>, vector<1x16xf32>,
    %mul3A_89 = arith.mulf %get3A_74, %get3A_69 : vector<16xf32>
    %mul3A_90 = arith.mulf %get3A_79, %get3A_64 : vector<16xf32>
    %add3A_91 = arith.addf %mul3A_89, %mul3A_90 : vector<16xf32>
    %swap3A_92 = arith.constant 0 : i32
    %swap3A_93 = arith.index_cast %swap3A_92 : i32 to index
    %swap3A_94 = arith.constant 48 : index
    %swap3A_95 = tpu.vector_load %arg15[%swap3A_93, %swap3A_94] {strides = array<i32>} : memref<32x64xf32, #tpu.memory_space<vmem>>, vector<1x16xf32>,
    %swap3A_96 = vector.shape_cast %swap3A_95 : vector<1x16xf32> to vector<16xf32>
    %swap3A_97 = vector.shape_cast %add3A_91 : vector<16xf32> to vector<1x16xf32>
    tpu.vector_store %arg15[%swap3A_93, %swap3A_94], %swap3A_97 {strides = array<i32>} : memref<32x64xf32, #tpu.memory_space<vmem>>, vector<1x16xf32>,
    %get3A_98 = arith.constant 1 : i32
    %get3A_99 = arith.index_cast %get3A_98 : i32 to index
    %get3A_100 = arith.constant 0 : index
    %get3A_101 = tpu.vector_load %arg11[%get3A_99, %get3A_100] {strides = array<i32>} : memref<32x32xf32, #tpu.memory_space<vmem>>, vector<1x16xf32>,
    %get3A_102 = vector.shape_cast %get3A_101 : vector<1x16xf32> to vector<16xf32>
    %get3A_103 = arith.constant 1 : i32
    %get3A_104 = arith.index_cast %get3A_103 : i32 to index
    %get3A_105 = arith.constant 0 : index
    %get3A_106 = tpu.vector_load %arg12[%get3A_104, %get3A_105] {strides = array<i32>} : memref<32x32xf32, #tpu.memory_space<vmem>>, vector<1x16xf32>,
    %get3A_107 = vector.shape_cast %get3A_106 : vector<1x16xf32> to vector<16xf32>
    %get3A_108 = arith.constant 1 : i32
    %get3A_109 = arith.index_cast %get3A_108 : i32 to index
    %get3A_110 = arith.constant 0 : index
    %get3A_111 = tpu.vector_load %arg13[%get3A_109, %get3A_110] {strides = array<i32>} : memref<32x32xf32, #tpu.memory_space<vmem>>, vector<1x16xf32>,
    %get3A_112 = vector.shape_cast %get3A_111 : vector<1x16xf32> to vector<16xf32>
    %get3A_113 = arith.constant 1 : i32
    %get3A_114 = arith.index_cast %get3A_113 : i32 to index
    %get3A_115 = arith.constant 0 : index
    %get3A_116 = tpu.vector_load %arg14[%get3A_114, %get3A_115] {strides = array<i32>} : memref<32x32xf32, #tpu.memory_space<vmem>>, vector<1x16xf32>,
    %get3A_117 = vector.shape_cast %get3A_116 : vector<1x16xf32> to vector<16xf32>
    %mul3A_118 = arith.mulf %get3A_112, %get3A_102 : vector<16xf32>
    %mul3A_119 = arith.mulf %get3A_117, %get3A_107 : vector<16xf32>
    %sub3A_120 = arith.subf %mul3A_118, %mul3A_119 : vector<16xf32>
    %swap3A_121 = arith.constant 1 : i32
    %swap3A_122 = arith.index_cast %swap3A_121 : i32 to index
    %swap3A_123 = arith.constant 0 : index
    %swap3A_124 = tpu.vector_load %arg15[%swap3A_122, %swap3A_123] {strides = array<i32>} : memref<32x64xf32, #tpu.memory_space<vmem>>, vector<1x16xf32>,
    %swap3A_125 = vector.shape_cast %swap3A_124 : vector<1x16xf32> to vector<16xf32>
    %swap3A_126 = vector.shape_cast %sub3A_120 : vector<16xf32> to vector<1x16xf32>
    tpu.vector_store %arg15[%swap3A_122, %swap3A_123], %swap3A_126 {strides = array<i32>} : memref<32x64xf32, #tpu.memory_space<vmem>>, vector<1x16xf32>,
    %mul3A_127 = arith.mulf %get3A_112, %get3A_107 : vector<16xf32>
    %mul3A_128 = arith.mulf %get3A_117, %get3A_102 : vector<16xf32>
    %add3A_129 = arith.addf %mul3A_127, %mul3A_128 : vector<16xf32>
    %swap3A_130 = arith.constant 1 : i32
    %swap3A_131 = arith.index_cast %swap3A_130 : i32 to index
    %swap3A_132 = arith.constant 32 : index
    %swap3A_133 = tpu.vector_load %arg15[%swap3A_131, %swap3A_132] {strides = array<i32>} : memref<32x64xf32, #tpu.memory_space<vmem>>, vector<1x16xf32>,
    %swap3A_134 = vector.shape_cast %swap3A_133 : vector<1x16xf32> to vector<16xf32>
    %swap3A_135 = vector.shape_cast %add3A_129 : vector<16xf32> to vector<1x16xf32>
    tpu.vector_store %arg15[%swap3A_131, %swap3A_132], %swap3A_135 {strides = array<i32>} : memref<32x64xf32, #tpu.memory_space<vmem>>, vector<1x16xf32>,
    %get3A_136 = arith.constant 1 : i32
    %get3A_137 = arith.index_cast %get3A_136 : i32 to index
    %get3A_138 = arith.constant 16 : index
    %get3A_139 = tpu.vector_load %arg11[%get3A_137, %get3A_138] {strides = array<i32>} : memref<32x32xf32, #tpu.memory_space<vmem>>, vector<1x16xf32>,
    %get3A_140 = vector.shape_cast %get3A_139 : vector<1x16xf32> to vector<16xf32>
    %get3A_141 = arith.constant 1 : i32
    %get3A_142 = arith.index_cast %get3A_141 : i32 to index
    %get3A_143 = arith.constant 16 : index
    %get3A_144 = tpu.vector_load %arg12[%get3A_142, %get3A_143] {strides = array<i32>} : memref<32x32xf32, #tpu.memory_space<vmem>>, vector<1x16xf32>,
    %get3A_145 = vector.shape_cast %get3A_144 : vector<1x16xf32> to vector<16xf32>
    %get3A_146 = arith.constant 1 : i32
    %get3A_147 = arith.index_cast %get3A_146 : i32 to index
    %get3A_148 = arith.constant 16 : index
    %get3A_149 = tpu.vector_load %arg13[%get3A_147, %get3A_148] {strides = array<i32>} : memref<32x32xf32, #tpu.memory_space<vmem>>, vector<1x16xf32>,
    %get3A_150 = vector.shape_cast %get3A_149 : vector<1x16xf32> to vector<16xf32>
    %get3A_151 = arith.constant 1 : i32
    %get3A_152 = arith.index_cast %get3A_151 : i32 to index
    %get3A_153 = arith.constant 16 : index
    %get3A_154 = tpu.vector_load %arg14[%get3A_152, %get3A_153] {strides = array<i32>} : memref<32x32xf32, #tpu.memory_space<vmem>>, vector<1x16xf32>,
    %get3A_155 = vector.shape_cast %get3A_154 : vector<1x16xf32> to vector<16xf32>
    %mul3A_156 = arith.mulf %get3A_150, %get3A_140 : vector<16xf32>
    %mul3A_157 = arith.mulf %get3A_155, %get3A_145 : vector<16xf32>
    %sub3A_158 = arith.subf %mul3A_156, %mul3A_157 : vector<16xf32>
    %swap3A_159 = arith.constant 1 : i32
    %swap3A_160 = arith.index_cast %swap3A_159 : i32 to index
    %swap3A_161 = arith.constant 16 : index
    %swap3A_162 = tpu.vector_load %arg15[%swap3A_160, %swap3A_161] {strides = array<i32>} : memref<32x64xf32, #tpu.memory_space<vmem>>, vector<1x16xf32>,
    %swap3A_163 = vector.shape_cast %swap3A_162 : vector<1x16xf32> to vector<16xf32>
    %swap3A_164 = vector.shape_cast %sub3A_158 : vector<16xf32> to vector<1x16xf32>
    tpu.vector_store %arg15[%swap3A_160, %swap3A_161], %swap3A_164 {strides = array<i32>} : memref<32x64xf32, #tpu.memory_space<vmem>>, vector<1x16xf32>,
    %mul3A_165 = arith.mulf %get3A_150, %get3A_145 : vector<16xf32>
    %mul3A_166 = arith.mulf %get3A_155, %get3A_140 : vector<16xf32>
    %add3A_167 = arith.addf %mul3A_165, %mul3A_166 : vector<16xf32>
    %swap3A_168 = arith.constant 1 : i32
    %swap3A_169 = arith.index_cast %swap3A_168 : i32 to index
    %swap3A_170 = arith.constant 48 : index
    %swap3A_171 = tpu.vector_load %arg15[%swap3A_169, %swap3A_170] {strides = array<i32>} : memref<32x64xf32, #tpu.memory_space<vmem>>, vector<1x16xf32>,
    %swap3A_172 = vector.shape_cast %swap3A_171 : vector<1x16xf32> to vector<16xf32>
    %swap3A_173 = vector.shape_cast %add3A_167 : vector<16xf32> to vector<1x16xf32>
    tpu.vector_store %arg15[%swap3A_169, %swap3A_170], %swap3A_173 {strides = array<i32>} : memref<32x64xf32, #tpu.memory_space<vmem>>, vector<1x16xf32>,
    %get3A_174 = arith.constant 2 : i32
    %get3A_175 = arith.index_cast %get3A_174 : i32 to index
    %get3A_176 = arith.constant 0 : index
    %get3A_177 = tpu.vector_load %arg11[%get3A_175, %get3A_176] {strides = array<i32>} : memref<32x32xf32, #tpu.memory_space<vmem>>, vector<1x16xf32>,
    %get3A_178 = vector.shape_cast %get3A_177 : vector<1x16xf32> to vector<16xf32>
    %get3A_179 = arith.constant 2 : i32
    %get3A_180 = arith.index_cast %get3A_179 : i32 to index
    %get3A_181 = arith.constant 0 : index
    %get3A_182 = tpu.vector_load %arg12[%get3A_180, %get3A_181] {strides = array<i32>} : memref<32x32xf32, #tpu.memory_space<vmem>>, vector<1x16xf32>,
    %get3A_183 = vector.shape_cast %get3A_182 : vector<1x16xf32> to vector<16xf32>
    %get3A_184 = arith.constant 2 : i32
    %get3A_185 = arith.index_cast %get3A_184 : i32 to index
    %get3A_186 = arith.constant 0 : index
    %get3A_187 = tpu.vector_load %arg13[%get3A_185, %get3A_186] {strides = array<i32>} : memref<32x32xf32, #tpu.memory_space<vmem>>, vector<1x16xf32>,
    %get3A_188 = vector.shape_cast %get3A_187 : vector<1x16xf32> to vector<16xf32>
    %get3A_189 = arith.constant 2 : i32
    %get3A_190 = arith.index_cast %get3A_189 : i32 to index
    %get3A_191 = arith.constant 0 : index
    %get3A_192 = tpu.vector_load %arg14[%get3A_190, %get3A_191] {strides = array<i32>} : memref<32x32xf32, #tpu.memory_space<vmem>>, vector<1x16xf32>,
    %get3A_193 = vector.shape_cast %get3A_192 : vector<1x16xf32> to vector<16xf32>
    %mul3A_194 = arith.mulf %get3A_188, %get3A_178 : vector<16xf32>
    %mul3A_195 = arith.mulf %get3A_193, %get3A_183 : vector<16xf32>
    %sub3A_196 = arith.subf %mul3A_194, %mul3A_195 : vector<16xf32>
    %swap3A_197 = arith.constant 2 : i32
    %swap3A_198 = arith.index_cast %swap3A_197 : i32 to index
    %swap3A_199 = arith.constant 0 : index
    %swap3A_200 = tpu.vector_load %arg15[%swap3A_198, %swap3A_199] {strides = array<i32>} : memref<32x64xf32, #tpu.memory_space<vmem>>, vector<1x16xf32>,
    %swap3A_201 = vector.shape_cast %swap3A_200 : vector<1x16xf32> to vector<16xf32>
    %swap3A_202 = vector.shape_cast %sub3A_196 : vector<16xf32> to vector<1x16xf32>
    tpu.vector_store %arg15[%swap3A_198, %swap3A_199], %swap3A_202 {strides = array<i32>} : memref<32x64xf32, #tpu.memory_space<vmem>>, vector<1x16xf32>,
    %mul3A_203 = arith.mulf %get3A_188, %get3A_183 : vector<16xf32>
    %mul3A_204 = arith.mulf %get3A_193, %get3A_178 : vector<16xf32>
    %add3A_205 = arith.addf %mul3A_203, %mul3A_204 : vector<16xf32>
    %swap3A_206 = arith.constant 2 : i32
    %swap3A_207 = arith.index_cast %swap3A_206 : i32 to index
    %swap3A_208 = arith.constant 32 : index
    %swap3A_209 = tpu.vector_load %arg15[%swap3A_207, %swap3A_208] {strides = array<i32>} : memref<32x64xf32, #tpu.memory_space<vmem>>, vector<1x16xf32>,
    %swap3A_210 = vector.shape_cast %swap3A_209 : vector<1x16xf32> to vector<16xf32>
    %swap3A_211 = vector.shape_cast %add3A_205 : vector<16xf32> to vector<1x16xf32>
    tpu.vector_store %arg15[%swap3A_207, %swap3A_208], %swap3A_211 {strides = array<i32>} : memref<32x64xf32, #tpu.memory_space<vmem>>, vector<1x16xf32>,
    %get3A_212 = arith.constant 2 : i32
    %get3A_213 = arith.index_cast %get3A_212 : i32 to index
    %get3A_214 = arith.constant 16 : index
    %get3A_215 = tpu.vector_load %arg11[%get3A_213, %get3A_214] {strides = array<i32>} : memref<32x32xf32, #tpu.memory_space<vmem>>, vector<1x16xf32>,
    %get3A_216 = vector.shape_cast %get3A_215 : vector<1x16xf32> to vector<16xf32>
    %get3A_217 = arith.constant 2 : i32
    %get3A_218 = arith.index_cast %get3A_217 : i32 to index
    %get3A_219 = arith.constant 16 : index
    %get3A_220 = tpu.vector_load %arg12[%get3A_218, %get3A_219] {strides = array<i32>} : memref<32x32xf32, #tpu.memory_space<vmem>>, vector<1x16xf32>,
    %get3A_221 = vector.shape_cast %get3A_220 : vector<1x16xf32> to vector<16xf32>
    %get3A_222 = arith.constant 2 : i32
    %get3A_223 = arith.index_cast %get3A_222 : i32 to index
    %get3A_224 = arith.constant 16 : index
    %get3A_225 = tpu.vector_load %arg13[%get3A_223, %get3A_224] {strides = array<i32>} : memref<32x32xf32, #tpu.memory_space<vmem>>, vector<1x16xf32>,
    %get3A_226 = vector.shape_cast %get3A_225 : vector<1x16xf32> to vector<16xf32>
    %get3A_227 = arith.constant 2 : i32
    %get3A_228 = arith.index_cast %get3A_227 : i32 to index
    %get3A_229 = arith.constant 16 : index
    %get3A_230 = tpu.vector_load %arg14[%get3A_228, %get3A_229] {strides = array<i32>} : memref<32x32xf32, #tpu.memory_space<vmem>>, vector<1x16xf32>,
    %get3A_231 = vector.shape_cast %get3A_230 : vector<1x16xf32> to vector<16xf32>
    %mul3A_232 = arith.mulf %get3A_226, %get3A_216 : vector<16xf32>
    %mul3A_233 = arith.mulf %get3A_231, %get3A_221 : vector<16xf32>
    %sub3A_234 = arith.subf %mul3A_232, %mul3A_233 : vector<16xf32>
    %swap3A_235 = arith.constant 2 : i32
    %swap3A_236 = arith.index_cast %swap3A_235 : i32 to index
    %swap3A_237 = arith.constant 16 : index
    %swap3A_238 = tpu.vector_load %arg15[%swap3A_236, %swap3A_237] {strides = array<i32>} : memref<32x64xf32, #tpu.memory_space<vmem>>, vector<1x16xf32>,
    %swap3A_239 = vector.shape_cast %swap3A_238 : vector<1x16xf32> to vector<16xf32>
    %swap3A_240 = vector.shape_cast %sub3A_234 : vector<16xf32> to vector<1x16xf32>
    tpu.vector_store %arg15[%swap3A_236, %swap3A_237], %swap3A_240 {strides = array<i32>} : memref<32x64xf32, #tpu.memory_space<vmem>>, vector<1x16xf32>,
    %mul3A_241 = arith.mulf %get3A_226, %get3A_221 : vector<16xf32>
    %mul3A_242 = arith.mulf %get3A_231, %get3A_216 : vector<16xf32>
    %add3A_243 = arith.addf %mul3A_241, %mul3A_242 : vector<16xf32>
    %swap3A_244 = arith.constant 2 : i32
    %swap3A_245 = arith.index_cast %swap3A_244 : i32 to index
    %swap3A_246 = arith.constant 48 : index
    %swap3A_247 = tpu.vector_load %arg15[%swap3A_245, %swap3A_246] {strides = array<i32>} : memref<32x64xf32, #tpu.memory_space<vmem>>, vector<1x16xf32>,
    %swap3A_248 = vector.shape_cast %swap3A_247 : vector<1x16xf32> to vector<16xf32>
    %swap3A_249 = vector.shape_cast %add3A_243 : vector<16xf32> to vector<1x16xf32>
    tpu.vector_store %arg15[%swap3A_245, %swap3A_246], %swap3A_249 {strides = array<i32>} : memref<32x64xf32, #tpu.memory_space<vmem>>, vector<1x16xf32>,
    %get3A_250 = arith.constant 3 : i32
    %get3A_251 = arith.index_cast %get3A_250 : i32 to index
    %get3A_252 = arith.constant 0 : index
    %get3A_253 = tpu.vector_load %arg11[%get3A_251, %get3A_252] {strides = array<i32>} : memref<32x32xf32, #tpu.memory_space<vmem>>, vector<1x16xf32>,
    %get3A_254 = vector.shape_cast %get3A_253 : vector<1x16xf32> to vector<16xf32>
    %get3A_255 = arith.constant 3 : i32
    %get3A_256 = arith.index_cast %get3A_255 : i32 to index
    %get3A_257 = arith.constant 0 : index
    %get3A_258 = tpu.vector_load %arg12[%get3A_256, %get3A_257] {strides = array<i32>} : memref<32x32xf32, #tpu.memory_space<vmem>>, vector<1x16xf32>,
    %get3A_259 = vector.shape_cast %get3A_258 : vector<1x16xf32> to vector<16xf32>
    %get3A_260 = arith.constant 3 : i32
    %get3A_261 = arith.index_cast %get3A_260 : i32 to index
    %get3A_262 = arith.constant 0 : index
    %get3A_263 = tpu.vector_load %arg13[%get3A_261, %get3A_262] {strides = array<i32>} : memref<32x32xf32, #tpu.memory_space<vmem>>, vector<1x16xf32>,
    %get3A_264 = vector.shape_cast %get3A_263 : vector<1x16xf32> to vector<16xf32>
    %get3A_265 = arith.constant 3 : i32
    %get3A_266 = arith.index_cast %get3A_265 : i32 to index
    %get3A_267 = arith.constant 0 : index
    %get3A_268 = tpu.vector_load %arg14[%get3A_266, %get3A_267] {strides = array<i32>} : memref<32x32xf32, #tpu.memory_space<vmem>>, vector<1x16xf32>,
    %get3A_269 = vector.shape_cast %get3A_268 : vector<1x16xf32> to vector<16xf32>
    %mul3A_270 = arith.mulf %get3A_264, %get3A_254 : vector<16xf32>
    %mul3A_271 = arith.mulf %get3A_269, %get3A_259 : vector<16xf32>
    %sub3A_272 = arith.subf %mul3A_270, %mul3A_271 : vector<16xf32>
    %swap3A_273 = arith.constant 3 : i32
    %swap3A_274 = arith.index_cast %swap3A_273 : i32 to index
    %swap3A_275 = arith.constant 0 : index
    %swap3A_276 = tpu.vector_load %arg15[%swap3A_274, %swap3A_275] {strides = array<i32>} : memref<32x64xf32, #tpu.memory_space<vmem>>, vector<1x16xf32>,
    %swap3A_277 = vector.shape_cast %swap3A_276 : vector<1x16xf32> to vector<16xf32>
    %swap3A_278 = vector.shape_cast %sub3A_272 : vector<16xf32> to vector<1x16xf32>
    tpu.vector_store %arg15[%swap3A_274, %swap3A_275], %swap3A_278 {strides = array<i32>} : memref<32x64xf32, #tpu.memory_space<vmem>>, vector<1x16xf32>,
    %mul3A_279 = arith.mulf %get3A_264, %get3A_259 : vector<16xf32>
    %mul3A_280 = arith.mulf %get3A_269, %get3A_254 : vector<16xf32>
    %add3A_281 = arith.addf %mul3A_279, %mul3A_280 : vector<16xf32>
    %swap3A_282 = arith.constant 3 : i32
    %swap3A_283 = arith.index_cast %swap3A_282 : i32 to index
    %swap3A_284 = arith.constant 32 : index
    %swap3A_285 = tpu.vector_load %arg15[%swap3A_283, %swap3A_284] {strides = array<i32>} : memref<32x64xf32, #tpu.memory_space<vmem>>, vector<1x16xf32>,
    %swap3A_286 = vector.shape_cast %swap3A_285 : vector<1x16xf32> to vector<16xf32>
    %swap3A_287 = vector.shape_cast %add3A_281 : vector<16xf32> to vector<1x16xf32>
    tpu.vector_store %arg15[%swap3A_283, %swap3A_284], %swap3A_287 {strides = array<i32>} : memref<32x64xf32, #tpu.memory_space<vmem>>, vector<1x16xf32>,
    %get3A_288 = arith.constant 3 : i32
    %get3A_289 = arith.index_cast %get3A_288 : i32 to index
    %get3A_290 = arith.constant 16 : index
    %get3A_291 = tpu.vector_load %arg11[%get3A_289, %get3A_290] {strides = array<i32>} : memref<32x32xf32, #tpu.memory_space<vmem>>, vector<1x16xf32>,
    %get3A_292 = vector.shape_cast %get3A_291 : vector<1x16xf32> to vector<16xf32>
    %get3A_293 = arith.constant 3 : i32
    %get3A_294 = arith.index_cast %get3A_293 : i32 to index
    %get3A_295 = arith.constant 16 : index
    %get3A_296 = tpu.vector_load %arg12[%get3A_294, %get3A_295] {strides = array<i32>} : memref<32x32xf32, #tpu.memory_space<vmem>>, vector<1x16xf32>,
    %get3A_297 = vector.shape_cast %get3A_296 : vector<1x16xf32> to vector<16xf32>
    %get3A_298 = arith.constant 3 : i32
    %get3A_299 = arith.index_cast %get3A_298 : i32 to index
    %get3A_300 = arith.constant 16 : index
    %get3A_301 = tpu.vector_load %arg13[%get3A_299, %get3A_300] {strides = array<i32>} : memref<32x32xf32, #tpu.memory_space<vmem>>, vector<1x16xf32>,
    %get3A_302 = vector.shape_cast %get3A_301 : vector<1x16xf32> to vector<16xf32>
    %get3A_303 = arith.constant 3 : i32
    %get3A_304 = arith.index_cast %get3A_303 : i32 to index
    %get3A_305 = arith.constant 16 : index
    %get3A_306 = tpu.vector_load %arg14[%get3A_304, %get3A_305] {strides = array<i32>} : memref<32x32xf32, #tpu.memory_space<vmem>>, vector<1x16xf32>,
    %get3A_307 = vector.shape_cast %get3A_306 : vector<1x16xf32> to vector<16xf32>
    %mul3A_308 = arith.mulf %get3A_302, %get3A_292 : vector<16xf32>
    %mul3A_309 = arith.mulf %get3A_307, %get3A_297 : vector<16xf32>
    %sub3A_310 = arith.subf %mul3A_308, %mul3A_309 : vector<16xf32>
    %swap3A_311 = arith.constant 3 : i32
    %swap3A_312 = arith.index_cast %swap3A_311 : i32 to index
    %swap3A_313 = arith.constant 16 : index
    %swap3A_314 = tpu.vector_load %arg15[%swap3A_312, %swap3A_313] {strides = array<i32>} : memref<32x64xf32, #tpu.memory_space<vmem>>, vector<1x16xf32>,
    %swap3A_315 = vector.shape_cast %swap3A_314 : vector<1x16xf32> to vector<16xf32>
    %swap3A_316 = vector.shape_cast %sub3A_310 : vector<16xf32> to vector<1x16xf32>
    tpu.vector_store %arg15[%swap3A_312, %swap3A_313], %swap3A_316 {strides = array<i32>} : memref<32x64xf32, #tpu.memory_space<vmem>>, vector<1x16xf32>,
    %mul3A_317 = arith.mulf %get3A_302, %get3A_297 : vector<16xf32>
    %mul3A_318 = arith.mulf %get3A_307, %get3A_292 : vector<16xf32>
    %add3A_319 = arith.addf %mul3A_317, %mul3A_318 : vector<16xf32>
    %swap3A_320 = arith.constant 3 : i32
    %swap3A_321 = arith.index_cast %swap3A_320 : i32 to index
    %swap3A_322 = arith.constant 48 : index
    %swap3A_323 = tpu.vector_load %arg15[%swap3A_321, %swap3A_322] {strides = array<i32>} : memref<32x64xf32, #tpu.memory_space<vmem>>, vector<1x16xf32>,
    %swap3A_324 = vector.shape_cast %swap3A_323 : vector<1x16xf32> to vector<16xf32>
    %swap3A_325 = vector.shape_cast %add3A_319 : vector<16xf32> to vector<1x16xf32>
    tpu.vector_store %arg15[%swap3A_321, %swap3A_322], %swap3A_325 {strides = array<i32>} : memref<32x64xf32, #tpu.memory_space<vmem>>, vector<1x16xf32>,
    %get3A_326 = arith.constant 4 : i32
    %get3A_327 = arith.index_cast %get3A_326 : i32 to index
    %get3A_328 = arith.constant 0 : index
    %get3A_329 = tpu.vector_load %arg11[%get3A_327, %get3A_328] {strides = array<i32>} : memref<32x32xf32, #tpu.memory_space<vmem>>, vector<1x16xf32>,
    %get3A_330 = vector.shape_cast %get3A_329 : vector<1x16xf32> to vector<16xf32>
    %get3A_331 = arith.constant 4 : i32
    %get3A_332 = arith.index_cast %get3A_331 : i32 to index
    %get3A_333 = arith.constant 0 : index
    %get3A_334 = tpu.vector_load %arg12[%get3A_332, %get3A_333] {strides = array<i32>} : memref<32x32xf32, #tpu.memory_space<vmem>>, vector<1x16xf32>,
    %get3A_335 = vector.shape_cast %get3A_334 : vector<1x16xf32> to vector<16xf32>
    %get3A_336 = arith.constant 4 : i32
    %get3A_337 = arith.index_cast %get3A_336 : i32 to index
    %get3A_338 = arith.constant 0 : index
    %get3A_339 = tpu.vector_load %arg13[%get3A_337, %get3A_338] {strides = array<i32>} : memref<32x32xf32, #tpu.memory_space<vmem>>, vector<1x16xf32>,
    %get3A_340 = vector.shape_cast %get3A_339 : vector<1x16xf32> to vector<16xf32>
    %get3A_341 = arith.constant 4 : i32
    %get3A_342 = arith.index_cast %get3A_341 : i32 to index
    %get3A_343 = arith.constant 0 : index
    %get3A_344 = tpu.vector_load %arg14[%get3A_342, %get3A_343] {strides = array<i32>} : memref<32x32xf32, #tpu.memory_space<vmem>>, vector<1x16xf32>,
    %get3A_345 = vector.shape_cast %get3A_344 : vector<1x16xf32> to vector<16xf32>
    %mul3A_346 = arith.mulf %get3A_340, %get3A_330 : vector<16xf32>
    %mul3A_347 = arith.mulf %get3A_345, %get3A_335 : vector<16xf32>
    %sub3A_348 = arith.subf %mul3A_346, %mul3A_347 : vector<16xf32>
    %swap3A_349 = arith.constant 4 : i32
    %swap3A_350 = arith.index_cast %swap3A_349 : i32 to index
    %swap3A_351 = arith.constant 0 : index
    %swap3A_352 = tpu.vector_load %arg15[%swap3A_350, %swap3A_351] {strides = array<i32>} : memref<32x64xf32, #tpu.memory_space<vmem>>, vector<1x16xf32>,
    %swap3A_353 = vector.shape_cast %swap3A_352 : vector<1x16xf32> to vector<16xf32>
    %swap3A_354 = vector.shape_cast %sub3A_348 : vector<16xf32> to vector<1x16xf32>
    tpu.vector_store %arg15[%swap3A_350, %swap3A_351], %swap3A_354 {strides = array<i32>} : memref<32x64xf32, #tpu.memory_space<vmem>>, vector<1x16xf32>,
    %mul3A_355 = arith.mulf %get3A_340, %get3A_335 : vector<16xf32>
    %mul3A_356 = arith.mulf %get3A_345, %get3A_330 : vector<16xf32>
    %add3A_357 = arith.addf %mul3A_355, %mul3A_356 : vector<16xf32>
    %swap3A_358 = arith.constant 4 : i32
    %swap3A_359 = arith.index_cast %swap3A_358 : i32 to index
    %swap3A_360 = arith.constant 32 : index
    %swap3A_361 = tpu.vector_load %arg15[%swap3A_359, %swap3A_360] {strides = array<i32>} : memref<32x64xf32, #tpu.memory_space<vmem>>, vector<1x16xf32>,
    %swap3A_362 = vector.shape_cast %swap3A_361 : vector<1x16xf32> to vector<16xf32>
    %swap3A_363 = vector.shape_cast %add3A_357 : vector<16xf32> to vector<1x16xf32>
    tpu.vector_store %arg15[%swap3A_359, %swap3A_360], %swap3A_363 {strides = array<i32>} : memref<32x64xf32, #tpu.memory_space<vmem>>, vector<1x16xf32>,
    %get3A_364 = arith.constant 4 : i32
    %get3A_365 = arith.index_cast %get3A_364 : i32 to index
    %get3A_366 = arith.constant 16 : index
    %get3A_367 = tpu.vector_load %arg11[%get3A_365, %get3A_366] {strides = array<i32>} : memref<32x32xf32, #tpu.memory_space<vmem>>, vector<1x16xf32>,
    %get3A_368 = vector.shape_cast %get3A_367 : vector<1x16xf32> to vector<16xf32>
    %get3A_369 = arith.constant 4 : i32
    %get3A_370 = arith.index_cast %get3A_369 : i32 to index
    %get3A_371 = arith.constant 16 : index
    %get3A_372 = tpu.vector_load %arg12[%get3A_370, %get3A_371] {strides = array<i32>} : memref<32x32xf32, #tpu.memory_space<vmem>>, vector<1x16xf32>,
    %get3A_373 = vector.shape_cast %get3A_372 : vector<1x16xf32> to vector<16xf32>
    %get3A_374 = arith.constant 4 : i32
    %get3A_375 = arith.index_cast %get3A_374 : i32 to index
    %get3A_376 = arith.constant 16 : index
    %get3A_377 = tpu.vector_load %arg13[%get3A_375, %get3A_376] {strides = array<i32>} : memref<32x32xf32, #tpu.memory_space<vmem>>, vector<1x16xf32>,
    %get3A_378 = vector.shape_cast %get3A_377 : vector<1x16xf32> to vector<16xf32>
    %get3A_379 = arith.constant 4 : i32
    %get3A_380 = arith.index_cast %get3A_379 : i32 to index
    %get3A_381 = arith.constant 16 : index
    %get3A_382 = tpu.vector_load %arg14[%get3A_380, %get3A_381] {strides = array<i32>} : memref<32x32xf32, #tpu.memory_space<vmem>>, vector<1x16xf32>,
    %get3A_383 = vector.shape_cast %get3A_382 : vector<1x16xf32> to vector<16xf32>
    %mul3A_384 = arith.mulf %get3A_378, %get3A_368 : vector<16xf32>
    %mul3A_385 = arith.mulf %get3A_383, %get3A_373 : vector<16xf32>
    %sub3A_386 = arith.subf %mul3A_384, %mul3A_385 : vector<16xf32>
    %swap3A_387 = arith.constant 4 : i32
    %swap3A_388 = arith.index_cast %swap3A_387 : i32 to index
    %swap3A_389 = arith.constant 16 : index
    %swap3A_390 = tpu.vector_load %arg15[%swap3A_388, %swap3A_389] {strides = array<i32>} : memref<32x64xf32, #tpu.memory_space<vmem>>, vector<1x16xf32>,
    %swap3A_391 = vector.shape_cast %swap3A_390 : vector<1x16xf32> to vector<16xf32>
    %swap3A_392 = vector.shape_cast %sub3A_386 : vector<16xf32> to vector<1x16xf32>
    tpu.vector_store %arg15[%swap3A_388, %swap3A_389], %swap3A_392 {strides = array<i32>} : memref<32x64xf32, #tpu.memory_space<vmem>>, vector<1x16xf32>,
    %mul3A_393 = arith.mulf %get3A_378, %get3A_373 : vector<16xf32>
    %mul3A_394 = arith.mulf %get3A_383, %get3A_368 : vector<16xf32>
    %add3A_395 = arith.addf %mul3A_393, %mul3A_394 : vector<16xf32>
    %swap3A_396 = arith.constant 4 : i32
    %swap3A_397 = arith.index_cast %swap3A_396 : i32 to index
    %swap3A_398 = arith.constant 48 : index
    %swap3A_399 = tpu.vector_load %arg15[%swap3A_397, %swap3A_398] {strides = array<i32>} : memref<32x64xf32, #tpu.memory_space<vmem>>, vector<1x16xf32>,
    %swap3A_400 = vector.shape_cast %swap3A_399 : vector<1x16xf32> to vector<16xf32>
    %swap3A_401 = vector.shape_cast %add3A_395 : vector<16xf32> to vector<1x16xf32>
    tpu.vector_store %arg15[%swap3A_397, %swap3A_398], %swap3A_401 {strides = array<i32>} : memref<32x64xf32, #tpu.memory_space<vmem>>, vector<1x16xf32>,
    %get3A_402 = arith.constant 5 : i32
    %get3A_403 = arith.index_cast %get3A_402 : i32 to index
    %get3A_404 = arith.constant 0 : index
    %get3A_405 = tpu.vector_load %arg11[%get3A_403, %get3A_404] {strides = array<i32>} : memref<32x32xf32, #tpu.memory_space<vmem>>, vector<1x16xf32>,
    %get3A_406 = vector.shape_cast %get3A_405 : vector<1x16xf32> to vector<16xf32>
    %get3A_407 = arith.constant 5 : i32
    %get3A_408 = arith.index_cast %get3A_407 : i32 to index
    %get3A_409 = arith.constant 0 : index
    %get3A_410 = tpu.vector_load %arg12[%get3A_408, %get3A_409] {strides = array<i32>} : memref<32x32xf32, #tpu.memory_space<vmem>>, vector<1x16xf32>,
    %get3A_411 = vector.shape_cast %get3A_410 : vector<1x16xf32> to vector<16xf32>
    %get3A_412 = arith.constant 5 : i32
    %get3A_413 = arith.index_cast %get3A_412 : i32 to index
    %get3A_414 = arith.constant 0 : index
    %get3A_415 = tpu.vector_load %arg13[%get3A_413, %get3A_414] {strides = array<i32>} : memref<32x32xf32, #tpu.memory_space<vmem>>, vector<1x16xf32>,
    %get3A_416 = vector.shape_cast %get3A_415 : vector<1x16xf32> to vector<16xf32>
    %get3A_417 = arith.constant 5 : i32
    %get3A_418 = arith.index_cast %get3A_417 : i32 to index
    %get3A_419 = arith.constant 0 : index
    %get3A_420 = tpu.vector_load %arg14[%get3A_418, %get3A_419] {strides = array<i32>} : memref<32x32xf32, #tpu.memory_space<vmem>>, vector<1x16xf32>,
    %get3A_421 = vector.shape_cast %get3A_420 : vector<1x16xf32> to vector<16xf32>
    %mul3A_422 = arith.mulf %get3A_416, %get3A_406 : vector<16xf32>
    %mul3A_423 = arith.mulf %get3A_421, %get3A_411 : vector<16xf32>
    %sub3A_424 = arith.subf %mul3A_422, %mul3A_423 : vector<16xf32>
    %swap3A_425 = arith.constant 5 : i32
    %swap3A_426 = arith.index_cast %swap3A_425 : i32 to index
    %swap3A_427 = arith.constant 0 : index
    %swap3A_428 = tpu.vector_load %arg15[%swap3A_426, %swap3A_427] {strides = array<i32>} : memref<32x64xf32, #tpu.memory_space<vmem>>, vector<1x16xf32>,
    %swap3A_429 = vector.shape_cast %swap3A_428 : vector<1x16xf32> to vector<16xf32>
    %swap3A_430 = vector.shape_cast %sub3A_424 : vector<16xf32> to vector<1x16xf32>
    tpu.vector_store %arg15[%swap3A_426, %swap3A_427], %swap3A_430 {strides = array<i32>} : memref<32x64xf32, #tpu.memory_space<vmem>>, vector<1x16xf32>,
    %mul3A_431 = arith.mulf %get3A_416, %get3A_411 : vector<16xf32>
    %mul3A_432 = arith.mulf %get3A_421, %get3A_406 : vector<16xf32>
    %add3A_433 = arith.addf %mul3A_431, %mul3A_432 : vector<16xf32>
    %swap3A_434 = arith.constant 5 : i32
    %swap3A_435 = arith.index_cast %swap3A_434 : i32 to index
    %swap3A_436 = arith.constant 32 : index
    %swap3A_437 = tpu.vector_load %arg15[%swap3A_435, %swap3A_436] {strides = array<i32>} : memref<32x64xf32, #tpu.memory_space<vmem>>, vector<1x16xf32>,
    %swap3A_438 = vector.shape_cast %swap3A_437 : vector<1x16xf32> to vector<16xf32>
    %swap3A_439 = vector.shape_cast %add3A_433 : vector<16xf32> to vector<1x16xf32>
    tpu.vector_store %arg15[%swap3A_435, %swap3A_436], %swap3A_439 {strides = array<i32>} : memref<32x64xf32, #tpu.memory_space<vmem>>, vector<1x16xf32>,
    %get3A_440 = arith.constant 5 : i32
    %get3A_441 = arith.index_cast %get3A_440 : i32 to index
    %get3A_442 = arith.constant 16 : index
    %get3A_443 = tpu.vector_load %arg11[%get3A_441, %get3A_442] {strides = array<i32>} : memref<32x32xf32, #tpu.memory_space<vmem>>, vector<1x16xf32>,
    %get3A_444 = vector.shape_cast %get3A_443 : vector<1x16xf32> to vector<16xf32>
    %get3A_445 = arith.constant 5 : i32
    %get3A_446 = arith.index_cast %get3A_445 : i32 to index
    %get3A_447 = arith.constant 16 : index
    %get3A_448 = tpu.vector_load %arg12[%get3A_446, %get3A_447] {strides = array<i32>} : memref<32x32xf32, #tpu.memory_space<vmem>>, vector<1x16xf32>,
    %get3A_449 = vector.shape_cast %get3A_448 : vector<1x16xf32> to vector<16xf32>
    %get3A_450 = arith.constant 5 : i32
    %get3A_451 = arith.index_cast %get3A_450 : i32 to index
    %get3A_452 = arith.constant 16 : index
    %get3A_453 = tpu.vector_load %arg13[%get3A_451, %get3A_452] {strides = array<i32>} : memref<32x32xf32, #tpu.memory_space<vmem>>, vector<1x16xf32>,
    %get3A_454 = vector.shape_cast %get3A_453 : vector<1x16xf32> to vector<16xf32>
    %get3A_455 = arith.constant 5 : i32
    %get3A_456 = arith.index_cast %get3A_455 : i32 to index
    %get3A_457 = arith.constant 16 : index
    %get3A_458 = tpu.vector_load %arg14[%get3A_456, %get3A_457] {strides = array<i32>} : memref<32x32xf32, #tpu.memory_space<vmem>>, vector<1x16xf32>,
    %get3A_459 = vector.shape_cast %get3A_458 : vector<1x16xf32> to vector<16xf32>
    %mul3A_460 = arith.mulf %get3A_454, %get3A_444 : vector<16xf32>
    %mul3A_461 = arith.mulf %get3A_459, %get3A_449 : vector<16xf32>
    %sub3A_462 = arith.subf %mul3A_460, %mul3A_461 : vector<16xf32>
    %swap3A_463 = arith.constant 5 : i32
    %swap3A_464 = arith.index_cast %swap3A_463 : i32 to index
    %swap3A_465 = arith.constant 16 : index
    %swap3A_466 = tpu.vector_load %arg15[%swap3A_464, %swap3A_465] {strides = array<i32>} : memref<32x64xf32, #tpu.memory_space<vmem>>, vector<1x16xf32>,
    %swap3A_467 = vector.shape_cast %swap3A_466 : vector<1x16xf32> to vector<16xf32>
    %swap3A_468 = vector.shape_cast %sub3A_462 : vector<16xf32> to vector<1x16xf32>
    tpu.vector_store %arg15[%swap3A_464, %swap3A_465], %swap3A_468 {strides = array<i32>} : memref<32x64xf32, #tpu.memory_space<vmem>>, vector<1x16xf32>,
    %mul3A_469 = arith.mulf %get3A_454, %get3A_449 : vector<16xf32>
    %mul3A_470 = arith.mulf %get3A_459, %get3A_444 : vector<16xf32>
    %add3A_471 = arith.addf %mul3A_469, %mul3A_470 : vector<16xf32>
    %swap3A_472 = arith.constant 5 : i32
    %swap3A_473 = arith.index_cast %swap3A_472 : i32 to index
    %swap3A_474 = arith.constant 48 : index
    %swap3A_475 = tpu.vector_load %arg15[%swap3A_473, %swap3A_474] {strides = array<i32>} : memref<32x64xf32, #tpu.memory_space<vmem>>, vector<1x16xf32>,
    %swap3A_476 = vector.shape_cast %swap3A_475 : vector<1x16xf32> to vector<16xf32>
    %swap3A_477 = vector.shape_cast %add3A_471 : vector<16xf32> to vector<1x16xf32>
    tpu.vector_store %arg15[%swap3A_473, %swap3A_474], %swap3A_477 {strides = array<i32>} : memref<32x64xf32, #tpu.memory_space<vmem>>, vector<1x16xf32>,
    %get3A_478 = arith.constant 6 : i32
    %get3A_479 = arith.index_cast %get3A_478 : i32 to index
    %get3A_480 = arith.constant 0 : index
    %get3A_481 = tpu.vector_load %arg11[%get3A_479, %get3A_480] {strides = array<i32>} : memref<32x32xf32, #tpu.memory_space<vmem>>, vector<1x16xf32>,
    %get3A_482 = vector.shape_cast %get3A_481 : vector<1x16xf32> to vector<16xf32>
    %get3A_483 = arith.constant 6 : i32
    %get3A_484 = arith.index_cast %get3A_483 : i32 to index
    %get3A_485 = arith.constant 0 : index
    %get3A_486 = tpu.vector_load %arg12[%get3A_484, %get3A_485] {strides = array<i32>} : memref<32x32xf32, #tpu.memory_space<vmem>>, vector<1x16xf32>,
    %get3A_487 = vector.shape_cast %get3A_486 : vector<1x16xf32> to vector<16xf32>
    %get3A_488 = arith.constant 6 : i32
    %get3A_489 = arith.index_cast %get3A_488 : i32 to index
    %get3A_490 = arith.constant 0 : index
    %get3A_491 = tpu.vector_load %arg13[%get3A_489, %get3A_490] {strides = array<i32>} : memref<32x32xf32, #tpu.memory_space<vmem>>, vector<1x16xf32>,
    %get3A_492 = vector.shape_cast %get3A_491 : vector<1x16xf32> to vector<16xf32>
    %get3A_493 = arith.constant 6 : i32
    %get3A_494 = arith.index_cast %get3A_493 : i32 to index
    %get3A_495 = arith.constant 0 : index
    %get3A_496 = tpu.vector_load %arg14[%get3A_494, %get3A_495] {strides = array<i32>} : memref<32x32xf32, #tpu.memory_space<vmem>>, vector<1x16xf32>,
    %get3A_497 = vector.shape_cast %get3A_496 : vector<1x16xf32> to vector<16xf32>
    %mul3A_498 = arith.mulf %get3A_492, %get3A_482 : vector<16xf32>
    %mul3A_499 = arith.mulf %get3A_497, %get3A_487 : vector<16xf32>
    %sub3A_500 = arith.subf %mul3A_498, %mul3A_499 : vector<16xf32>
    %swap3A_501 = arith.constant 6 : i32
    %swap3A_502 = arith.index_cast %swap3A_501 : i32 to index
    %swap3A_503 = arith.constant 0 : index
    %swap3A_504 = tpu.vector_load %arg15[%swap3A_502, %swap3A_503] {strides = array<i32>} : memref<32x64xf32, #tpu.memory_space<vmem>>, vector<1x16xf32>,
    %swap3A_505 = vector.shape_cast %swap3A_504 : vector<1x16xf32> to vector<16xf32>
    %swap3A_506 = vector.shape_cast %sub3A_500 : vector<16xf32> to vector<1x16xf32>
    tpu.vector_store %arg15[%swap3A_502, %swap3A_503], %swap3A_506 {strides = array<i32>} : memref<32x64xf32, #tpu.memory_space<vmem>>, vector<1x16xf32>,
    %mul3A_507 = arith.mulf %get3A_492, %get3A_487 : vector<16xf32>
    %mul3A_508 = arith.mulf %get3A_497, %get3A_482 : vector<16xf32>
    %add3A_509 = arith.addf %mul3A_507, %mul3A_508 : vector<16xf32>
    %swap3A_510 = arith.constant 6 : i32
    %swap3A_511 = arith.index_cast %swap3A_510 : i32 to index
    %swap3A_512 = arith.constant 32 : index
    %swap3A_513 = tpu.vector_load %arg15[%swap3A_511, %swap3A_512] {strides = array<i32>} : memref<32x64xf32, #tpu.memory_space<vmem>>, vector<1x16xf32>,
    %swap3A_514 = vector.shape_cast %swap3A_513 : vector<1x16xf32> to vector<16xf32>
    %swap3A_515 = vector.shape_cast %add3A_509 : vector<16xf32> to vector<1x16xf32>
    tpu.vector_store %arg15[%swap3A_511, %swap3A_512], %swap3A_515 {strides = array<i32>} : memref<32x64xf32, #tpu.memory_space<vmem>>, vector<1x16xf32>,
    %get3A_516 = arith.constant 6 : i32
    %get3A_517 = arith.index_cast %get3A_516 : i32 to index
    %get3A_518 = arith.constant 16 : index
    %get3A_519 = tpu.vector_load %arg11[%get3A_517, %get3A_518] {strides = array<i32>} : memref<32x32xf32, #tpu.memory_space<vmem>>, vector<1x16xf32>,
    %get3A_520 = vector.shape_cast %get3A_519 : vector<1x16xf32> to vector<16xf32>
    %get3A_521 = arith.constant 6 : i32
    %get3A_522 = arith.index_cast %get3A_521 : i32 to index
    %get3A_523 = arith.constant 16 : index
    %get3A_524 = tpu.vector_load %arg12[%get3A_522, %get3A_523] {strides = array<i32>} : memref<32x32xf32, #tpu.memory_space<vmem>>, vector<1x16xf32>,
    %get3A_525 = vector.shape_cast %get3A_524 : vector<1x16xf32> to vector<16xf32>
    %get3A_526 = arith.constant 6 : i32
    %get3A_527 = arith.index_cast %get3A_526 : i32 to index
    %get3A_528 = arith.constant 16 : index
    %get3A_529 = tpu.vector_load %arg13[%get3A_527, %get3A_528] {strides = array<i32>} : memref<32x32xf32, #tpu.memory_space<vmem>>, vector<1x16xf32>,
    %get3A_530 = vector.shape_cast %get3A_529 : vector<1x16xf32> to vector<16xf32>
    %get3A_531 = arith.constant 6 : i32
    %get3A_532 = arith.index_cast %get3A_531 : i32 to index
    %get3A_533 = arith.constant 16 : index
    %get3A_534 = tpu.vector_load %arg14[%get3A_532, %get3A_533] {strides = array<i32>} : memref<32x32xf32, #tpu.memory_space<vmem>>, vector<1x16xf32>,
    %get3A_535 = vector.shape_cast %get3A_534 : vector<1x16xf32> to vector<16xf32>
    %mul3A_536 = arith.mulf %get3A_530, %get3A_520 : vector<16xf32>
    %mul3A_537 = arith.mulf %get3A_535, %get3A_525 : vector<16xf32>
    %sub3A_538 = arith.subf %mul3A_536, %mul3A_537 : vector<16xf32>
    %swap3A_539 = arith.constant 6 : i32
    %swap3A_540 = arith.index_cast %swap3A_539 : i32 to index
    %swap3A_541 = arith.constant 16 : index
    %swap3A_542 = tpu.vector_load %arg15[%swap3A_540, %swap3A_541] {strides = array<i32>} : memref<32x64xf32, #tpu.memory_space<vmem>>, vector<1x16xf32>,
    %swap3A_543 = vector.shape_cast %swap3A_542 : vector<1x16xf32> to vector<16xf32>
    %swap3A_544 = vector.shape_cast %sub3A_538 : vector<16xf32> to vector<1x16xf32>
    tpu.vector_store %arg15[%swap3A_540, %swap3A_541], %swap3A_544 {strides = array<i32>} : memref<32x64xf32, #tpu.memory_space<vmem>>, vector<1x16xf32>,
    %mul3A_545 = arith.mulf %get3A_530, %get3A_525 : vector<16xf32>
    %mul3A_546 = arith.mulf %get3A_535, %get3A_520 : vector<16xf32>
    %add3A_547 = arith.addf %mul3A_545, %mul3A_546 : vector<16xf32>
    %swap3A_548 = arith.constant 6 : i32
    %swap3A_549 = arith.index_cast %swap3A_548 : i32 to index
    %swap3A_550 = arith.constant 48 : index
    %swap3A_551 = tpu.vector_load %arg15[%swap3A_549, %swap3A_550] {strides = array<i32>} : memref<32x64xf32, #tpu.memory_space<vmem>>, vector<1x16xf32>,
    %swap3A_552 = vector.shape_cast %swap3A_551 : vector<1x16xf32> to vector<16xf32>
    %swap3A_553 = vector.shape_cast %add3A_547 : vector<16xf32> to vector<1x16xf32>
    tpu.vector_store %arg15[%swap3A_549, %swap3A_550], %swap3A_553 {strides = array<i32>} : memref<32x64xf32, #tpu.memory_space<vmem>>, vector<1x16xf32>,
    %get3A_554 = arith.constant 7 : i32
    %get3A_555 = arith.index_cast %get3A_554 : i32 to index
    %get3A_556 = arith.constant 0 : index
    %get3A_557 = tpu.vector_load %arg11[%get3A_555, %get3A_556] {strides = array<i32>} : memref<32x32xf32, #tpu.memory_space<vmem>>, vector<1x16xf32>,
    %get3A_558 = vector.shape_cast %get3A_557 : vector<1x16xf32> to vector<16xf32>
    %get3A_559 = arith.constant 7 : i32
    %get3A_560 = arith.index_cast %get3A_559 : i32 to index
    %get3A_561 = arith.constant 0 : index
    %get3A_562 = tpu.vector_load %arg12[%get3A_560, %get3A_561] {strides = array<i32>} : memref<32x32xf32, #tpu.memory_space<vmem>>, vector<1x16xf32>,
    %get3A_563 = vector.shape_cast %get3A_562 : vector<1x16xf32> to vector<16xf32>
    %get3A_564 = arith.constant 7 : i32
    %get3A_565 = arith.index_cast %get3A_564 : i32 to index
    %get3A_566 = arith.constant 0 : index
    %get3A_567 = tpu.vector_load %arg13[%get3A_565, %get3A_566] {strides = array<i32>} : memref<32x32xf32, #tpu.memory_space<vmem>>, vector<1x16xf32>,
    %get3A_568 = vector.shape_cast %get3A_567 : vector<1x16xf32> to vector<16xf32>
    %get3A_569 = arith.constant 7 : i32
    %get3A_570 = arith.index_cast %get3A_569 : i32 to index
    %get3A_571 = arith.constant 0 : index
    %get3A_572 = tpu.vector_load %arg14[%get3A_570, %get3A_571] {strides = array<i32>} : memref<32x32xf32, #tpu.memory_space<vmem>>, vector<1x16xf32>,
    %get3A_573 = vector.shape_cast %get3A_572 : vector<1x16xf32> to vector<16xf32>
    %mul3A_574 = arith.mulf %get3A_568, %get3A_558 : vector<16xf32>
    %mul3A_575 = arith.mulf %get3A_573, %get3A_563 : vector<16xf32>
    %sub3A_576 = arith.subf %mul3A_574, %mul3A_575 : vector<16xf32>
    %swap3A_577 = arith.constant 7 : i32
    %swap3A_578 = arith.index_cast %swap3A_577 : i32 to index
    %swap3A_579 = arith.constant 0 : index
    %swap3A_580 = tpu.vector_load %arg15[%swap3A_578, %swap3A_579] {strides = array<i32>} : memref<32x64xf32, #tpu.memory_space<vmem>>, vector<1x16xf32>,
    %swap3A_581 = vector.shape_cast %swap3A_580 : vector<1x16xf32> to vector<16xf32>
    %swap3A_582 = vector.shape_cast %sub3A_576 : vector<16xf32> to vector<1x16xf32>
    tpu.vector_store %arg15[%swap3A_578, %swap3A_579], %swap3A_582 {strides = array<i32>} : memref<32x64xf32, #tpu.memory_space<vmem>>, vector<1x16xf32>,
    %mul3A_583 = arith.mulf %get3A_568, %get3A_563 : vector<16xf32>
    %mul3A_584 = arith.mulf %get3A_573, %get3A_558 : vector<16xf32>
    %add3A_585 = arith.addf %mul3A_583, %mul3A_584 : vector<16xf32>
    %swap3A_586 = arith.constant 7 : i32
    %swap3A_587 = arith.index_cast %swap3A_586 : i32 to index
    %swap3A_588 = arith.constant 32 : index
    %swap3A_589 = tpu.vector_load %arg15[%swap3A_587, %swap3A_588] {strides = array<i32>} : memref<32x64xf32, #tpu.memory_space<vmem>>, vector<1x16xf32>,
    %swap3A_590 = vector.shape_cast %swap3A_589 : vector<1x16xf32> to vector<16xf32>
    %swap3A_591 = vector.shape_cast %add3A_585 : vector<16xf32> to vector<1x16xf32>
    tpu.vector_store %arg15[%swap3A_587, %swap3A_588], %swap3A_591 {strides = array<i32>} : memref<32x64xf32, #tpu.memory_space<vmem>>, vector<1x16xf32>,
    %get3A_592 = arith.constant 7 : i32
    %get3A_593 = arith.index_cast %get3A_592 : i32 to index
    %get3A_594 = arith.constant 16 : index
    %get3A_595 = tpu.vector_load %arg11[%get3A_593, %get3A_594] {strides = array<i32>} : memref<32x32xf32, #tpu.memory_space<vmem>>, vector<1x16xf32>,
    %get3A_596 = vector.shape_cast %get3A_595 : vector<1x16xf32> to vector<16xf32>
    %get3A_597 = arith.constant 7 : i32
    %get3A_598 = arith.index_cast %get3A_597 : i32 to index
    %get3A_599 = arith.constant 16 : index
    %get3A_600 = tpu.vector_load %arg12[%get3A_598, %get3A_599] {strides = array<i32>} : memref<32x32xf32, #tpu.memory_space<vmem>>, vector<1x16xf32>,
    %get3A_601 = vector.shape_cast %get3A_600 : vector<1x16xf32> to vector<16xf32>
    %get3A_602 = arith.constant 7 : i32
    %get3A_603 = arith.index_cast %get3A_602 : i32 to index
    %get3A_604 = arith.constant 16 : index
    %get3A_605 = tpu.vector_load %arg13[%get3A_603, %get3A_604] {strides = array<i32>} : memref<32x32xf32, #tpu.memory_space<vmem>>, vector<1x16xf32>,
    %get3A_606 = vector.shape_cast %get3A_605 : vector<1x16xf32> to vector<16xf32>
    %get3A_607 = arith.constant 7 : i32
    %get3A_608 = arith.index_cast %get3A_607 : i32 to index
    %get3A_609 = arith.constant 16 : index
    %get3A_610 = tpu.vector_load %arg14[%get3A_608, %get3A_609] {strides = array<i32>} : memref<32x32xf32, #tpu.memory_space<vmem>>, vector<1x16xf32>,
    %get3A_611 = vector.shape_cast %get3A_610 : vector<1x16xf32> to vector<16xf32>
    %mul3A_612 = arith.mulf %get3A_606, %get3A_596 : vector<16xf32>
    %mul3A_613 = arith.mulf %get3A_611, %get3A_601 : vector<16xf32>
    %sub3A_614 = arith.subf %mul3A_612, %mul3A_613 : vector<16xf32>
    %swap3A_615 = arith.constant 7 : i32
    %swap3A_616 = arith.index_cast %swap3A_615 : i32 to index
    %swap3A_617 = arith.constant 16 : index
    %swap3A_618 = tpu.vector_load %arg15[%swap3A_616, %swap3A_617] {strides = array<i32>} : memref<32x64xf32, #tpu.memory_space<vmem>>, vector<1x16xf32>,
    %swap3A_619 = vector.shape_cast %swap3A_618 : vector<1x16xf32> to vector<16xf32>
    %swap3A_620 = vector.shape_cast %sub3A_614 : vector<16xf32> to vector<1x16xf32>
    tpu.vector_store %arg15[%swap3A_616, %swap3A_617], %swap3A_620 {strides = array<i32>} : memref<32x64xf32, #tpu.memory_space<vmem>>, vector<1x16xf32>,
    %mul3A_621 = arith.mulf %get3A_606, %get3A_601 : vector<16xf32>
    %mul3A_622 = arith.mulf %get3A_611, %get3A_596 : vector<16xf32>
    %add3A_623 = arith.addf %mul3A_621, %mul3A_622 : vector<16xf32>
    %swap3A_624 = arith.constant 7 : i32
    %swap3A_625 = arith.index_cast %swap3A_624 : i32 to index
    %swap3A_626 = arith.constant 48 : index
    %swap3A_627 = tpu.vector_load %arg15[%swap3A_625, %swap3A_626] {strides = array<i32>} : memref<32x64xf32, #tpu.memory_space<vmem>>, vector<1x16xf32>,
    %swap3A_628 = vector.shape_cast %swap3A_627 : vector<1x16xf32> to vector<16xf32>
    %swap3A_629 = vector.shape_cast %add3A_623 : vector<16xf32> to vector<1x16xf32>
    tpu.vector_store %arg15[%swap3A_625, %swap3A_626], %swap3A_629 {strides = array<i32>} : memref<32x64xf32, #tpu.memory_space<vmem>>, vector<1x16xf32>,
    %get3A_630 = arith.constant 8 : i32
    %get3A_631 = arith.index_cast %get3A_630 : i32 to index
    %get3A_632 = arith.constant 0 : index
    %get3A_633 = tpu.vector_load %arg11[%get3A_631, %get3A_632] {strides = array<i32>} : memref<32x32xf32, #tpu.memory_space<vmem>>, vector<1x16xf32>,
    %get3A_634 = vector.shape_cast %get3A_633 : vector<1x16xf32> to vector<16xf32>
    %get3A_635 = arith.constant 8 : i32
    %get3A_636 = arith.index_cast %get3A_635 : i32 to index
    %get3A_637 = arith.constant 0 : index
    %get3A_638 = tpu.vector_load %arg12[%get3A_636, %get3A_637] {strides = array<i32>} : memref<32x32xf32, #tpu.memory_space<vmem>>, vector<1x16xf32>,
    %get3A_639 = vector.shape_cast %get3A_638 : vector<1x16xf32> to vector<16xf32>
    %get3A_640 = arith.constant 8 : i32
    %get3A_641 = arith.index_cast %get3A_640 : i32 to index
    %get3A_642 = arith.constant 0 : index
    %get3A_643 = tpu.vector_load %arg13[%get3A_641, %get3A_642] {strides = array<i32>} : memref<32x32xf32, #tpu.memory_space<vmem>>, vector<1x16xf32>,
    %get3A_644 = vector.shape_cast %get3A_643 : vector<1x16xf32> to vector<16xf32>
    %get3A_645 = arith.constant 8 : i32
    %get3A_646 = arith.index_cast %get3A_645 : i32 to index
    %get3A_647 = arith.constant 0 : index
    %get3A_648 = tpu.vector_load %arg14[%get3A_646, %get3A_647] {strides = array<i32>} : memref<32x32xf32, #tpu.memory_space<vmem>>, vector<1x16xf32>,
    %get3A_649 = vector.shape_cast %get3A_648 : vector<1x16xf32> to vector<16xf32>
    %mul3A_650 = arith.mulf %get3A_644, %get3A_634 : vector<16xf32>
    %mul3A_651 = arith.mulf %get3A_649, %get3A_639 : vector<16xf32>
    %sub3A_652 = arith.subf %mul3A_650, %mul3A_651 : vector<16xf32>
    %swap3A_653 = arith.constant 8 : i32
    %swap3A_654 = arith.index_cast %swap3A_653 : i32 to index
    %swap3A_655 = arith.constant 0 : index
    %swap3A_656 = tpu.vector_load %arg15[%swap3A_654, %swap3A_655] {strides = array<i32>} : memref<32x64xf32, #tpu.memory_space<vmem>>, vector<1x16xf32>,
    %swap3A_657 = vector.shape_cast %swap3A_656 : vector<1x16xf32> to vector<16xf32>
    %swap3A_658 = vector.shape_cast %sub3A_652 : vector<16xf32> to vector<1x16xf32>
    tpu.vector_store %arg15[%swap3A_654, %swap3A_655], %swap3A_658 {strides = array<i32>} : memref<32x64xf32, #tpu.memory_space<vmem>>, vector<1x16xf32>,
    %mul3A_659 = arith.mulf %get3A_644, %get3A_639 : vector<16xf32>
    %mul3A_660 = arith.mulf %get3A_649, %get3A_634 : vector<16xf32>
    %add3A_661 = arith.addf %mul3A_659, %mul3A_660 : vector<16xf32>
    %swap3A_662 = arith.constant 8 : i32
    %swap3A_663 = arith.index_cast %swap3A_662 : i32 to index
    %swap3A_664 = arith.constant 32 : index
    %swap3A_665 = tpu.vector_load %arg15[%swap3A_663, %swap3A_664] {strides = array<i32>} : memref<32x64xf32, #tpu.memory_space<vmem>>, vector<1x16xf32>,
    %swap3A_666 = vector.shape_cast %swap3A_665 : vector<1x16xf32> to vector<16xf32>
    %swap3A_667 = vector.shape_cast %add3A_661 : vector<16xf32> to vector<1x16xf32>
    tpu.vector_store %arg15[%swap3A_663, %swap3A_664], %swap3A_667 {strides = array<i32>} : memref<32x64xf32, #tpu.memory_space<vmem>>, vector<1x16xf32>,
    %get3A_668 = arith.constant 8 : i32
    %get3A_669 = arith.index_cast %get3A_668 : i32 to index
    %get3A_670 = arith.constant 16 : index
    %get3A_671 = tpu.vector_load %arg11[%get3A_669, %get3A_670] {strides = array<i32>} : memref<32x32xf32, #tpu.memory_space<vmem>>, vector<1x16xf32>,
    %get3A_672 = vector.shape_cast %get3A_671 : vector<1x16xf32> to vector<16xf32>
    %get3A_673 = arith.constant 8 : i32
    %get3A_674 = arith.index_cast %get3A_673 : i32 to index
    %get3A_675 = arith.constant 16 : index
    %get3A_676 = tpu.vector_load %arg12[%get3A_674, %get3A_675] {strides = array<i32>} : memref<32x32xf32, #tpu.memory_space<vmem>>, vector<1x16xf32>,
    %get3A_677 = vector.shape_cast %get3A_676 : vector<1x16xf32> to vector<16xf32>
    %get3A_678 = arith.constant 8 : i32
    %get3A_679 = arith.index_cast %get3A_678 : i32 to index
    %get3A_680 = arith.constant 16 : index
    %get3A_681 = tpu.vector_load %arg13[%get3A_679, %get3A_680] {strides = array<i32>} : memref<32x32xf32, #tpu.memory_space<vmem>>, vector<1x16xf32>,
    %get3A_682 = vector.shape_cast %get3A_681 : vector<1x16xf32> to vector<16xf32>
    %get3A_683 = arith.constant 8 : i32
    %get3A_684 = arith.index_cast %get3A_683 : i32 to index
    %get3A_685 = arith.constant 16 : index
    %get3A_686 = tpu.vector_load %arg14[%get3A_684, %get3A_685] {strides = array<i32>} : memref<32x32xf32, #tpu.memory_space<vmem>>, vector<1x16xf32>,
    %get3A_687 = vector.shape_cast %get3A_686 : vector<1x16xf32> to vector<16xf32>
    %mul3A_688 = arith.mulf %get3A_682, %get3A_672 : vector<16xf32>
    %mul3A_689 = arith.mulf %get3A_687, %get3A_677 : vector<16xf32>
    %sub3A_690 = arith.subf %mul3A_688, %mul3A_689 : vector<16xf32>
    %swap3A_691 = arith.constant 8 : i32
    %swap3A_692 = arith.index_cast %swap3A_691 : i32 to index
    %swap3A_693 = arith.constant 16 : index
    %swap3A_694 = tpu.vector_load %arg15[%swap3A_692, %swap3A_693] {strides = array<i32>} : memref<32x64xf32, #tpu.memory_space<vmem>>, vector<1x16xf32>,
    %swap3A_695 = vector.shape_cast %swap3A_694 : vector<1x16xf32> to vector<16xf32>
    %swap3A_696 = vector.shape_cast %sub3A_690 : vector<16xf32> to vector<1x16xf32>
    tpu.vector_store %arg15[%swap3A_692, %swap3A_693], %swap3A_696 {strides = array<i32>} : memref<32x64xf32, #tpu.memory_space<vmem>>, vector<1x16xf32>,
    %mul3A_697 = arith.mulf %get3A_682, %get3A_677 : vector<16xf32>
    %mul3A_698 = arith.mulf %get3A_687, %get3A_672 : vector<16xf32>
    %add3A_699 = arith.addf %mul3A_697, %mul3A_698 : vector<16xf32>
    %swap3A_700 = arith.constant 8 : i32
    %swap3A_701 = arith.index_cast %swap3A_700 : i32 to index
    %swap3A_702 = arith.constant 48 : index
    %swap3A_703 = tpu.vector_load %arg15[%swap3A_701, %swap3A_702] {strides = array<i32>} : memref<32x64xf32, #tpu.memory_space<vmem>>, vector<1x16xf32>,
    %swap3A_704 = vector.shape_cast %swap3A_703 : vector<1x16xf32> to vector<16xf32>
    %swap3A_705 = vector.shape_cast %add3A_699 : vector<16xf32> to vector<1x16xf32>
    tpu.vector_store %arg15[%swap3A_701, %swap3A_702], %swap3A_705 {strides = array<i32>} : memref<32x64xf32, #tpu.memory_space<vmem>>, vector<1x16xf32>,
    %get3A_706 = arith.constant 9 : i32
    %get3A_707 = arith.index_cast %get3A_706 : i32 to index
    %get3A_708 = arith.constant 0 : index
    %get3A_709 = tpu.vector_load %arg11[%get3A_707, %get3A_708] {strides = array<i32>} : memref<32x32xf32, #tpu.memory_space<vmem>>, vector<1x16xf32>,
    %get3A_710 = vector.shape_cast %get3A_709 : vector<1x16xf32> to vector<16xf32>
    %get3A_711 = arith.constant 9 : i32
    %get3A_712 = arith.index_cast %get3A_711 : i32 to index
    %get3A_713 = arith.constant 0 : index
    %get3A_714 = tpu.vector_load %arg12[%get3A_712, %get3A_713] {strides = array<i32>} : memref<32x32xf32, #tpu.memory_space<vmem>>, vector<1x16xf32>,
    %get3A_715 = vector.shape_cast %get3A_714 : vector<1x16xf32> to vector<16xf32>
    %get3A_716 = arith.constant 9 : i32
    %get3A_717 = arith.index_cast %get3A_716 : i32 to index
    %get3A_718 = arith.constant 0 : index
    %get3A_719 = tpu.vector_load %arg13[%get3A_717, %get3A_718] {strides = array<i32>} : memref<32x32xf32, #tpu.memory_space<vmem>>, vector<1x16xf32>,
    %get3A_720 = vector.shape_cast %get3A_719 : vector<1x16xf32> to vector<16xf32>
    %get3A_721 = arith.constant 9 : i32
    %get3A_722 = arith.index_cast %get3A_721 : i32 to index
    %get3A_723 = arith.constant 0 : index
    %get3A_724 = tpu.vector_load %arg14[%get3A_722, %get3A_723] {strides = array<i32>} : memref<32x32xf32, #tpu.memory_space<vmem>>, vector<1x16xf32>,
    %get3A_725 = vector.shape_cast %get3A_724 : vector<1x16xf32> to vector<16xf32>
    %mul3A_726 = arith.mulf %get3A_720, %get3A_710 : vector<16xf32>
    %mul3A_727 = arith.mulf %get3A_725, %get3A_715 : vector<16xf32>
    %sub3A_728 = arith.subf %mul3A_726, %mul3A_727 : vector<16xf32>
    %swap3A_729 = arith.constant 9 : i32
    %swap3A_730 = arith.index_cast %swap3A_729 : i32 to index
    %swap3A_731 = arith.constant 0 : index
    %swap3A_732 = tpu.vector_load %arg15[%swap3A_730, %swap3A_731] {strides = array<i32>} : memref<32x64xf32, #tpu.memory_space<vmem>>, vector<1x16xf32>,
    %swap3A_733 = vector.shape_cast %swap3A_732 : vector<1x16xf32> to vector<16xf32>
    %swap3A_734 = vector.shape_cast %sub3A_728 : vector<16xf32> to vector<1x16xf32>
    tpu.vector_store %arg15[%swap3A_730, %swap3A_731], %swap3A_734 {strides = array<i32>} : memref<32x64xf32, #tpu.memory_space<vmem>>, vector<1x16xf32>,
    %mul3A_735 = arith.mulf %get3A_720, %get3A_715 : vector<16xf32>
    %mul3A_736 = arith.mulf %get3A_725, %get3A_710 : vector<16xf32>
    %add3A_737 = arith.addf %mul3A_735, %mul3A_736 : vector<16xf32>
    %swap3A_738 = arith.constant 9 : i32
    %swap3A_739 = arith.index_cast %swap3A_738 : i32 to index
    %swap3A_740 = arith.constant 32 : index
    %swap3A_741 = tpu.vector_load %arg15[%swap3A_739, %swap3A_740] {strides = array<i32>} : memref<32x64xf32, #tpu.memory_space<vmem>>, vector<1x16xf32>,
    %swap3A_742 = vector.shape_cast %swap3A_741 : vector<1x16xf32> to vector<16xf32>
    %swap3A_743 = vector.shape_cast %add3A_737 : vector<16xf32> to vector<1x16xf32>
    tpu.vector_store %arg15[%swap3A_739, %swap3A_740], %swap3A_743 {strides = array<i32>} : memref<32x64xf32, #tpu.memory_space<vmem>>, vector<1x16xf32>,
    %get3A_744 = arith.constant 9 : i32
    %get3A_745 = arith.index_cast %get3A_744 : i32 to index
    %get3A_746 = arith.constant 16 : index
    %get3A_747 = tpu.vector_load %arg11[%get3A_745, %get3A_746] {strides = array<i32>} : memref<32x32xf32, #tpu.memory_space<vmem>>, vector<1x16xf32>,
    %get3A_748 = vector.shape_cast %get3A_747 : vector<1x16xf32> to vector<16xf32>
    %get3A_749 = arith.constant 9 : i32
    %get3A_750 = arith.index_cast %get3A_749 : i32 to index
    %get3A_751 = arith.constant 16 : index
    %get3A_752 = tpu.vector_load %arg12[%get3A_750, %get3A_751] {strides = array<i32>} : memref<32x32xf32, #tpu.memory_space<vmem>>, vector<1x16xf32>,
    %get3A_753 = vector.shape_cast %get3A_752 : vector<1x16xf32> to vector<16xf32>
    %get3A_754 = arith.constant 9 : i32
    %get3A_755 = arith.index_cast %get3A_754 : i32 to index
    %get3A_756 = arith.constant 16 : index
    %get3A_757 = tpu.vector_load %arg13[%get3A_755, %get3A_756] {strides = array<i32>} : memref<32x32xf32, #tpu.memory_space<vmem>>, vector<1x16xf32>,
    %get3A_758 = vector.shape_cast %get3A_757 : vector<1x16xf32> to vector<16xf32>
    %get3A_759 = arith.constant 9 : i32
    %get3A_760 = arith.index_cast %get3A_759 : i32 to index
    %get3A_761 = arith.constant 16 : index
    %get3A_762 = tpu.vector_load %arg14[%get3A_760, %get3A_761] {strides = array<i32>} : memref<32x32xf32, #tpu.memory_space<vmem>>, vector<1x16xf32>,
    %get3A_763 = vector.shape_cast %get3A_762 : vector<1x16xf32> to vector<16xf32>
    %mul3A_764 = arith.mulf %get3A_758, %get3A_748 : vector<16xf32>
    %mul3A_765 = arith.mulf %get3A_763, %get3A_753 : vector<16xf32>
    %sub3A_766 = arith.subf %mul3A_764, %mul3A_765 : vector<16xf32>
    %swap3A_767 = arith.constant 9 : i32
    %swap3A_768 = arith.index_cast %swap3A_767 : i32 to index
    %swap3A_769 = arith.constant 16 : index
    %swap3A_770 = tpu.vector_load %arg15[%swap3A_768, %swap3A_769] {strides = array<i32>} : memref<32x64xf32, #tpu.memory_space<vmem>>, vector<1x16xf32>,
    %swap3A_771 = vector.shape_cast %swap3A_770 : vector<1x16xf32> to vector<16xf32>
    %swap3A_772 = vector.shape_cast %sub3A_766 : vector<16xf32> to vector<1x16xf32>
    tpu.vector_store %arg15[%swap3A_768, %swap3A_769], %swap3A_772 {strides = array<i32>} : memref<32x64xf32, #tpu.memory_space<vmem>>, vector<1x16xf32>,
    %mul3A_773 = arith.mulf %get3A_758, %get3A_753 : vector<16xf32>
    %mul3A_774 = arith.mulf %get3A_763, %get3A_748 : vector<16xf32>
    %add3A_775 = arith.addf %mul3A_773, %mul3A_774 : vector<16xf32>
    %swap3A_776 = arith.constant 9 : i32
    %swap3A_777 = arith.index_cast %swap3A_776 : i32 to index
    %swap3A_778 = arith.constant 48 : index
    %swap3A_779 = tpu.vector_load %arg15[%swap3A_777, %swap3A_778] {strides = array<i32>} : memref<32x64xf32, #tpu.memory_space<vmem>>, vector<1x16xf32>,
    %swap3A_780 = vector.shape_cast %swap3A_779 : vector<1x16xf32> to vector<16xf32>
    %swap3A_781 = vector.shape_cast %add3A_775 : vector<16xf32> to vector<1x16xf32>
    tpu.vector_store %arg15[%swap3A_777, %swap3A_778], %swap3A_781 {strides = array<i32>} : memref<32x64xf32, #tpu.memory_space<vmem>>, vector<1x16xf32>,
    %get3A_782 = arith.constant 10 : i32
    %get3A_783 = arith.index_cast %get3A_782 : i32 to index
    %get3A_784 = arith.constant 0 : index
    %get3A_785 = tpu.vector_load %arg11[%get3A_783, %get3A_784] {strides = array<i32>} : memref<32x32xf32, #tpu.memory_space<vmem>>, vector<1x16xf32>,
    %get3A_786 = vector.shape_cast %get3A_785 : vector<1x16xf32> to vector<16xf32>
    %get3A_787 = arith.constant 10 : i32
    %get3A_788 = arith.index_cast %get3A_787 : i32 to index
    %get3A_789 = arith.constant 0 : index
    %get3A_790 = tpu.vector_load %arg12[%get3A_788, %get3A_789] {strides = array<i32>} : memref<32x32xf32, #tpu.memory_space<vmem>>, vector<1x16xf32>,
    %get3A_791 = vector.shape_cast %get3A_790 : vector<1x16xf32> to vector<16xf32>
    %get3A_792 = arith.constant 10 : i32
    %get3A_793 = arith.index_cast %get3A_792 : i32 to index
    %get3A_794 = arith.constant 0 : index
    %get3A_795 = tpu.vector_load %arg13[%get3A_793, %get3A_794] {strides = array<i32>} : memref<32x32xf32, #tpu.memory_space<vmem>>, vector<1x16xf32>,
    %get3A_796 = vector.shape_cast %get3A_795 : vector<1x16xf32> to vector<16xf32>
    %get3A_797 = arith.constant 10 : i32
    %get3A_798 = arith.index_cast %get3A_797 : i32 to index
    %get3A_799 = arith.constant 0 : index
    %get3A_800 = tpu.vector_load %arg14[%get3A_798, %get3A_799] {strides = array<i32>} : memref<32x32xf32, #tpu.memory_space<vmem>>, vector<1x16xf32>,
    %get3A_801 = vector.shape_cast %get3A_800 : vector<1x16xf32> to vector<16xf32>
    %mul3A_802 = arith.mulf %get3A_796, %get3A_786 : vector<16xf32>
    %mul3A_803 = arith.mulf %get3A_801, %get3A_791 : vector<16xf32>
    %sub3A_804 = arith.subf %mul3A_802, %mul3A_803 : vector<16xf32>
    %swap3A_805 = arith.constant 10 : i32
    %swap3A_806 = arith.index_cast %swap3A_805 : i32 to index
    %swap3A_807 = arith.constant 0 : index
    %swap3A_808 = tpu.vector_load %arg15[%swap3A_806, %swap3A_807] {strides = array<i32>} : memref<32x64xf32, #tpu.memory_space<vmem>>, vector<1x16xf32>,
    %swap3A_809 = vector.shape_cast %swap3A_808 : vector<1x16xf32> to vector<16xf32>
    %swap3A_810 = vector.shape_cast %sub3A_804 : vector<16xf32> to vector<1x16xf32>
    tpu.vector_store %arg15[%swap3A_806, %swap3A_807], %swap3A_810 {strides = array<i32>} : memref<32x64xf32, #tpu.memory_space<vmem>>, vector<1x16xf32>,
    %mul3A_811 = arith.mulf %get3A_796, %get3A_791 : vector<16xf32>
    %mul3A_812 = arith.mulf %get3A_801, %get3A_786 : vector<16xf32>
    %add3A_813 = arith.addf %mul3A_811, %mul3A_812 : vector<16xf32>
    %swap3A_814 = arith.constant 10 : i32
    %swap3A_815 = arith.index_cast %swap3A_814 : i32 to index
    %swap3A_816 = arith.constant 32 : index
    %swap3A_817 = tpu.vector_load %arg15[%swap3A_815, %swap3A_816] {strides = array<i32>} : memref<32x64xf32, #tpu.memory_space<vmem>>, vector<1x16xf32>,
    %swap3A_818 = vector.shape_cast %swap3A_817 : vector<1x16xf32> to vector<16xf32>
    %swap3A_819 = vector.shape_cast %add3A_813 : vector<16xf32> to vector<1x16xf32>
    tpu.vector_store %arg15[%swap3A_815, %swap3A_816], %swap3A_819 {strides = array<i32>} : memref<32x64xf32, #tpu.memory_space<vmem>>, vector<1x16xf32>,
    %get3A_820 = arith.constant 10 : i32
    %get3A_821 = arith.index_cast %get3A_820 : i32 to index
    %get3A_822 = arith.constant 16 : index
    %get3A_823 = tpu.vector_load %arg11[%get3A_821, %get3A_822] {strides = array<i32>} : memref<32x32xf32, #tpu.memory_space<vmem>>, vector<1x16xf32>,
    %get3A_824 = vector.shape_cast %get3A_823 : vector<1x16xf32> to vector<16xf32>
    %get3A_825 = arith.constant 10 : i32
    %get3A_826 = arith.index_cast %get3A_825 : i32 to index
    %get3A_827 = arith.constant 16 : index
    %get3A_828 = tpu.vector_load %arg12[%get3A_826, %get3A_827] {strides = array<i32>} : memref<32x32xf32, #tpu.memory_space<vmem>>, vector<1x16xf32>,
    %get3A_829 = vector.shape_cast %get3A_828 : vector<1x16xf32> to vector<16xf32>
    %get3A_830 = arith.constant 10 : i32
    %get3A_831 = arith.index_cast %get3A_830 : i32 to index
    %get3A_832 = arith.constant 16 : index
    %get3A_833 = tpu.vector_load %arg13[%get3A_831, %get3A_832] {strides = array<i32>} : memref<32x32xf32, #tpu.memory_space<vmem>>, vector<1x16xf32>,
    %get3A_834 = vector.shape_cast %get3A_833 : vector<1x16xf32> to vector<16xf32>
    %get3A_835 = arith.constant 10 : i32
    %get3A_836 = arith.index_cast %get3A_835 : i32 to index
    %get3A_837 = arith.constant 16 : index
    %get3A_838 = tpu.vector_load %arg14[%get3A_836, %get3A_837] {strides = array<i32>} : memref<32x32xf32, #tpu.memory_space<vmem>>, vector<1x16xf32>,
    %get3A_839 = vector.shape_cast %get3A_838 : vector<1x16xf32> to vector<16xf32>
    %mul3A_840 = arith.mulf %get3A_834, %get3A_824 : vector<16xf32>
    %mul3A_841 = arith.mulf %get3A_839, %get3A_829 : vector<16xf32>
    %sub3A_842 = arith.subf %mul3A_840, %mul3A_841 : vector<16xf32>
    %swap3A_843 = arith.constant 10 : i32
    %swap3A_844 = arith.index_cast %swap3A_843 : i32 to index
    %swap3A_845 = arith.constant 16 : index
    %swap3A_846 = tpu.vector_load %arg15[%swap3A_844, %swap3A_845] {strides = array<i32>} : memref<32x64xf32, #tpu.memory_space<vmem>>, vector<1x16xf32>,
    %swap3A_847 = vector.shape_cast %swap3A_846 : vector<1x16xf32> to vector<16xf32>
    %swap3A_848 = vector.shape_cast %sub3A_842 : vector<16xf32> to vector<1x16xf32>
    tpu.vector_store %arg15[%swap3A_844, %swap3A_845], %swap3A_848 {strides = array<i32>} : memref<32x64xf32, #tpu.memory_space<vmem>>, vector<1x16xf32>,
    %mul3A_849 = arith.mulf %get3A_834, %get3A_829 : vector<16xf32>
    %mul3A_850 = arith.mulf %get3A_839, %get3A_824 : vector<16xf32>
    %add3A_851 = arith.addf %mul3A_849, %mul3A_850 : vector<16xf32>
    %swap3A_852 = arith.constant 10 : i32
    %swap3A_853 = arith.index_cast %swap3A_852 : i32 to index
    %swap3A_854 = arith.constant 48 : index
    %swap3A_855 = tpu.vector_load %arg15[%swap3A_853, %swap3A_854] {strides = array<i32>} : memref<32x64xf32, #tpu.memory_space<vmem>>, vector<1x16xf32>,
    %swap3A_856 = vector.shape_cast %swap3A_855 : vector<1x16xf32> to vector<16xf32>
    %swap3A_857 = vector.shape_cast %add3A_851 : vector<16xf32> to vector<1x16xf32>
    tpu.vector_store %arg15[%swap3A_853, %swap3A_854], %swap3A_857 {strides = array<i32>} : memref<32x64xf32, #tpu.memory_space<vmem>>, vector<1x16xf32>,
    %get3A_858 = arith.constant 11 : i32
    %get3A_859 = arith.index_cast %get3A_858 : i32 to index
    %get3A_860 = arith.constant 0 : index
    %get3A_861 = tpu.vector_load %arg11[%get3A_859, %get3A_860] {strides = array<i32>} : memref<32x32xf32, #tpu.memory_space<vmem>>, vector<1x16xf32>,
    %get3A_862 = vector.shape_cast %get3A_861 : vector<1x16xf32> to vector<16xf32>
    %get3A_863 = arith.constant 11 : i32
    %get3A_864 = arith.index_cast %get3A_863 : i32 to index
    %get3A_865 = arith.constant 0 : index
    %get3A_866 = tpu.vector_load %arg12[%get3A_864, %get3A_865] {strides = array<i32>} : memref<32x32xf32, #tpu.memory_space<vmem>>, vector<1x16xf32>,
    %get3A_867 = vector.shape_cast %get3A_866 : vector<1x16xf32> to vector<16xf32>
    %get3A_868 = arith.constant 11 : i32
    %get3A_869 = arith.index_cast %get3A_868 : i32 to index
    %get3A_870 = arith.constant 0 : index
    %get3A_871 = tpu.vector_load %arg13[%get3A_869, %get3A_870] {strides = array<i32>} : memref<32x32xf32, #tpu.memory_space<vmem>>, vector<1x16xf32>,
    %get3A_872 = vector.shape_cast %get3A_871 : vector<1x16xf32> to vector<16xf32>
    %get3A_873 = arith.constant 11 : i32
    %get3A_874 = arith.index_cast %get3A_873 : i32 to index
    %get3A_875 = arith.constant 0 : index
    %get3A_876 = tpu.vector_load %arg14[%get3A_874, %get3A_875] {strides = array<i32>} : memref<32x32xf32, #tpu.memory_space<vmem>>, vector<1x16xf32>,
    %get3A_877 = vector.shape_cast %get3A_876 : vector<1x16xf32> to vector<16xf32>
    %mul3A_878 = arith.mulf %get3A_872, %get3A_862 : vector<16xf32>
    %mul3A_879 = arith.mulf %get3A_877, %get3A_867 : vector<16xf32>
    %sub3A_880 = arith.subf %mul3A_878, %mul3A_879 : vector<16xf32>
    %swap3A_881 = arith.constant 11 : i32
    %swap3A_882 = arith.index_cast %swap3A_881 : i32 to index
    %swap3A_883 = arith.constant 0 : index
    %swap3A_884 = tpu.vector_load %arg15[%swap3A_882, %swap3A_883] {strides = array<i32>} : memref<32x64xf32, #tpu.memory_space<vmem>>, vector<1x16xf32>,
    %swap3A_885 = vector.shape_cast %swap3A_884 : vector<1x16xf32> to vector<16xf32>
    %swap3A_886 = vector.shape_cast %sub3A_880 : vector<16xf32> to vector<1x16xf32>
    tpu.vector_store %arg15[%swap3A_882, %swap3A_883], %swap3A_886 {strides = array<i32>} : memref<32x64xf32, #tpu.memory_space<vmem>>, vector<1x16xf32>,
    %mul3A_887 = arith.mulf %get3A_872, %get3A_867 : vector<16xf32>
    %mul3A_888 = arith.mulf %get3A_877, %get3A_862 : vector<16xf32>
    %add3A_889 = arith.addf %mul3A_887, %mul3A_888 : vector<16xf32>
    %swap3A_890 = arith.constant 11 : i32
    %swap3A_891 = arith.index_cast %swap3A_890 : i32 to index
    %swap3A_892 = arith.constant 32 : index
    %swap3A_893 = tpu.vector_load %arg15[%swap3A_891, %swap3A_892] {strides = array<i32>} : memref<32x64xf32, #tpu.memory_space<vmem>>, vector<1x16xf32>,
    %swap3A_894 = vector.shape_cast %swap3A_893 : vector<1x16xf32> to vector<16xf32>
    %swap3A_895 = vector.shape_cast %add3A_889 : vector<16xf32> to vector<1x16xf32>
    tpu.vector_store %arg15[%swap3A_891, %swap3A_892], %swap3A_895 {strides = array<i32>} : memref<32x64xf32, #tpu.memory_space<vmem>>, vector<1x16xf32>,
    %get3A_896 = arith.constant 11 : i32
    %get3A_897 = arith.index_cast %get3A_896 : i32 to index
    %get3A_898 = arith.constant 16 : index
    %get3A_899 = tpu.vector_load %arg11[%get3A_897, %get3A_898] {strides = array<i32>} : memref<32x32xf32, #tpu.memory_space<vmem>>, vector<1x16xf32>,
    %get3A_900 = vector.shape_cast %get3A_899 : vector<1x16xf32> to vector<16xf32>
    %get3A_901 = arith.constant 11 : i32
    %get3A_902 = arith.index_cast %get3A_901 : i32 to index
    %get3A_903 = arith.constant 16 : index
    %get3A_904 = tpu.vector_load %arg12[%get3A_902, %get3A_903] {strides = array<i32>} : memref<32x32xf32, #tpu.memory_space<vmem>>, vector<1x16xf32>,
    %get3A_905 = vector.shape_cast %get3A_904 : vector<1x16xf32> to vector<16xf32>
    %get3A_906 = arith.constant 11 : i32
    %get3A_907 = arith.index_cast %get3A_906 : i32 to index
    %get3A_908 = arith.constant 16 : index
    %get3A_909 = tpu.vector_load %arg13[%get3A_907, %get3A_908] {strides = array<i32>} : memref<32x32xf32, #tpu.memory_space<vmem>>, vector<1x16xf32>,
    %get3A_910 = vector.shape_cast %get3A_909 : vector<1x16xf32> to vector<16xf32>
    %get3A_911 = arith.constant 11 : i32
    %get3A_912 = arith.index_cast %get3A_911 : i32 to index
    %get3A_913 = arith.constant 16 : index
    %get3A_914 = tpu.vector_load %arg14[%get3A_912, %get3A_913] {strides = array<i32>} : memref<32x32xf32, #tpu.memory_space<vmem>>, vector<1x16xf32>,
    %get3A_915 = vector.shape_cast %get3A_914 : vector<1x16xf32> to vector<16xf32>
    %mul3A_916 = arith.mulf %get3A_910, %get3A_900 : vector<16xf32>
    %mul3A_917 = arith.mulf %get3A_915, %get3A_905 : vector<16xf32>
    %sub3A_918 = arith.subf %mul3A_916, %mul3A_917 : vector<16xf32>
    %swap3A_919 = arith.constant 11 : i32
    %swap3A_920 = arith.index_cast %swap3A_919 : i32 to index
    %swap3A_921 = arith.constant 16 : index
    %swap3A_922 = tpu.vector_load %arg15[%swap3A_920, %swap3A_921] {strides = array<i32>} : memref<32x64xf32, #tpu.memory_space<vmem>>, vector<1x16xf32>,
    %swap3A_923 = vector.shape_cast %swap3A_922 : vector<1x16xf32> to vector<16xf32>
    %swap3A_924 = vector.shape_cast %sub3A_918 : vector<16xf32> to vector<1x16xf32>
    tpu.vector_store %arg15[%swap3A_920, %swap3A_921], %swap3A_924 {strides = array<i32>} : memref<32x64xf32, #tpu.memory_space<vmem>>, vector<1x16xf32>,
    %mul3A_925 = arith.mulf %get3A_910, %get3A_905 : vector<16xf32>
    %mul3A_926 = arith.mulf %get3A_915, %get3A_900 : vector<16xf32>
    %add3A_927 = arith.addf %mul3A_925, %mul3A_926 : vector<16xf32>
    %swap3A_928 = arith.constant 11 : i32
    %swap3A_929 = arith.index_cast %swap3A_928 : i32 to index
    %swap3A_930 = arith.constant 48 : index
    %swap3A_931 = tpu.vector_load %arg15[%swap3A_929, %swap3A_930] {strides = array<i32>} : memref<32x64xf32, #tpu.memory_space<vmem>>, vector<1x16xf32>,
    %swap3A_932 = vector.shape_cast %swap3A_931 : vector<1x16xf32> to vector<16xf32>
    %swap3A_933 = vector.shape_cast %add3A_927 : vector<16xf32> to vector<1x16xf32>
    tpu.vector_store %arg15[%swap3A_929, %swap3A_930], %swap3A_933 {strides = array<i32>} : memref<32x64xf32, #tpu.memory_space<vmem>>, vector<1x16xf32>,
    %get3A_934 = arith.constant 12 : i32
    %get3A_935 = arith.index_cast %get3A_934 : i32 to index
    %get3A_936 = arith.constant 0 : index
    %get3A_937 = tpu.vector_load %arg11[%get3A_935, %get3A_936] {strides = array<i32>} : memref<32x32xf32, #tpu.memory_space<vmem>>, vector<1x16xf32>,
    %get3A_938 = vector.shape_cast %get3A_937 : vector<1x16xf32> to vector<16xf32>
    %get3A_939 = arith.constant 12 : i32
    %get3A_940 = arith.index_cast %get3A_939 : i32 to index
    %get3A_941 = arith.constant 0 : index
    %get3A_942 = tpu.vector_load %arg12[%get3A_940, %get3A_941] {strides = array<i32>} : memref<32x32xf32, #tpu.memory_space<vmem>>, vector<1x16xf32>,
    %get3A_943 = vector.shape_cast %get3A_942 : vector<1x16xf32> to vector<16xf32>
    %get3A_944 = arith.constant 12 : i32
    %get3A_945 = arith.index_cast %get3A_944 : i32 to index
    %get3A_946 = arith.constant 0 : index
    %get3A_947 = tpu.vector_load %arg13[%get3A_945, %get3A_946] {strides = array<i32>} : memref<32x32xf32, #tpu.memory_space<vmem>>, vector<1x16xf32>,
    %get3A_948 = vector.shape_cast %get3A_947 : vector<1x16xf32> to vector<16xf32>
    %get3A_949 = arith.constant 12 : i32
    %get3A_950 = arith.index_cast %get3A_949 : i32 to index
    %get3A_951 = arith.constant 0 : index
    %get3A_952 = tpu.vector_load %arg14[%get3A_950, %get3A_951] {strides = array<i32>} : memref<32x32xf32, #tpu.memory_space<vmem>>, vector<1x16xf32>,
    %get3A_953 = vector.shape_cast %get3A_952 : vector<1x16xf32> to vector<16xf32>
    %mul3A_954 = arith.mulf %get3A_948, %get3A_938 : vector<16xf32>
    %mul3A_955 = arith.mulf %get3A_953, %get3A_943 : vector<16xf32>
    %sub3A_956 = arith.subf %mul3A_954, %mul3A_955 : vector<16xf32>
    %swap3A_957 = arith.constant 12 : i32
    %swap3A_958 = arith.index_cast %swap3A_957 : i32 to index
    %swap3A_959 = arith.constant 0 : index
    %swap3A_960 = tpu.vector_load %arg15[%swap3A_958, %swap3A_959] {strides = array<i32>} : memref<32x64xf32, #tpu.memory_space<vmem>>, vector<1x16xf32>,
    %swap3A_961 = vector.shape_cast %swap3A_960 : vector<1x16xf32> to vector<16xf32>
    %swap3A_962 = vector.shape_cast %sub3A_956 : vector<16xf32> to vector<1x16xf32>
    tpu.vector_store %arg15[%swap3A_958, %swap3A_959], %swap3A_962 {strides = array<i32>} : memref<32x64xf32, #tpu.memory_space<vmem>>, vector<1x16xf32>,
    %mul3A_963 = arith.mulf %get3A_948, %get3A_943 : vector<16xf32>
    %mul3A_964 = arith.mulf %get3A_953, %get3A_938 : vector<16xf32>
    %add3A_965 = arith.addf %mul3A_963, %mul3A_964 : vector<16xf32>
    %swap3A_966 = arith.constant 12 : i32
    %swap3A_967 = arith.index_cast %swap3A_966 : i32 to index
    %swap3A_968 = arith.constant 32 : index
    %swap3A_969 = tpu.vector_load %arg15[%swap3A_967, %swap3A_968] {strides = array<i32>} : memref<32x64xf32, #tpu.memory_space<vmem>>, vector<1x16xf32>,
    %swap3A_970 = vector.shape_cast %swap3A_969 : vector<1x16xf32> to vector<16xf32>
    %swap3A_971 = vector.shape_cast %add3A_965 : vector<16xf32> to vector<1x16xf32>
    tpu.vector_store %arg15[%swap3A_967, %swap3A_968], %swap3A_971 {strides = array<i32>} : memref<32x64xf32, #tpu.memory_space<vmem>>, vector<1x16xf32>,
    %get3A_972 = arith.constant 12 : i32
    %get3A_973 = arith.index_cast %get3A_972 : i32 to index
    %get3A_974 = arith.constant 16 : index
    %get3A_975 = tpu.vector_load %arg11[%get3A_973, %get3A_974] {strides = array<i32>} : memref<32x32xf32, #tpu.memory_space<vmem>>, vector<1x16xf32>,
    %get3A_976 = vector.shape_cast %get3A_975 : vector<1x16xf32> to vector<16xf32>
    %get3A_977 = arith.constant 12 : i32
    %get3A_978 = arith.index_cast %get3A_977 : i32 to index
    %get3A_979 = arith.constant 16 : index
    %get3A_980 = tpu.vector_load %arg12[%get3A_978, %get3A_979] {strides = array<i32>} : memref<32x32xf32, #tpu.memory_space<vmem>>, vector<1x16xf32>,
    %get3A_981 = vector.shape_cast %get3A_980 : vector<1x16xf32> to vector<16xf32>
    %get3A_982 = arith.constant 12 : i32
    %get3A_983 = arith.index_cast %get3A_982 : i32 to index
    %get3A_984 = arith.constant 16 : index
    %get3A_985 = tpu.vector_load %arg13[%get3A_983, %get3A_984] {strides = array<i32>} : memref<32x32xf32, #tpu.memory_space<vmem>>, vector<1x16xf32>,
    %get3A_986 = vector.shape_cast %get3A_985 : vector<1x16xf32> to vector<16xf32>
    %get3A_987 = arith.constant 12 : i32
    %get3A_988 = arith.index_cast %get3A_987 : i32 to index
    %get3A_989 = arith.constant 16 : index
    %get3A_990 = tpu.vector_load %arg14[%get3A_988, %get3A_989] {strides = array<i32>} : memref<32x32xf32, #tpu.memory_space<vmem>>, vector<1x16xf32>,
    %get3A_991 = vector.shape_cast %get3A_990 : vector<1x16xf32> to vector<16xf32>
    %mul3A_992 = arith.mulf %get3A_986, %get3A_976 : vector<16xf32>
    %mul3A_993 = arith.mulf %get3A_991, %get3A_981 : vector<16xf32>
    %sub3A_994 = arith.subf %mul3A_992, %mul3A_993 : vector<16xf32>
    %swap3A_995 = arith.constant 12 : i32
    %swap3A_996 = arith.index_cast %swap3A_995 : i32 to index
    %swap3A_997 = arith.constant 16 : index
    %swap3A_998 = tpu.vector_load %arg15[%swap3A_996, %swap3A_997] {strides = array<i32>} : memref<32x64xf32, #tpu.memory_space<vmem>>, vector<1x16xf32>,
    %swap3A_999 = vector.shape_cast %swap3A_998 : vector<1x16xf32> to vector<16xf32>
    %swap3A_1000 = vector.shape_cast %sub3A_994 : vector<16xf32> to vector<1x16xf32>
    tpu.vector_store %arg15[%swap3A_996, %swap3A_997], %swap3A_1000 {strides = array<i32>} : memref<32x64xf32, #tpu.memory_space<vmem>>, vector<1x16xf32>,
    %mul3A_1001 = arith.mulf %get3A_986, %get3A_981 : vector<16xf32>
    %mul3A_1002 = arith.mulf %get3A_991, %get3A_976 : vector<16xf32>
    %add3A_1003 = arith.addf %mul3A_1001, %mul3A_1002 : vector<16xf32>
    %swap3A_1004 = arith.constant 12 : i32
    %swap3A_1005 = arith.index_cast %swap3A_1004 : i32 to index
    %swap3A_1006 = arith.constant 48 : index
    %swap3A_1007 = tpu.vector_load %arg15[%swap3A_1005, %swap3A_1006] {strides = array<i32>} : memref<32x64xf32, #tpu.memory_space<vmem>>, vector<1x16xf32>,
    %swap3A_1008 = vector.shape_cast %swap3A_1007 : vector<1x16xf32> to vector<16xf32>
    %swap3A_1009 = vector.shape_cast %add3A_1003 : vector<16xf32> to vector<1x16xf32>
    tpu.vector_store %arg15[%swap3A_1005, %swap3A_1006], %swap3A_1009 {strides = array<i32>} : memref<32x64xf32, #tpu.memory_space<vmem>>, vector<1x16xf32>,
    %get3A_1010 = arith.constant 13 : i32
    %get3A_1011 = arith.index_cast %get3A_1010 : i32 to index
    %get3A_1012 = arith.constant 0 : index
    %get3A_1013 = tpu.vector_load %arg11[%get3A_1011, %get3A_1012] {strides = array<i32>} : memref<32x32xf32, #tpu.memory_space<vmem>>, vector<1x16xf32>,
    %get3A_1014 = vector.shape_cast %get3A_1013 : vector<1x16xf32> to vector<16xf32>
    %get3A_1015 = arith.constant 13 : i32
    %get3A_1016 = arith.index_cast %get3A_1015 : i32 to index
    %get3A_1017 = arith.constant 0 : index
    %get3A_1018 = tpu.vector_load %arg12[%get3A_1016, %get3A_1017] {strides = array<i32>} : memref<32x32xf32, #tpu.memory_space<vmem>>, vector<1x16xf32>,
    %get3A_1019 = vector.shape_cast %get3A_1018 : vector<1x16xf32> to vector<16xf32>
    %get3A_1020 = arith.constant 13 : i32
    %get3A_1021 = arith.index_cast %get3A_1020 : i32 to index
    %get3A_1022 = arith.constant 0 : index
    %get3A_1023 = tpu.vector_load %arg13[%get3A_1021, %get3A_1022] {strides = array<i32>} : memref<32x32xf32, #tpu.memory_space<vmem>>, vector<1x16xf32>,
    %get3A_1024 = vector.shape_cast %get3A_1023 : vector<1x16xf32> to vector<16xf32>
    %get3A_1025 = arith.constant 13 : i32
    %get3A_1026 = arith.index_cast %get3A_1025 : i32 to index
    %get3A_1027 = arith.constant 0 : index
    %get3A_1028 = tpu.vector_load %arg14[%get3A_1026, %get3A_1027] {strides = array<i32>} : memref<32x32xf32, #tpu.memory_space<vmem>>, vector<1x16xf32>,
    %get3A_1029 = vector.shape_cast %get3A_1028 : vector<1x16xf32> to vector<16xf32>
    %mul3A_1030 = arith.mulf %get3A_1024, %get3A_1014 : vector<16xf32>
    %mul3A_1031 = arith.mulf %get3A_1029, %get3A_1019 : vector<16xf32>
    %sub3A_1032 = arith.subf %mul3A_1030, %mul3A_1031 : vector<16xf32>
    %swap3A_1033 = arith.constant 13 : i32
    %swap3A_1034 = arith.index_cast %swap3A_1033 : i32 to index
    %swap3A_1035 = arith.constant 0 : index
    %swap3A_1036 = tpu.vector_load %arg15[%swap3A_1034, %swap3A_1035] {strides = array<i32>} : memref<32x64xf32, #tpu.memory_space<vmem>>, vector<1x16xf32>,
    %swap3A_1037 = vector.shape_cast %swap3A_1036 : vector<1x16xf32> to vector<16xf32>
    %swap3A_1038 = vector.shape_cast %sub3A_1032 : vector<16xf32> to vector<1x16xf32>
    tpu.vector_store %arg15[%swap3A_1034, %swap3A_1035], %swap3A_1038 {strides = array<i32>} : memref<32x64xf32, #tpu.memory_space<vmem>>, vector<1x16xf32>,
    %mul3A_1039 = arith.mulf %get3A_1024, %get3A_1019 : vector<16xf32>
    %mul3A_1040 = arith.mulf %get3A_1029, %get3A_1014 : vector<16xf32>
    %add3A_1041 = arith.addf %mul3A_1039, %mul3A_1040 : vector<16xf32>
    %swap3A_1042 = arith.constant 13 : i32
    %swap3A_1043 = arith.index_cast %swap3A_1042 : i32 to index
    %swap3A_1044 = arith.constant 32 : index
    %swap3A_1045 = tpu.vector_load %arg15[%swap3A_1043, %swap3A_1044] {strides = array<i32>} : memref<32x64xf32, #tpu.memory_space<vmem>>, vector<1x16xf32>,
    %swap3A_1046 = vector.shape_cast %swap3A_1045 : vector<1x16xf32> to vector<16xf32>
    %swap3A_1047 = vector.shape_cast %add3A_1041 : vector<16xf32> to vector<1x16xf32>
    tpu.vector_store %arg15[%swap3A_1043, %swap3A_1044], %swap3A_1047 {strides = array<i32>} : memref<32x64xf32, #tpu.memory_space<vmem>>, vector<1x16xf32>,
    %get3A_1048 = arith.constant 13 : i32
    %get3A_1049 = arith.index_cast %get3A_1048 : i32 to index
    %get3A_1050 = arith.constant 16 : index
    %get3A_1051 = tpu.vector_load %arg11[%get3A_1049, %get3A_1050] {strides = array<i32>} : memref<32x32xf32, #tpu.memory_space<vmem>>, vector<1x16xf32>,
    %get3A_1052 = vector.shape_cast %get3A_1051 : vector<1x16xf32> to vector<16xf32>
    %get3A_1053 = arith.constant 13 : i32
    %get3A_1054 = arith.index_cast %get3A_1053 : i32 to index
    %get3A_1055 = arith.constant 16 : index
    %get3A_1056 = tpu.vector_load %arg12[%get3A_1054, %get3A_1055] {strides = array<i32>} : memref<32x32xf32, #tpu.memory_space<vmem>>, vector<1x16xf32>,
    %get3A_1057 = vector.shape_cast %get3A_1056 : vector<1x16xf32> to vector<16xf32>
    %get3A_1058 = arith.constant 13 : i32
    %get3A_1059 = arith.index_cast %get3A_1058 : i32 to index
    %get3A_1060 = arith.constant 16 : index
    %get3A_1061 = tpu.vector_load %arg13[%get3A_1059, %get3A_1060] {strides = array<i32>} : memref<32x32xf32, #tpu.memory_space<vmem>>, vector<1x16xf32>,
    %get3A_1062 = vector.shape_cast %get3A_1061 : vector<1x16xf32> to vector<16xf32>
    %get3A_1063 = arith.constant 13 : i32
    %get3A_1064 = arith.index_cast %get3A_1063 : i32 to index
    %get3A_1065 = arith.constant 16 : index
    %get3A_1066 = tpu.vector_load %arg14[%get3A_1064, %get3A_1065] {strides = array<i32>} : memref<32x32xf32, #tpu.memory_space<vmem>>, vector<1x16xf32>,
    %get3A_1067 = vector.shape_cast %get3A_1066 : vector<1x16xf32> to vector<16xf32>
    %mul3A_1068 = arith.mulf %get3A_1062, %get3A_1052 : vector<16xf32>
    %mul3A_1069 = arith.mulf %get3A_1067, %get3A_1057 : vector<16xf32>
    %sub3A_1070 = arith.subf %mul3A_1068, %mul3A_1069 : vector<16xf32>
    %swap3A_1071 = arith.constant 13 : i32
    %swap3A_1072 = arith.index_cast %swap3A_1071 : i32 to index
    %swap3A_1073 = arith.constant 16 : index
    %swap3A_1074 = tpu.vector_load %arg15[%swap3A_1072, %swap3A_1073] {strides = array<i32>} : memref<32x64xf32, #tpu.memory_space<vmem>>, vector<1x16xf32>,
    %swap3A_1075 = vector.shape_cast %swap3A_1074 : vector<1x16xf32> to vector<16xf32>
    %swap3A_1076 = vector.shape_cast %sub3A_1070 : vector<16xf32> to vector<1x16xf32>
    tpu.vector_store %arg15[%swap3A_1072, %swap3A_1073], %swap3A_1076 {strides = array<i32>} : memref<32x64xf32, #tpu.memory_space<vmem>>, vector<1x16xf32>,
    %mul3A_1077 = arith.mulf %get3A_1062, %get3A_1057 : vector<16xf32>
    %mul3A_1078 = arith.mulf %get3A_1067, %get3A_1052 : vector<16xf32>
    %add3A_1079 = arith.addf %mul3A_1077, %mul3A_1078 : vector<16xf32>
    %swap3A_1080 = arith.constant 13 : i32
    %swap3A_1081 = arith.index_cast %swap3A_1080 : i32 to index
    %swap3A_1082 = arith.constant 48 : index
    %swap3A_1083 = tpu.vector_load %arg15[%swap3A_1081, %swap3A_1082] {strides = array<i32>} : memref<32x64xf32, #tpu.memory_space<vmem>>, vector<1x16xf32>,
    %swap3A_1084 = vector.shape_cast %swap3A_1083 : vector<1x16xf32> to vector<16xf32>
    %swap3A_1085 = vector.shape_cast %add3A_1079 : vector<16xf32> to vector<1x16xf32>
    tpu.vector_store %arg15[%swap3A_1081, %swap3A_1082], %swap3A_1085 {strides = array<i32>} : memref<32x64xf32, #tpu.memory_space<vmem>>, vector<1x16xf32>,
    %get3A_1086 = arith.constant 14 : i32
    %get3A_1087 = arith.index_cast %get3A_1086 : i32 to index
    %get3A_1088 = arith.constant 0 : index
    %get3A_1089 = tpu.vector_load %arg11[%get3A_1087, %get3A_1088] {strides = array<i32>} : memref<32x32xf32, #tpu.memory_space<vmem>>, vector<1x16xf32>,
    %get3A_1090 = vector.shape_cast %get3A_1089 : vector<1x16xf32> to vector<16xf32>
    %get3A_1091 = arith.constant 14 : i32
    %get3A_1092 = arith.index_cast %get3A_1091 : i32 to index
    %get3A_1093 = arith.constant 0 : index
    %get3A_1094 = tpu.vector_load %arg12[%get3A_1092, %get3A_1093] {strides = array<i32>} : memref<32x32xf32, #tpu.memory_space<vmem>>, vector<1x16xf32>,
    %get3A_1095 = vector.shape_cast %get3A_1094 : vector<1x16xf32> to vector<16xf32>
    %get3A_1096 = arith.constant 14 : i32
    %get3A_1097 = arith.index_cast %get3A_1096 : i32 to index
    %get3A_1098 = arith.constant 0 : index
    %get3A_1099 = tpu.vector_load %arg13[%get3A_1097, %get3A_1098] {strides = array<i32>} : memref<32x32xf32, #tpu.memory_space<vmem>>, vector<1x16xf32>,
    %get3A_1100 = vector.shape_cast %get3A_1099 : vector<1x16xf32> to vector<16xf32>
    %get3A_1101 = arith.constant 14 : i32
    %get3A_1102 = arith.index_cast %get3A_1101 : i32 to index
    %get3A_1103 = arith.constant 0 : index
    %get3A_1104 = tpu.vector_load %arg14[%get3A_1102, %get3A_1103] {strides = array<i32>} : memref<32x32xf32, #tpu.memory_space<vmem>>, vector<1x16xf32>,
    %get3A_1105 = vector.shape_cast %get3A_1104 : vector<1x16xf32> to vector<16xf32>
    %mul3A_1106 = arith.mulf %get3A_1100, %get3A_1090 : vector<16xf32>
    %mul3A_1107 = arith.mulf %get3A_1105, %get3A_1095 : vector<16xf32>
    %sub3A_1108 = arith.subf %mul3A_1106, %mul3A_1107 : vector<16xf32>
    %swap3A_1109 = arith.constant 14 : i32
    %swap3A_1110 = arith.index_cast %swap3A_1109 : i32 to index
    %swap3A_1111 = arith.constant 0 : index
    %swap3A_1112 = tpu.vector_load %arg15[%swap3A_1110, %swap3A_1111] {strides = array<i32>} : memref<32x64xf32, #tpu.memory_space<vmem>>, vector<1x16xf32>,
    %swap3A_1113 = vector.shape_cast %swap3A_1112 : vector<1x16xf32> to vector<16xf32>
    %swap3A_1114 = vector.shape_cast %sub3A_1108 : vector<16xf32> to vector<1x16xf32>
    tpu.vector_store %arg15[%swap3A_1110, %swap3A_1111], %swap3A_1114 {strides = array<i32>} : memref<32x64xf32, #tpu.memory_space<vmem>>, vector<1x16xf32>,
    %mul3A_1115 = arith.mulf %get3A_1100, %get3A_1095 : vector<16xf32>
    %mul3A_1116 = arith.mulf %get3A_1105, %get3A_1090 : vector<16xf32>
    %add3A_1117 = arith.addf %mul3A_1115, %mul3A_1116 : vector<16xf32>
    %swap3A_1118 = arith.constant 14 : i32
    %swap3A_1119 = arith.index_cast %swap3A_1118 : i32 to index
    %swap3A_1120 = arith.constant 32 : index
    %swap3A_1121 = tpu.vector_load %arg15[%swap3A_1119, %swap3A_1120] {strides = array<i32>} : memref<32x64xf32, #tpu.memory_space<vmem>>, vector<1x16xf32>,
    %swap3A_1122 = vector.shape_cast %swap3A_1121 : vector<1x16xf32> to vector<16xf32>
    %swap3A_1123 = vector.shape_cast %add3A_1117 : vector<16xf32> to vector<1x16xf32>
    tpu.vector_store %arg15[%swap3A_1119, %swap3A_1120], %swap3A_1123 {strides = array<i32>} : memref<32x64xf32, #tpu.memory_space<vmem>>, vector<1x16xf32>,
    %get3A_1124 = arith.constant 14 : i32
    %get3A_1125 = arith.index_cast %get3A_1124 : i32 to index
    %get3A_1126 = arith.constant 16 : index
    %get3A_1127 = tpu.vector_load %arg11[%get3A_1125, %get3A_1126] {strides = array<i32>} : memref<32x32xf32, #tpu.memory_space<vmem>>, vector<1x16xf32>,
    %get3A_1128 = vector.shape_cast %get3A_1127 : vector<1x16xf32> to vector<16xf32>
    %get3A_1129 = arith.constant 14 : i32
    %get3A_1130 = arith.index_cast %get3A_1129 : i32 to index
    %get3A_1131 = arith.constant 16 : index
    %get3A_1132 = tpu.vector_load %arg12[%get3A_1130, %get3A_1131] {strides = array<i32>} : memref<32x32xf32, #tpu.memory_space<vmem>>, vector<1x16xf32>,
    %get3A_1133 = vector.shape_cast %get3A_1132 : vector<1x16xf32> to vector<16xf32>
    %get3A_1134 = arith.constant 14 : i32
    %get3A_1135 = arith.index_cast %get3A_1134 : i32 to index
    %get3A_1136 = arith.constant 16 : index
    %get3A_1137 = tpu.vector_load %arg13[%get3A_1135, %get3A_1136] {strides = array<i32>} : memref<32x32xf32, #tpu.memory_space<vmem>>, vector<1x16xf32>,
    %get3A_1138 = vector.shape_cast %get3A_1137 : vector<1x16xf32> to vector<16xf32>
    %get3A_1139 = arith.constant 14 : i32
    %get3A_1140 = arith.index_cast %get3A_1139 : i32 to index
    %get3A_1141 = arith.constant 16 : index
    %get3A_1142 = tpu.vector_load %arg14[%get3A_1140, %get3A_1141] {strides = array<i32>} : memref<32x32xf32, #tpu.memory_space<vmem>>, vector<1x16xf32>,
    %get3A_1143 = vector.shape_cast %get3A_1142 : vector<1x16xf32> to vector<16xf32>
    %mul3A_1144 = arith.mulf %get3A_1138, %get3A_1128 : vector<16xf32>
    %mul3A_1145 = arith.mulf %get3A_1143, %get3A_1133 : vector<16xf32>
    %sub3A_1146 = arith.subf %mul3A_1144, %mul3A_1145 : vector<16xf32>
    %swap3A_1147 = arith.constant 14 : i32
    %swap3A_1148 = arith.index_cast %swap3A_1147 : i32 to index
    %swap3A_1149 = arith.constant 16 : index
    %swap3A_1150 = tpu.vector_load %arg15[%swap3A_1148, %swap3A_1149] {strides = array<i32>} : memref<32x64xf32, #tpu.memory_space<vmem>>, vector<1x16xf32>,
    %swap3A_1151 = vector.shape_cast %swap3A_1150 : vector<1x16xf32> to vector<16xf32>
    %swap3A_1152 = vector.shape_cast %sub3A_1146 : vector<16xf32> to vector<1x16xf32>
    tpu.vector_store %arg15[%swap3A_1148, %swap3A_1149], %swap3A_1152 {strides = array<i32>} : memref<32x64xf32, #tpu.memory_space<vmem>>, vector<1x16xf32>,
    %mul3A_1153 = arith.mulf %get3A_1138, %get3A_1133 : vector<16xf32>
    %mul3A_1154 = arith.mulf %get3A_1143, %get3A_1128 : vector<16xf32>
    %add3A_1155 = arith.addf %mul3A_1153, %mul3A_1154 : vector<16xf32>
    %swap3A_1156 = arith.constant 14 : i32
    %swap3A_1157 = arith.index_cast %swap3A_1156 : i32 to index
    %swap3A_1158 = arith.constant 48 : index
    %swap3A_1159 = tpu.vector_load %arg15[%swap3A_1157, %swap3A_1158] {strides = array<i32>} : memref<32x64xf32, #tpu.memory_space<vmem>>, vector<1x16xf32>,
    %swap3A_1160 = vector.shape_cast %swap3A_1159 : vector<1x16xf32> to vector<16xf32>
    %swap3A_1161 = vector.shape_cast %add3A_1155 : vector<16xf32> to vector<1x16xf32>
    tpu.vector_store %arg15[%swap3A_1157, %swap3A_1158], %swap3A_1161 {strides = array<i32>} : memref<32x64xf32, #tpu.memory_space<vmem>>, vector<1x16xf32>,
    %get3A_1162 = arith.constant 15 : i32
    %get3A_1163 = arith.index_cast %get3A_1162 : i32 to index
    %get3A_1164 = arith.constant 0 : index
    %get3A_1165 = tpu.vector_load %arg11[%get3A_1163, %get3A_1164] {strides = array<i32>} : memref<32x32xf32, #tpu.memory_space<vmem>>, vector<1x16xf32>,
    %get3A_1166 = vector.shape_cast %get3A_1165 : vector<1x16xf32> to vector<16xf32>
    %get3A_1167 = arith.constant 15 : i32
    %get3A_1168 = arith.index_cast %get3A_1167 : i32 to index
    %get3A_1169 = arith.constant 0 : index
    %get3A_1170 = tpu.vector_load %arg12[%get3A_1168, %get3A_1169] {strides = array<i32>} : memref<32x32xf32, #tpu.memory_space<vmem>>, vector<1x16xf32>,
    %get3A_1171 = vector.shape_cast %get3A_1170 : vector<1x16xf32> to vector<16xf32>
    %get3A_1172 = arith.constant 15 : i32
    %get3A_1173 = arith.index_cast %get3A_1172 : i32 to index
    %get3A_1174 = arith.constant 0 : index
    %get3A_1175 = tpu.vector_load %arg13[%get3A_1173, %get3A_1174] {strides = array<i32>} : memref<32x32xf32, #tpu.memory_space<vmem>>, vector<1x16xf32>,
    %get3A_1176 = vector.shape_cast %get3A_1175 : vector<1x16xf32> to vector<16xf32>
    %get3A_1177 = arith.constant 15 : i32
    %get3A_1178 = arith.index_cast %get3A_1177 : i32 to index
    %get3A_1179 = arith.constant 0 : index
    %get3A_1180 = tpu.vector_load %arg14[%get3A_1178, %get3A_1179] {strides = array<i32>} : memref<32x32xf32, #tpu.memory_space<vmem>>, vector<1x16xf32>,
    %get3A_1181 = vector.shape_cast %get3A_1180 : vector<1x16xf32> to vector<16xf32>
    %mul3A_1182 = arith.mulf %get3A_1176, %get3A_1166 : vector<16xf32>
    %mul3A_1183 = arith.mulf %get3A_1181, %get3A_1171 : vector<16xf32>
    %sub3A_1184 = arith.subf %mul3A_1182, %mul3A_1183 : vector<16xf32>
    %swap3A_1185 = arith.constant 15 : i32
    %swap3A_1186 = arith.index_cast %swap3A_1185 : i32 to index
    %swap3A_1187 = arith.constant 0 : index
    %swap3A_1188 = tpu.vector_load %arg15[%swap3A_1186, %swap3A_1187] {strides = array<i32>} : memref<32x64xf32, #tpu.memory_space<vmem>>, vector<1x16xf32>,
    %swap3A_1189 = vector.shape_cast %swap3A_1188 : vector<1x16xf32> to vector<16xf32>
    %swap3A_1190 = vector.shape_cast %sub3A_1184 : vector<16xf32> to vector<1x16xf32>
    tpu.vector_store %arg15[%swap3A_1186, %swap3A_1187], %swap3A_1190 {strides = array<i32>} : memref<32x64xf32, #tpu.memory_space<vmem>>, vector<1x16xf32>,
    %mul3A_1191 = arith.mulf %get3A_1176, %get3A_1171 : vector<16xf32>
    %mul3A_1192 = arith.mulf %get3A_1181, %get3A_1166 : vector<16xf32>
    %add3A_1193 = arith.addf %mul3A_1191, %mul3A_1192 : vector<16xf32>
    %swap3A_1194 = arith.constant 15 : i32
    %swap3A_1195 = arith.index_cast %swap3A_1194 : i32 to index
    %swap3A_1196 = arith.constant 32 : index
    %swap3A_1197 = tpu.vector_load %arg15[%swap3A_1195, %swap3A_1196] {strides = array<i32>} : memref<32x64xf32, #tpu.memory_space<vmem>>, vector<1x16xf32>,
    %swap3A_1198 = vector.shape_cast %swap3A_1197 : vector<1x16xf32> to vector<16xf32>
    %swap3A_1199 = vector.shape_cast %add3A_1193 : vector<16xf32> to vector<1x16xf32>
    tpu.vector_store %arg15[%swap3A_1195, %swap3A_1196], %swap3A_1199 {strides = array<i32>} : memref<32x64xf32, #tpu.memory_space<vmem>>, vector<1x16xf32>,
    %get3A_1200 = arith.constant 15 : i32
    %get3A_1201 = arith.index_cast %get3A_1200 : i32 to index
    %get3A_1202 = arith.constant 16 : index
    %get3A_1203 = tpu.vector_load %arg11[%get3A_1201, %get3A_1202] {strides = array<i32>} : memref<32x32xf32, #tpu.memory_space<vmem>>, vector<1x16xf32>,
    %get3A_1204 = vector.shape_cast %get3A_1203 : vector<1x16xf32> to vector<16xf32>
    %get3A_1205 = arith.constant 15 : i32
    %get3A_1206 = arith.index_cast %get3A_1205 : i32 to index
    %get3A_1207 = arith.constant 16 : index
    %get3A_1208 = tpu.vector_load %arg12[%get3A_1206, %get3A_1207] {strides = array<i32>} : memref<32x32xf32, #tpu.memory_space<vmem>>, vector<1x16xf32>,
    %get3A_1209 = vector.shape_cast %get3A_1208 : vector<1x16xf32> to vector<16xf32>
    %get3A_1210 = arith.constant 15 : i32
    %get3A_1211 = arith.index_cast %get3A_1210 : i32 to index
    %get3A_1212 = arith.constant 16 : index
    %get3A_1213 = tpu.vector_load %arg13[%get3A_1211, %get3A_1212] {strides = array<i32>} : memref<32x32xf32, #tpu.memory_space<vmem>>, vector<1x16xf32>,
    %get3A_1214 = vector.shape_cast %get3A_1213 : vector<1x16xf32> to vector<16xf32>
    %get3A_1215 = arith.constant 15 : i32
    %get3A_1216 = arith.index_cast %get3A_1215 : i32 to index
    %get3A_1217 = arith.constant 16 : index
    %get3A_1218 = tpu.vector_load %arg14[%get3A_1216, %get3A_1217] {strides = array<i32>} : memref<32x32xf32, #tpu.memory_space<vmem>>, vector<1x16xf32>,
    %get3A_1219 = vector.shape_cast %get3A_1218 : vector<1x16xf32> to vector<16xf32>
    %mul3A_1220 = arith.mulf %get3A_1214, %get3A_1204 : vector<16xf32>
    %mul3A_1221 = arith.mulf %get3A_1219, %get3A_1209 : vector<16xf32>
    %sub3A_1222 = arith.subf %mul3A_1220, %mul3A_1221 : vector<16xf32>
    %swap3A_1223 = arith.constant 15 : i32
    %swap3A_1224 = arith.index_cast %swap3A_1223 : i32 to index
    %swap3A_1225 = arith.constant 16 : index
    %swap3A_1226 = tpu.vector_load %arg15[%swap3A_1224, %swap3A_1225] {strides = array<i32>} : memref<32x64xf32, #tpu.memory_space<vmem>>, vector<1x16xf32>,
    %swap3A_1227 = vector.shape_cast %swap3A_1226 : vector<1x16xf32> to vector<16xf32>
    %swap3A_1228 = vector.shape_cast %sub3A_1222 : vector<16xf32> to vector<1x16xf32>
    tpu.vector_store %arg15[%swap3A_1224, %swap3A_1225], %swap3A_1228 {strides = array<i32>} : memref<32x64xf32, #tpu.memory_space<vmem>>, vector<1x16xf32>,
    %mul3A_1229 = arith.mulf %get3A_1214, %get3A_1209 : vector<16xf32>
    %mul3A_1230 = arith.mulf %get3A_1219, %get3A_1204 : vector<16xf32>
    %add3A_1231 = arith.addf %mul3A_1229, %mul3A_1230 : vector<16xf32>
    %swap3A_1232 = arith.constant 15 : i32
    %swap3A_1233 = arith.index_cast %swap3A_1232 : i32 to index
    %swap3A_1234 = arith.constant 48 : index
    %swap3A_1235 = tpu.vector_load %arg15[%swap3A_1233, %swap3A_1234] {strides = array<i32>} : memref<32x64xf32, #tpu.memory_space<vmem>>, vector<1x16xf32>,
    %swap3A_1236 = vector.shape_cast %swap3A_1235 : vector<1x16xf32> to vector<16xf32>
    %swap3A_1237 = vector.shape_cast %add3A_1231 : vector<16xf32> to vector<1x16xf32>
    tpu.vector_store %arg15[%swap3A_1233, %swap3A_1234], %swap3A_1237 {strides = array<i32>} : memref<32x64xf32, #tpu.memory_space<vmem>>, vector<1x16xf32>,
    %get3A_1238 = arith.constant 16 : i32
    %get3A_1239 = arith.index_cast %get3A_1238 : i32 to index
    %get3A_1240 = arith.constant 0 : index
    %get3A_1241 = tpu.vector_load %arg11[%get3A_1239, %get3A_1240] {strides = array<i32>} : memref<32x32xf32, #tpu.memory_space<vmem>>, vector<1x16xf32>,
    %get3A_1242 = vector.shape_cast %get3A_1241 : vector<1x16xf32> to vector<16xf32>
    %get3A_1243 = arith.constant 16 : i32
    %get3A_1244 = arith.index_cast %get3A_1243 : i32 to index
    %get3A_1245 = arith.constant 0 : index
    %get3A_1246 = tpu.vector_load %arg12[%get3A_1244, %get3A_1245] {strides = array<i32>} : memref<32x32xf32, #tpu.memory_space<vmem>>, vector<1x16xf32>,
    %get3A_1247 = vector.shape_cast %get3A_1246 : vector<1x16xf32> to vector<16xf32>
    %get3A_1248 = arith.constant 16 : i32
    %get3A_1249 = arith.index_cast %get3A_1248 : i32 to index
    %get3A_1250 = arith.constant 0 : index
    %get3A_1251 = tpu.vector_load %arg13[%get3A_1249, %get3A_1250] {strides = array<i32>} : memref<32x32xf32, #tpu.memory_space<vmem>>, vector<1x16xf32>,
    %get3A_1252 = vector.shape_cast %get3A_1251 : vector<1x16xf32> to vector<16xf32>
    %get3A_1253 = arith.constant 16 : i32
    %get3A_1254 = arith.index_cast %get3A_1253 : i32 to index
    %get3A_1255 = arith.constant 0 : index
    %get3A_1256 = tpu.vector_load %arg14[%get3A_1254, %get3A_1255] {strides = array<i32>} : memref<32x32xf32, #tpu.memory_space<vmem>>, vector<1x16xf32>,
    %get3A_1257 = vector.shape_cast %get3A_1256 : vector<1x16xf32> to vector<16xf32>
    %mul3A_1258 = arith.mulf %get3A_1252, %get3A_1242 : vector<16xf32>
    %mul3A_1259 = arith.mulf %get3A_1257, %get3A_1247 : vector<16xf32>
    %sub3A_1260 = arith.subf %mul3A_1258, %mul3A_1259 : vector<16xf32>
    %swap3A_1261 = arith.constant 16 : i32
    %swap3A_1262 = arith.index_cast %swap3A_1261 : i32 to index
    %swap3A_1263 = arith.constant 0 : index
    %swap3A_1264 = tpu.vector_load %arg15[%swap3A_1262, %swap3A_1263] {strides = array<i32>} : memref<32x64xf32, #tpu.memory_space<vmem>>, vector<1x16xf32>,
    %swap3A_1265 = vector.shape_cast %swap3A_1264 : vector<1x16xf32> to vector<16xf32>
    %swap3A_1266 = vector.shape_cast %sub3A_1260 : vector<16xf32> to vector<1x16xf32>
    tpu.vector_store %arg15[%swap3A_1262, %swap3A_1263], %swap3A_1266 {strides = array<i32>} : memref<32x64xf32, #tpu.memory_space<vmem>>, vector<1x16xf32>,
    %mul3A_1267 = arith.mulf %get3A_1252, %get3A_1247 : vector<16xf32>
    %mul3A_1268 = arith.mulf %get3A_1257, %get3A_1242 : vector<16xf32>
    %add3A_1269 = arith.addf %mul3A_1267, %mul3A_1268 : vector<16xf32>
    %swap3A_1270 = arith.constant 16 : i32
    %swap3A_1271 = arith.index_cast %swap3A_1270 : i32 to index
    %swap3A_1272 = arith.constant 32 : index
    %swap3A_1273 = tpu.vector_load %arg15[%swap3A_1271, %swap3A_1272] {strides = array<i32>} : memref<32x64xf32, #tpu.memory_space<vmem>>, vector<1x16xf32>,
    %swap3A_1274 = vector.shape_cast %swap3A_1273 : vector<1x16xf32> to vector<16xf32>
    %swap3A_1275 = vector.shape_cast %add3A_1269 : vector<16xf32> to vector<1x16xf32>
    tpu.vector_store %arg15[%swap3A_1271, %swap3A_1272], %swap3A_1275 {strides = array<i32>} : memref<32x64xf32, #tpu.memory_space<vmem>>, vector<1x16xf32>,
    %get3A_1276 = arith.constant 16 : i32
    %get3A_1277 = arith.index_cast %get3A_1276 : i32 to index
    %get3A_1278 = arith.constant 16 : index
    %get3A_1279 = tpu.vector_load %arg11[%get3A_1277, %get3A_1278] {strides = array<i32>} : memref<32x32xf32, #tpu.memory_space<vmem>>, vector<1x16xf32>,
    %get3A_1280 = vector.shape_cast %get3A_1279 : vector<1x16xf32> to vector<16xf32>
    %get3A_1281 = arith.constant 16 : i32
    %get3A_1282 = arith.index_cast %get3A_1281 : i32 to index
    %get3A_1283 = arith.constant 16 : index
    %get3A_1284 = tpu.vector_load %arg12[%get3A_1282, %get3A_1283] {strides = array<i32>} : memref<32x32xf32, #tpu.memory_space<vmem>>, vector<1x16xf32>,
    %get3A_1285 = vector.shape_cast %get3A_1284 : vector<1x16xf32> to vector<16xf32>
    %get3A_1286 = arith.constant 16 : i32
    %get3A_1287 = arith.index_cast %get3A_1286 : i32 to index
    %get3A_1288 = arith.constant 16 : index
    %get3A_1289 = tpu.vector_load %arg13[%get3A_1287, %get3A_1288] {strides = array<i32>} : memref<32x32xf32, #tpu.memory_space<vmem>>, vector<1x16xf32>,
    %get3A_1290 = vector.shape_cast %get3A_1289 : vector<1x16xf32> to vector<16xf32>
    %get3A_1291 = arith.constant 16 : i32
    %get3A_1292 = arith.index_cast %get3A_1291 : i32 to index
    %get3A_1293 = arith.constant 16 : index
    %get3A_1294 = tpu.vector_load %arg14[%get3A_1292, %get3A_1293] {strides = array<i32>} : memref<32x32xf32, #tpu.memory_space<vmem>>, vector<1x16xf32>,
    %get3A_1295 = vector.shape_cast %get3A_1294 : vector<1x16xf32> to vector<16xf32>
    %mul3A_1296 = arith.mulf %get3A_1290, %get3A_1280 : vector<16xf32>
    %mul3A_1297 = arith.mulf %get3A_1295, %get3A_1285 : vector<16xf32>
    %sub3A_1298 = arith.subf %mul3A_1296, %mul3A_1297 : vector<16xf32>
    %swap3A_1299 = arith.constant 16 : i32
    %swap3A_1300 = arith.index_cast %swap3A_1299 : i32 to index
    %swap3A_1301 = arith.constant 16 : index
    %swap3A_1302 = tpu.vector_load %arg15[%swap3A_1300, %swap3A_1301] {strides = array<i32>} : memref<32x64xf32, #tpu.memory_space<vmem>>, vector<1x16xf32>,
    %swap3A_1303 = vector.shape_cast %swap3A_1302 : vector<1x16xf32> to vector<16xf32>
    %swap3A_1304 = vector.shape_cast %sub3A_1298 : vector<16xf32> to vector<1x16xf32>
    tpu.vector_store %arg15[%swap3A_1300, %swap3A_1301], %swap3A_1304 {strides = array<i32>} : memref<32x64xf32, #tpu.memory_space<vmem>>, vector<1x16xf32>,
    %mul3A_1305 = arith.mulf %get3A_1290, %get3A_1285 : vector<16xf32>
    %mul3A_1306 = arith.mulf %get3A_1295, %get3A_1280 : vector<16xf32>
    %add3A_1307 = arith.addf %mul3A_1305, %mul3A_1306 : vector<16xf32>
    %swap3A_1308 = arith.constant 16 : i32
    %swap3A_1309 = arith.index_cast %swap3A_1308 : i32 to index
    %swap3A_1310 = arith.constant 48 : index
    %swap3A_1311 = tpu.vector_load %arg15[%swap3A_1309, %swap3A_1310] {strides = array<i32>} : memref<32x64xf32, #tpu.memory_space<vmem>>, vector<1x16xf32>,
    %swap3A_1312 = vector.shape_cast %swap3A_1311 : vector<1x16xf32> to vector<16xf32>
    %swap3A_1313 = vector.shape_cast %add3A_1307 : vector<16xf32> to vector<1x16xf32>
    tpu.vector_store %arg15[%swap3A_1309, %swap3A_1310], %swap3A_1313 {strides = array<i32>} : memref<32x64xf32, #tpu.memory_space<vmem>>, vector<1x16xf32>,
    %get3A_1314 = arith.constant 17 : i32
    %get3A_1315 = arith.index_cast %get3A_1314 : i32 to index
    %get3A_1316 = arith.constant 0 : index
    %get3A_1317 = tpu.vector_load %arg11[%get3A_1315, %get3A_1316] {strides = array<i32>} : memref<32x32xf32, #tpu.memory_space<vmem>>, vector<1x16xf32>,
    %get3A_1318 = vector.shape_cast %get3A_1317 : vector<1x16xf32> to vector<16xf32>
    %get3A_1319 = arith.constant 17 : i32
    %get3A_1320 = arith.index_cast %get3A_1319 : i32 to index
    %get3A_1321 = arith.constant 0 : index
    %get3A_1322 = tpu.vector_load %arg12[%get3A_1320, %get3A_1321] {strides = array<i32>} : memref<32x32xf32, #tpu.memory_space<vmem>>, vector<1x16xf32>,
    %get3A_1323 = vector.shape_cast %get3A_1322 : vector<1x16xf32> to vector<16xf32>
    %get3A_1324 = arith.constant 17 : i32
    %get3A_1325 = arith.index_cast %get3A_1324 : i32 to index
    %get3A_1326 = arith.constant 0 : index
    %get3A_1327 = tpu.vector_load %arg13[%get3A_1325, %get3A_1326] {strides = array<i32>} : memref<32x32xf32, #tpu.memory_space<vmem>>, vector<1x16xf32>,
    %get3A_1328 = vector.shape_cast %get3A_1327 : vector<1x16xf32> to vector<16xf32>
    %get3A_1329 = arith.constant 17 : i32
    %get3A_1330 = arith.index_cast %get3A_1329 : i32 to index
    %get3A_1331 = arith.constant 0 : index
    %get3A_1332 = tpu.vector_load %arg14[%get3A_1330, %get3A_1331] {strides = array<i32>} : memref<32x32xf32, #tpu.memory_space<vmem>>, vector<1x16xf32>,
    %get3A_1333 = vector.shape_cast %get3A_1332 : vector<1x16xf32> to vector<16xf32>
    %mul3A_1334 = arith.mulf %get3A_1328, %get3A_1318 : vector<16xf32>
    %mul3A_1335 = arith.mulf %get3A_1333, %get3A_1323 : vector<16xf32>
    %sub3A_1336 = arith.subf %mul3A_1334, %mul3A_1335 : vector<16xf32>
    %swap3A_1337 = arith.constant 17 : i32
    %swap3A_1338 = arith.index_cast %swap3A_1337 : i32 to index
    %swap3A_1339 = arith.constant 0 : index
    %swap3A_1340 = tpu.vector_load %arg15[%swap3A_1338, %swap3A_1339] {strides = array<i32>} : memref<32x64xf32, #tpu.memory_space<vmem>>, vector<1x16xf32>,
    %swap3A_1341 = vector.shape_cast %swap3A_1340 : vector<1x16xf32> to vector<16xf32>
    %swap3A_1342 = vector.shape_cast %sub3A_1336 : vector<16xf32> to vector<1x16xf32>
    tpu.vector_store %arg15[%swap3A_1338, %swap3A_1339], %swap3A_1342 {strides = array<i32>} : memref<32x64xf32, #tpu.memory_space<vmem>>, vector<1x16xf32>,
    %mul3A_1343 = arith.mulf %get3A_1328, %get3A_1323 : vector<16xf32>
    %mul3A_1344 = arith.mulf %get3A_1333, %get3A_1318 : vector<16xf32>
    %add3A_1345 = arith.addf %mul3A_1343, %mul3A_1344 : vector<16xf32>
    %swap3A_1346 = arith.constant 17 : i32
    %swap3A_1347 = arith.index_cast %swap3A_1346 : i32 to index
    %swap3A_1348 = arith.constant 32 : index
    %swap3A_1349 = tpu.vector_load %arg15[%swap3A_1347, %swap3A_1348] {strides = array<i32>} : memref<32x64xf32, #tpu.memory_space<vmem>>, vector<1x16xf32>,
    %swap3A_1350 = vector.shape_cast %swap3A_1349 : vector<1x16xf32> to vector<16xf32>
    %swap3A_1351 = vector.shape_cast %add3A_1345 : vector<16xf32> to vector<1x16xf32>
    tpu.vector_store %arg15[%swap3A_1347, %swap3A_1348], %swap3A_1351 {strides = array<i32>} : memref<32x64xf32, #tpu.memory_space<vmem>>, vector<1x16xf32>,
    %get3A_1352 = arith.constant 17 : i32
    %get3A_1353 = arith.index_cast %get3A_1352 : i32 to index
    %get3A_1354 = arith.constant 16 : index
    %get3A_1355 = tpu.vector_load %arg11[%get3A_1353, %get3A_1354] {strides = array<i32>} : memref<32x32xf32, #tpu.memory_space<vmem>>, vector<1x16xf32>,
    %get3A_1356 = vector.shape_cast %get3A_1355 : vector<1x16xf32> to vector<16xf32>
    %get3A_1357 = arith.constant 17 : i32
    %get3A_1358 = arith.index_cast %get3A_1357 : i32 to index
    %get3A_1359 = arith.constant 16 : index
    %get3A_1360 = tpu.vector_load %arg12[%get3A_1358, %get3A_1359] {strides = array<i32>} : memref<32x32xf32, #tpu.memory_space<vmem>>, vector<1x16xf32>,
    %get3A_1361 = vector.shape_cast %get3A_1360 : vector<1x16xf32> to vector<16xf32>
    %get3A_1362 = arith.constant 17 : i32
    %get3A_1363 = arith.index_cast %get3A_1362 : i32 to index
    %get3A_1364 = arith.constant 16 : index
    %get3A_1365 = tpu.vector_load %arg13[%get3A_1363, %get3A_1364] {strides = array<i32>} : memref<32x32xf32, #tpu.memory_space<vmem>>, vector<1x16xf32>,
    %get3A_1366 = vector.shape_cast %get3A_1365 : vector<1x16xf32> to vector<16xf32>
    %get3A_1367 = arith.constant 17 : i32
    %get3A_1368 = arith.index_cast %get3A_1367 : i32 to index
    %get3A_1369 = arith.constant 16 : index
    %get3A_1370 = tpu.vector_load %arg14[%get3A_1368, %get3A_1369] {strides = array<i32>} : memref<32x32xf32, #tpu.memory_space<vmem>>, vector<1x16xf32>,
    %get3A_1371 = vector.shape_cast %get3A_1370 : vector<1x16xf32> to vector<16xf32>
    %mul3A_1372 = arith.mulf %get3A_1366, %get3A_1356 : vector<16xf32>
    %mul3A_1373 = arith.mulf %get3A_1371, %get3A_1361 : vector<16xf32>
    %sub3A_1374 = arith.subf %mul3A_1372, %mul3A_1373 : vector<16xf32>
    %swap3A_1375 = arith.constant 17 : i32
    %swap3A_1376 = arith.index_cast %swap3A_1375 : i32 to index
    %swap3A_1377 = arith.constant 16 : index
    %swap3A_1378 = tpu.vector_load %arg15[%swap3A_1376, %swap3A_1377] {strides = array<i32>} : memref<32x64xf32, #tpu.memory_space<vmem>>, vector<1x16xf32>,
    %swap3A_1379 = vector.shape_cast %swap3A_1378 : vector<1x16xf32> to vector<16xf32>
    %swap3A_1380 = vector.shape_cast %sub3A_1374 : vector<16xf32> to vector<1x16xf32>
    tpu.vector_store %arg15[%swap3A_1376, %swap3A_1377], %swap3A_1380 {strides = array<i32>} : memref<32x64xf32, #tpu.memory_space<vmem>>, vector<1x16xf32>,
    %mul3A_1381 = arith.mulf %get3A_1366, %get3A_1361 : vector<16xf32>
    %mul3A_1382 = arith.mulf %get3A_1371, %get3A_1356 : vector<16xf32>
    %add3A_1383 = arith.addf %mul3A_1381, %mul3A_1382 : vector<16xf32>
    %swap3A_1384 = arith.constant 17 : i32
    %swap3A_1385 = arith.index_cast %swap3A_1384 : i32 to index
    %swap3A_1386 = arith.constant 48 : index
    %swap3A_1387 = tpu.vector_load %arg15[%swap3A_1385, %swap3A_1386] {strides = array<i32>} : memref<32x64xf32, #tpu.memory_space<vmem>>, vector<1x16xf32>,
    %swap3A_1388 = vector.shape_cast %swap3A_1387 : vector<1x16xf32> to vector<16xf32>
    %swap3A_1389 = vector.shape_cast %add3A_1383 : vector<16xf32> to vector<1x16xf32>
    tpu.vector_store %arg15[%swap3A_1385, %swap3A_1386], %swap3A_1389 {strides = array<i32>} : memref<32x64xf32, #tpu.memory_space<vmem>>, vector<1x16xf32>,
    %get3A_1390 = arith.constant 18 : i32
    %get3A_1391 = arith.index_cast %get3A_1390 : i32 to index
    %get3A_1392 = arith.constant 0 : index
    %get3A_1393 = tpu.vector_load %arg11[%get3A_1391, %get3A_1392] {strides = array<i32>} : memref<32x32xf32, #tpu.memory_space<vmem>>, vector<1x16xf32>,
    %get3A_1394 = vector.shape_cast %get3A_1393 : vector<1x16xf32> to vector<16xf32>
    %get3A_1395 = arith.constant 18 : i32
    %get3A_1396 = arith.index_cast %get3A_1395 : i32 to index
    %get3A_1397 = arith.constant 0 : index
    %get3A_1398 = tpu.vector_load %arg12[%get3A_1396, %get3A_1397] {strides = array<i32>} : memref<32x32xf32, #tpu.memory_space<vmem>>, vector<1x16xf32>,
    %get3A_1399 = vector.shape_cast %get3A_1398 : vector<1x16xf32> to vector<16xf32>
    %get3A_1400 = arith.constant 18 : i32
    %get3A_1401 = arith.index_cast %get3A_1400 : i32 to index
    %get3A_1402 = arith.constant 0 : index
    %get3A_1403 = tpu.vector_load %arg13[%get3A_1401, %get3A_1402] {strides = array<i32>} : memref<32x32xf32, #tpu.memory_space<vmem>>, vector<1x16xf32>,
    %get3A_1404 = vector.shape_cast %get3A_1403 : vector<1x16xf32> to vector<16xf32>
    %get3A_1405 = arith.constant 18 : i32
    %get3A_1406 = arith.index_cast %get3A_1405 : i32 to index
    %get3A_1407 = arith.constant 0 : index
    %get3A_1408 = tpu.vector_load %arg14[%get3A_1406, %get3A_1407] {strides = array<i32>} : memref<32x32xf32, #tpu.memory_space<vmem>>, vector<1x16xf32>,
    %get3A_1409 = vector.shape_cast %get3A_1408 : vector<1x16xf32> to vector<16xf32>
    %mul3A_1410 = arith.mulf %get3A_1404, %get3A_1394 : vector<16xf32>
    %mul3A_1411 = arith.mulf %get3A_1409, %get3A_1399 : vector<16xf32>
    %sub3A_1412 = arith.subf %mul3A_1410, %mul3A_1411 : vector<16xf32>
    %swap3A_1413 = arith.constant 18 : i32
    %swap3A_1414 = arith.index_cast %swap3A_1413 : i32 to index
    %swap3A_1415 = arith.constant 0 : index
    %swap3A_1416 = tpu.vector_load %arg15[%swap3A_1414, %swap3A_1415] {strides = array<i32>} : memref<32x64xf32, #tpu.memory_space<vmem>>, vector<1x16xf32>,
    %swap3A_1417 = vector.shape_cast %swap3A_1416 : vector<1x16xf32> to vector<16xf32>
    %swap3A_1418 = vector.shape_cast %sub3A_1412 : vector<16xf32> to vector<1x16xf32>
    tpu.vector_store %arg15[%swap3A_1414, %swap3A_1415], %swap3A_1418 {strides = array<i32>} : memref<32x64xf32, #tpu.memory_space<vmem>>, vector<1x16xf32>,
    %mul3A_1419 = arith.mulf %get3A_1404, %get3A_1399 : vector<16xf32>
    %mul3A_1420 = arith.mulf %get3A_1409, %get3A_1394 : vector<16xf32>
    %add3A_1421 = arith.addf %mul3A_1419, %mul3A_1420 : vector<16xf32>
    %swap3A_1422 = arith.constant 18 : i32
    %swap3A_1423 = arith.index_cast %swap3A_1422 : i32 to index
    %swap3A_1424 = arith.constant 32 : index
    %swap3A_1425 = tpu.vector_load %arg15[%swap3A_1423, %swap3A_1424] {strides = array<i32>} : memref<32x64xf32, #tpu.memory_space<vmem>>, vector<1x16xf32>,
    %swap3A_1426 = vector.shape_cast %swap3A_1425 : vector<1x16xf32> to vector<16xf32>
    %swap3A_1427 = vector.shape_cast %add3A_1421 : vector<16xf32> to vector<1x16xf32>
    tpu.vector_store %arg15[%swap3A_1423, %swap3A_1424], %swap3A_1427 {strides = array<i32>} : memref<32x64xf32, #tpu.memory_space<vmem>>, vector<1x16xf32>,
    %get3A_1428 = arith.constant 18 : i32
    %get3A_1429 = arith.index_cast %get3A_1428 : i32 to index
    %get3A_1430 = arith.constant 16 : index
    %get3A_1431 = tpu.vector_load %arg11[%get3A_1429, %get3A_1430] {strides = array<i32>} : memref<32x32xf32, #tpu.memory_space<vmem>>, vector<1x16xf32>,
    %get3A_1432 = vector.shape_cast %get3A_1431 : vector<1x16xf32> to vector<16xf32>
    %get3A_1433 = arith.constant 18 : i32
    %get3A_1434 = arith.index_cast %get3A_1433 : i32 to index
    %get3A_1435 = arith.constant 16 : index
    %get3A_1436 = tpu.vector_load %arg12[%get3A_1434, %get3A_1435] {strides = array<i32>} : memref<32x32xf32, #tpu.memory_space<vmem>>, vector<1x16xf32>,
    %get3A_1437 = vector.shape_cast %get3A_1436 : vector<1x16xf32> to vector<16xf32>
    %get3A_1438 = arith.constant 18 : i32
    %get3A_1439 = arith.index_cast %get3A_1438 : i32 to index
    %get3A_1440 = arith.constant 16 : index
    %get3A_1441 = tpu.vector_load %arg13[%get3A_1439, %get3A_1440] {strides = array<i32>} : memref<32x32xf32, #tpu.memory_space<vmem>>, vector<1x16xf32>,
    %get3A_1442 = vector.shape_cast %get3A_1441 : vector<1x16xf32> to vector<16xf32>
    %get3A_1443 = arith.constant 18 : i32
    %get3A_1444 = arith.index_cast %get3A_1443 : i32 to index
    %get3A_1445 = arith.constant 16 : index
    %get3A_1446 = tpu.vector_load %arg14[%get3A_1444, %get3A_1445] {strides = array<i32>} : memref<32x32xf32, #tpu.memory_space<vmem>>, vector<1x16xf32>,
    %get3A_1447 = vector.shape_cast %get3A_1446 : vector<1x16xf32> to vector<16xf32>
    %mul3A_1448 = arith.mulf %get3A_1442, %get3A_1432 : vector<16xf32>
    %mul3A_1449 = arith.mulf %get3A_1447, %get3A_1437 : vector<16xf32>
    %sub3A_1450 = arith.subf %mul3A_1448, %mul3A_1449 : vector<16xf32>
    %swap3A_1451 = arith.constant 18 : i32
    %swap3A_1452 = arith.index_cast %swap3A_1451 : i32 to index
    %swap3A_1453 = arith.constant 16 : index
    %swap3A_1454 = tpu.vector_load %arg15[%swap3A_1452, %swap3A_1453] {strides = array<i32>} : memref<32x64xf32, #tpu.memory_space<vmem>>, vector<1x16xf32>,
    %swap3A_1455 = vector.shape_cast %swap3A_1454 : vector<1x16xf32> to vector<16xf32>
    %swap3A_1456 = vector.shape_cast %sub3A_1450 : vector<16xf32> to vector<1x16xf32>
    tpu.vector_store %arg15[%swap3A_1452, %swap3A_1453], %swap3A_1456 {strides = array<i32>} : memref<32x64xf32, #tpu.memory_space<vmem>>, vector<1x16xf32>,
    %mul3A_1457 = arith.mulf %get3A_1442, %get3A_1437 : vector<16xf32>
    %mul3A_1458 = arith.mulf %get3A_1447, %get3A_1432 : vector<16xf32>
    %add3A_1459 = arith.addf %mul3A_1457, %mul3A_1458 : vector<16xf32>
    %swap3A_1460 = arith.constant 18 : i32
    %swap3A_1461 = arith.index_cast %swap3A_1460 : i32 to index
    %swap3A_1462 = arith.constant 48 : index
    %swap3A_1463 = tpu.vector_load %arg15[%swap3A_1461, %swap3A_1462] {strides = array<i32>} : memref<32x64xf32, #tpu.memory_space<vmem>>, vector<1x16xf32>,
    %swap3A_1464 = vector.shape_cast %swap3A_1463 : vector<1x16xf32> to vector<16xf32>
    %swap3A_1465 = vector.shape_cast %add3A_1459 : vector<16xf32> to vector<1x16xf32>
    tpu.vector_store %arg15[%swap3A_1461, %swap3A_1462], %swap3A_1465 {strides = array<i32>} : memref<32x64xf32, #tpu.memory_space<vmem>>, vector<1x16xf32>,
    %get3A_1466 = arith.constant 19 : i32
    %get3A_1467 = arith.index_cast %get3A_1466 : i32 to index
    %get3A_1468 = arith.constant 0 : index
    %get3A_1469 = tpu.vector_load %arg11[%get3A_1467, %get3A_1468] {strides = array<i32>} : memref<32x32xf32, #tpu.memory_space<vmem>>, vector<1x16xf32>,
    %get3A_1470 = vector.shape_cast %get3A_1469 : vector<1x16xf32> to vector<16xf32>
    %get3A_1471 = arith.constant 19 : i32
    %get3A_1472 = arith.index_cast %get3A_1471 : i32 to index
    %get3A_1473 = arith.constant 0 : index
    %get3A_1474 = tpu.vector_load %arg12[%get3A_1472, %get3A_1473] {strides = array<i32>} : memref<32x32xf32, #tpu.memory_space<vmem>>, vector<1x16xf32>,
    %get3A_1475 = vector.shape_cast %get3A_1474 : vector<1x16xf32> to vector<16xf32>
    %get3A_1476 = arith.constant 19 : i32
    %get3A_1477 = arith.index_cast %get3A_1476 : i32 to index
    %get3A_1478 = arith.constant 0 : index
    %get3A_1479 = tpu.vector_load %arg13[%get3A_1477, %get3A_1478] {strides = array<i32>} : memref<32x32xf32, #tpu.memory_space<vmem>>, vector<1x16xf32>,
    %get3A_1480 = vector.shape_cast %get3A_1479 : vector<1x16xf32> to vector<16xf32>
    %get3A_1481 = arith.constant 19 : i32
    %get3A_1482 = arith.index_cast %get3A_1481 : i32 to index
    %get3A_1483 = arith.constant 0 : index
    %get3A_1484 = tpu.vector_load %arg14[%get3A_1482, %get3A_1483] {strides = array<i32>} : memref<32x32xf32, #tpu.memory_space<vmem>>, vector<1x16xf32>,
    %get3A_1485 = vector.shape_cast %get3A_1484 : vector<1x16xf32> to vector<16xf32>
    %mul3A_1486 = arith.mulf %get3A_1480, %get3A_1470 : vector<16xf32>
    %mul3A_1487 = arith.mulf %get3A_1485, %get3A_1475 : vector<16xf32>
    %sub3A_1488 = arith.subf %mul3A_1486, %mul3A_1487 : vector<16xf32>
    %swap3A_1489 = arith.constant 19 : i32
    %swap3A_1490 = arith.index_cast %swap3A_1489 : i32 to index
    %swap3A_1491 = arith.constant 0 : index
    %swap3A_1492 = tpu.vector_load %arg15[%swap3A_1490, %swap3A_1491] {strides = array<i32>} : memref<32x64xf32, #tpu.memory_space<vmem>>, vector<1x16xf32>,
    %swap3A_1493 = vector.shape_cast %swap3A_1492 : vector<1x16xf32> to vector<16xf32>
    %swap3A_1494 = vector.shape_cast %sub3A_1488 : vector<16xf32> to vector<1x16xf32>
    tpu.vector_store %arg15[%swap3A_1490, %swap3A_1491], %swap3A_1494 {strides = array<i32>} : memref<32x64xf32, #tpu.memory_space<vmem>>, vector<1x16xf32>,
    %mul3A_1495 = arith.mulf %get3A_1480, %get3A_1475 : vector<16xf32>
    %mul3A_1496 = arith.mulf %get3A_1485, %get3A_1470 : vector<16xf32>
    %add3A_1497 = arith.addf %mul3A_1495, %mul3A_1496 : vector<16xf32>
    %swap3A_1498 = arith.constant 19 : i32
    %swap3A_1499 = arith.index_cast %swap3A_1498 : i32 to index
    %swap3A_1500 = arith.constant 32 : index
    %swap3A_1501 = tpu.vector_load %arg15[%swap3A_1499, %swap3A_1500] {strides = array<i32>} : memref<32x64xf32, #tpu.memory_space<vmem>>, vector<1x16xf32>,
    %swap3A_1502 = vector.shape_cast %swap3A_1501 : vector<1x16xf32> to vector<16xf32>
    %swap3A_1503 = vector.shape_cast %add3A_1497 : vector<16xf32> to vector<1x16xf32>
    tpu.vector_store %arg15[%swap3A_1499, %swap3A_1500], %swap3A_1503 {strides = array<i32>} : memref<32x64xf32, #tpu.memory_space<vmem>>, vector<1x16xf32>,
    %get3A_1504 = arith.constant 19 : i32
    %get3A_1505 = arith.index_cast %get3A_1504 : i32 to index
    %get3A_1506 = arith.constant 16 : index
    %get3A_1507 = tpu.vector_load %arg11[%get3A_1505, %get3A_1506] {strides = array<i32>} : memref<32x32xf32, #tpu.memory_space<vmem>>, vector<1x16xf32>,
    %get3A_1508 = vector.shape_cast %get3A_1507 : vector<1x16xf32> to vector<16xf32>
    %get3A_1509 = arith.constant 19 : i32
    %get3A_1510 = arith.index_cast %get3A_1509 : i32 to index
    %get3A_1511 = arith.constant 16 : index
    %get3A_1512 = tpu.vector_load %arg12[%get3A_1510, %get3A_1511] {strides = array<i32>} : memref<32x32xf32, #tpu.memory_space<vmem>>, vector<1x16xf32>,
    %get3A_1513 = vector.shape_cast %get3A_1512 : vector<1x16xf32> to vector<16xf32>
    %get3A_1514 = arith.constant 19 : i32
    %get3A_1515 = arith.index_cast %get3A_1514 : i32 to index
    %get3A_1516 = arith.constant 16 : index
    %get3A_1517 = tpu.vector_load %arg13[%get3A_1515, %get3A_1516] {strides = array<i32>} : memref<32x32xf32, #tpu.memory_space<vmem>>, vector<1x16xf32>,
    %get3A_1518 = vector.shape_cast %get3A_1517 : vector<1x16xf32> to vector<16xf32>
    %get3A_1519 = arith.constant 19 : i32
    %get3A_1520 = arith.index_cast %get3A_1519 : i32 to index
    %get3A_1521 = arith.constant 16 : index
    %get3A_1522 = tpu.vector_load %arg14[%get3A_1520, %get3A_1521] {strides = array<i32>} : memref<32x32xf32, #tpu.memory_space<vmem>>, vector<1x16xf32>,
    %get3A_1523 = vector.shape_cast %get3A_1522 : vector<1x16xf32> to vector<16xf32>
    %mul3A_1524 = arith.mulf %get3A_1518, %get3A_1508 : vector<16xf32>
    %mul3A_1525 = arith.mulf %get3A_1523, %get3A_1513 : vector<16xf32>
    %sub3A_1526 = arith.subf %mul3A_1524, %mul3A_1525 : vector<16xf32>
    %swap3A_1527 = arith.constant 19 : i32
    %swap3A_1528 = arith.index_cast %swap3A_1527 : i32 to index
    %swap3A_1529 = arith.constant 16 : index
    %swap3A_1530 = tpu.vector_load %arg15[%swap3A_1528, %swap3A_1529] {strides = array<i32>} : memref<32x64xf32, #tpu.memory_space<vmem>>, vector<1x16xf32>,
    %swap3A_1531 = vector.shape_cast %swap3A_1530 : vector<1x16xf32> to vector<16xf32>
    %swap3A_1532 = vector.shape_cast %sub3A_1526 : vector<16xf32> to vector<1x16xf32>
    tpu.vector_store %arg15[%swap3A_1528, %swap3A_1529], %swap3A_1532 {strides = array<i32>} : memref<32x64xf32, #tpu.memory_space<vmem>>, vector<1x16xf32>,
    %mul3A_1533 = arith.mulf %get3A_1518, %get3A_1513 : vector<16xf32>
    %mul3A_1534 = arith.mulf %get3A_1523, %get3A_1508 : vector<16xf32>
    %add3A_1535 = arith.addf %mul3A_1533, %mul3A_1534 : vector<16xf32>
    %swap3A_1536 = arith.constant 19 : i32
    %swap3A_1537 = arith.index_cast %swap3A_1536 : i32 to index
    %swap3A_1538 = arith.constant 48 : index
    %swap3A_1539 = tpu.vector_load %arg15[%swap3A_1537, %swap3A_1538] {strides = array<i32>} : memref<32x64xf32, #tpu.memory_space<vmem>>, vector<1x16xf32>,
    %swap3A_1540 = vector.shape_cast %swap3A_1539 : vector<1x16xf32> to vector<16xf32>
    %swap3A_1541 = vector.shape_cast %add3A_1535 : vector<16xf32> to vector<1x16xf32>
    tpu.vector_store %arg15[%swap3A_1537, %swap3A_1538], %swap3A_1541 {strides = array<i32>} : memref<32x64xf32, #tpu.memory_space<vmem>>, vector<1x16xf32>,
    %get3A_1542 = arith.constant 20 : i32
    %get3A_1543 = arith.index_cast %get3A_1542 : i32 to index
    %get3A_1544 = arith.constant 0 : index
    %get3A_1545 = tpu.vector_load %arg11[%get3A_1543, %get3A_1544] {strides = array<i32>} : memref<32x32xf32, #tpu.memory_space<vmem>>, vector<1x16xf32>,
    %get3A_1546 = vector.shape_cast %get3A_1545 : vector<1x16xf32> to vector<16xf32>
    %get3A_1547 = arith.constant 20 : i32
    %get3A_1548 = arith.index_cast %get3A_1547 : i32 to index
    %get3A_1549 = arith.constant 0 : index
    %get3A_1550 = tpu.vector_load %arg12[%get3A_1548, %get3A_1549] {strides = array<i32>} : memref<32x32xf32, #tpu.memory_space<vmem>>, vector<1x16xf32>,
    %get3A_1551 = vector.shape_cast %get3A_1550 : vector<1x16xf32> to vector<16xf32>
    %get3A_1552 = arith.constant 20 : i32
    %get3A_1553 = arith.index_cast %get3A_1552 : i32 to index
    %get3A_1554 = arith.constant 0 : index
    %get3A_1555 = tpu.vector_load %arg13[%get3A_1553, %get3A_1554] {strides = array<i32>} : memref<32x32xf32, #tpu.memory_space<vmem>>, vector<1x16xf32>,
    %get3A_1556 = vector.shape_cast %get3A_1555 : vector<1x16xf32> to vector<16xf32>
    %get3A_1557 = arith.constant 20 : i32
    %get3A_1558 = arith.index_cast %get3A_1557 : i32 to index
    %get3A_1559 = arith.constant 0 : index
    %get3A_1560 = tpu.vector_load %arg14[%get3A_1558, %get3A_1559] {strides = array<i32>} : memref<32x32xf32, #tpu.memory_space<vmem>>, vector<1x16xf32>,
    %get3A_1561 = vector.shape_cast %get3A_1560 : vector<1x16xf32> to vector<16xf32>
    %mul3A_1562 = arith.mulf %get3A_1556, %get3A_1546 : vector<16xf32>
    %mul3A_1563 = arith.mulf %get3A_1561, %get3A_1551 : vector<16xf32>
    %sub3A_1564 = arith.subf %mul3A_1562, %mul3A_1563 : vector<16xf32>
    %swap3A_1565 = arith.constant 20 : i32
    %swap3A_1566 = arith.index_cast %swap3A_1565 : i32 to index
    %swap3A_1567 = arith.constant 0 : index
    %swap3A_1568 = tpu.vector_load %arg15[%swap3A_1566, %swap3A_1567] {strides = array<i32>} : memref<32x64xf32, #tpu.memory_space<vmem>>, vector<1x16xf32>,
    %swap3A_1569 = vector.shape_cast %swap3A_1568 : vector<1x16xf32> to vector<16xf32>
    %swap3A_1570 = vector.shape_cast %sub3A_1564 : vector<16xf32> to vector<1x16xf32>
    tpu.vector_store %arg15[%swap3A_1566, %swap3A_1567], %swap3A_1570 {strides = array<i32>} : memref<32x64xf32, #tpu.memory_space<vmem>>, vector<1x16xf32>,
    %mul3A_1571 = arith.mulf %get3A_1556, %get3A_1551 : vector<16xf32>
    %mul3A_1572 = arith.mulf %get3A_1561, %get3A_1546 : vector<16xf32>
    %add3A_1573 = arith.addf %mul3A_1571, %mul3A_1572 : vector<16xf32>
    %swap3A_1574 = arith.constant 20 : i32
    %swap3A_1575 = arith.index_cast %swap3A_1574 : i32 to index
    %swap3A_1576 = arith.constant 32 : index
    %swap3A_1577 = tpu.vector_load %arg15[%swap3A_1575, %swap3A_1576] {strides = array<i32>} : memref<32x64xf32, #tpu.memory_space<vmem>>, vector<1x16xf32>,
    %swap3A_1578 = vector.shape_cast %swap3A_1577 : vector<1x16xf32> to vector<16xf32>
    %swap3A_1579 = vector.shape_cast %add3A_1573 : vector<16xf32> to vector<1x16xf32>
    tpu.vector_store %arg15[%swap3A_1575, %swap3A_1576], %swap3A_1579 {strides = array<i32>} : memref<32x64xf32, #tpu.memory_space<vmem>>, vector<1x16xf32>,
    %get3A_1580 = arith.constant 20 : i32
    %get3A_1581 = arith.index_cast %get3A_1580 : i32 to index
    %get3A_1582 = arith.constant 16 : index
    %get3A_1583 = tpu.vector_load %arg11[%get3A_1581, %get3A_1582] {strides = array<i32>} : memref<32x32xf32, #tpu.memory_space<vmem>>, vector<1x16xf32>,
    %get3A_1584 = vector.shape_cast %get3A_1583 : vector<1x16xf32> to vector<16xf32>
    %get3A_1585 = arith.constant 20 : i32
    %get3A_1586 = arith.index_cast %get3A_1585 : i32 to index
    %get3A_1587 = arith.constant 16 : index
    %get3A_1588 = tpu.vector_load %arg12[%get3A_1586, %get3A_1587] {strides = array<i32>} : memref<32x32xf32, #tpu.memory_space<vmem>>, vector<1x16xf32>,
    %get3A_1589 = vector.shape_cast %get3A_1588 : vector<1x16xf32> to vector<16xf32>
    %get3A_1590 = arith.constant 20 : i32
    %get3A_1591 = arith.index_cast %get3A_1590 : i32 to index
    %get3A_1592 = arith.constant 16 : index
    %get3A_1593 = tpu.vector_load %arg13[%get3A_1591, %get3A_1592] {strides = array<i32>} : memref<32x32xf32, #tpu.memory_space<vmem>>, vector<1x16xf32>,
    %get3A_1594 = vector.shape_cast %get3A_1593 : vector<1x16xf32> to vector<16xf32>
    %get3A_1595 = arith.constant 20 : i32
    %get3A_1596 = arith.index_cast %get3A_1595 : i32 to index
    %get3A_1597 = arith.constant 16 : index
    %get3A_1598 = tpu.vector_load %arg14[%get3A_1596, %get3A_1597] {strides = array<i32>} : memref<32x32xf32, #tpu.memory_space<vmem>>, vector<1x16xf32>,
    %get3A_1599 = vector.shape_cast %get3A_1598 : vector<1x16xf32> to vector<16xf32>
    %mul3A_1600 = arith.mulf %get3A_1594, %get3A_1584 : vector<16xf32>
    %mul3A_1601 = arith.mulf %get3A_1599, %get3A_1589 : vector<16xf32>
    %sub3A_1602 = arith.subf %mul3A_1600, %mul3A_1601 : vector<16xf32>
    %swap3A_1603 = arith.constant 20 : i32
    %swap3A_1604 = arith.index_cast %swap3A_1603 : i32 to index
    %swap3A_1605 = arith.constant 16 : index
    %swap3A_1606 = tpu.vector_load %arg15[%swap3A_1604, %swap3A_1605] {strides = array<i32>} : memref<32x64xf32, #tpu.memory_space<vmem>>, vector<1x16xf32>,
    %swap3A_1607 = vector.shape_cast %swap3A_1606 : vector<1x16xf32> to vector<16xf32>
    %swap3A_1608 = vector.shape_cast %sub3A_1602 : vector<16xf32> to vector<1x16xf32>
    tpu.vector_store %arg15[%swap3A_1604, %swap3A_1605], %swap3A_1608 {strides = array<i32>} : memref<32x64xf32, #tpu.memory_space<vmem>>, vector<1x16xf32>,
    %mul3A_1609 = arith.mulf %get3A_1594, %get3A_1589 : vector<16xf32>
    %mul3A_1610 = arith.mulf %get3A_1599, %get3A_1584 : vector<16xf32>
    %add3A_1611 = arith.addf %mul3A_1609, %mul3A_1610 : vector<16xf32>
    %swap3A_1612 = arith.constant 20 : i32
    %swap3A_1613 = arith.index_cast %swap3A_1612 : i32 to index
    %swap3A_1614 = arith.constant 48 : index
    %swap3A_1615 = tpu.vector_load %arg15[%swap3A_1613, %swap3A_1614] {strides = array<i32>} : memref<32x64xf32, #tpu.memory_space<vmem>>, vector<1x16xf32>,
    %swap3A_1616 = vector.shape_cast %swap3A_1615 : vector<1x16xf32> to vector<16xf32>
    %swap3A_1617 = vector.shape_cast %add3A_1611 : vector<16xf32> to vector<1x16xf32>
    tpu.vector_store %arg15[%swap3A_1613, %swap3A_1614], %swap3A_1617 {strides = array<i32>} : memref<32x64xf32, #tpu.memory_space<vmem>>, vector<1x16xf32>,
    %get3A_1618 = arith.constant 21 : i32
    %get3A_1619 = arith.index_cast %get3A_1618 : i32 to index
    %get3A_1620 = arith.constant 0 : index
    %get3A_1621 = tpu.vector_load %arg11[%get3A_1619, %get3A_1620] {strides = array<i32>} : memref<32x32xf32, #tpu.memory_space<vmem>>, vector<1x16xf32>,
    %get3A_1622 = vector.shape_cast %get3A_1621 : vector<1x16xf32> to vector<16xf32>
    %get3A_1623 = arith.constant 21 : i32
    %get3A_1624 = arith.index_cast %get3A_1623 : i32 to index
    %get3A_1625 = arith.constant 0 : index
    %get3A_1626 = tpu.vector_load %arg12[%get3A_1624, %get3A_1625] {strides = array<i32>} : memref<32x32xf32, #tpu.memory_space<vmem>>, vector<1x16xf32>,
    %get3A_1627 = vector.shape_cast %get3A_1626 : vector<1x16xf32> to vector<16xf32>
    %get3A_1628 = arith.constant 21 : i32
    %get3A_1629 = arith.index_cast %get3A_1628 : i32 to index
    %get3A_1630 = arith.constant 0 : index
    %get3A_1631 = tpu.vector_load %arg13[%get3A_1629, %get3A_1630] {strides = array<i32>} : memref<32x32xf32, #tpu.memory_space<vmem>>, vector<1x16xf32>,
    %get3A_1632 = vector.shape_cast %get3A_1631 : vector<1x16xf32> to vector<16xf32>
    %get3A_1633 = arith.constant 21 : i32
    %get3A_1634 = arith.index_cast %get3A_1633 : i32 to index
    %get3A_1635 = arith.constant 0 : index
    %get3A_1636 = tpu.vector_load %arg14[%get3A_1634, %get3A_1635] {strides = array<i32>} : memref<32x32xf32, #tpu.memory_space<vmem>>, vector<1x16xf32>,
    %get3A_1637 = vector.shape_cast %get3A_1636 : vector<1x16xf32> to vector<16xf32>
    %mul3A_1638 = arith.mulf %get3A_1632, %get3A_1622 : vector<16xf32>
    %mul3A_1639 = arith.mulf %get3A_1637, %get3A_1627 : vector<16xf32>
    %sub3A_1640 = arith.subf %mul3A_1638, %mul3A_1639 : vector<16xf32>
    %swap3A_1641 = arith.constant 21 : i32
    %swap3A_1642 = arith.index_cast %swap3A_1641 : i32 to index
    %swap3A_1643 = arith.constant 0 : index
    %swap3A_1644 = tpu.vector_load %arg15[%swap3A_1642, %swap3A_1643] {strides = array<i32>} : memref<32x64xf32, #tpu.memory_space<vmem>>, vector<1x16xf32>,
    %swap3A_1645 = vector.shape_cast %swap3A_1644 : vector<1x16xf32> to vector<16xf32>
    %swap3A_1646 = vector.shape_cast %sub3A_1640 : vector<16xf32> to vector<1x16xf32>
    tpu.vector_store %arg15[%swap3A_1642, %swap3A_1643], %swap3A_1646 {strides = array<i32>} : memref<32x64xf32, #tpu.memory_space<vmem>>, vector<1x16xf32>,
    %mul3A_1647 = arith.mulf %get3A_1632, %get3A_1627 : vector<16xf32>
    %mul3A_1648 = arith.mulf %get3A_1637, %get3A_1622 : vector<16xf32>
    %add3A_1649 = arith.addf %mul3A_1647, %mul3A_1648 : vector<16xf32>
    %swap3A_1650 = arith.constant 21 : i32
    %swap3A_1651 = arith.index_cast %swap3A_1650 : i32 to index
    %swap3A_1652 = arith.constant 32 : index
    %swap3A_1653 = tpu.vector_load %arg15[%swap3A_1651, %swap3A_1652] {strides = array<i32>} : memref<32x64xf32, #tpu.memory_space<vmem>>, vector<1x16xf32>,
    %swap3A_1654 = vector.shape_cast %swap3A_1653 : vector<1x16xf32> to vector<16xf32>
    %swap3A_1655 = vector.shape_cast %add3A_1649 : vector<16xf32> to vector<1x16xf32>
    tpu.vector_store %arg15[%swap3A_1651, %swap3A_1652], %swap3A_1655 {strides = array<i32>} : memref<32x64xf32, #tpu.memory_space<vmem>>, vector<1x16xf32>,
    %get3A_1656 = arith.constant 21 : i32
    %get3A_1657 = arith.index_cast %get3A_1656 : i32 to index
    %get3A_1658 = arith.constant 16 : index
    %get3A_1659 = tpu.vector_load %arg11[%get3A_1657, %get3A_1658] {strides = array<i32>} : memref<32x32xf32, #tpu.memory_space<vmem>>, vector<1x16xf32>,
    %get3A_1660 = vector.shape_cast %get3A_1659 : vector<1x16xf32> to vector<16xf32>
    %get3A_1661 = arith.constant 21 : i32
    %get3A_1662 = arith.index_cast %get3A_1661 : i32 to index
    %get3A_1663 = arith.constant 16 : index
    %get3A_1664 = tpu.vector_load %arg12[%get3A_1662, %get3A_1663] {strides = array<i32>} : memref<32x32xf32, #tpu.memory_space<vmem>>, vector<1x16xf32>,
    %get3A_1665 = vector.shape_cast %get3A_1664 : vector<1x16xf32> to vector<16xf32>
    %get3A_1666 = arith.constant 21 : i32
    %get3A_1667 = arith.index_cast %get3A_1666 : i32 to index
    %get3A_1668 = arith.constant 16 : index
    %get3A_1669 = tpu.vector_load %arg13[%get3A_1667, %get3A_1668] {strides = array<i32>} : memref<32x32xf32, #tpu.memory_space<vmem>>, vector<1x16xf32>,
    %get3A_1670 = vector.shape_cast %get3A_1669 : vector<1x16xf32> to vector<16xf32>
    %get3A_1671 = arith.constant 21 : i32
    %get3A_1672 = arith.index_cast %get3A_1671 : i32 to index
    %get3A_1673 = arith.constant 16 : index
    %get3A_1674 = tpu.vector_load %arg14[%get3A_1672, %get3A_1673] {strides = array<i32>} : memref<32x32xf32, #tpu.memory_space<vmem>>, vector<1x16xf32>,
    %get3A_1675 = vector.shape_cast %get3A_1674 : vector<1x16xf32> to vector<16xf32>
    %mul3A_1676 = arith.mulf %get3A_1670, %get3A_1660 : vector<16xf32>
    %mul3A_1677 = arith.mulf %get3A_1675, %get3A_1665 : vector<16xf32>
    %sub3A_1678 = arith.subf %mul3A_1676, %mul3A_1677 : vector<16xf32>
    %swap3A_1679 = arith.constant 21 : i32
    %swap3A_1680 = arith.index_cast %swap3A_1679 : i32 to index
    %swap3A_1681 = arith.constant 16 : index
    %swap3A_1682 = tpu.vector_load %arg15[%swap3A_1680, %swap3A_1681] {strides = array<i32>} : memref<32x64xf32, #tpu.memory_space<vmem>>, vector<1x16xf32>,
    %swap3A_1683 = vector.shape_cast %swap3A_1682 : vector<1x16xf32> to vector<16xf32>
    %swap3A_1684 = vector.shape_cast %sub3A_1678 : vector<16xf32> to vector<1x16xf32>
    tpu.vector_store %arg15[%swap3A_1680, %swap3A_1681], %swap3A_1684 {strides = array<i32>} : memref<32x64xf32, #tpu.memory_space<vmem>>, vector<1x16xf32>,
    %mul3A_1685 = arith.mulf %get3A_1670, %get3A_1665 : vector<16xf32>
    %mul3A_1686 = arith.mulf %get3A_1675, %get3A_1660 : vector<16xf32>
    %add3A_1687 = arith.addf %mul3A_1685, %mul3A_1686 : vector<16xf32>
    %swap3A_1688 = arith.constant 21 : i32
    %swap3A_1689 = arith.index_cast %swap3A_1688 : i32 to index
    %swap3A_1690 = arith.constant 48 : index
    %swap3A_1691 = tpu.vector_load %arg15[%swap3A_1689, %swap3A_1690] {strides = array<i32>} : memref<32x64xf32, #tpu.memory_space<vmem>>, vector<1x16xf32>,
    %swap3A_1692 = vector.shape_cast %swap3A_1691 : vector<1x16xf32> to vector<16xf32>
    %swap3A_1693 = vector.shape_cast %add3A_1687 : vector<16xf32> to vector<1x16xf32>
    tpu.vector_store %arg15[%swap3A_1689, %swap3A_1690], %swap3A_1693 {strides = array<i32>} : memref<32x64xf32, #tpu.memory_space<vmem>>, vector<1x16xf32>,
    %get3A_1694 = arith.constant 22 : i32
    %get3A_1695 = arith.index_cast %get3A_1694 : i32 to index
    %get3A_1696 = arith.constant 0 : index
    %get3A_1697 = tpu.vector_load %arg11[%get3A_1695, %get3A_1696] {strides = array<i32>} : memref<32x32xf32, #tpu.memory_space<vmem>>, vector<1x16xf32>,
    %get3A_1698 = vector.shape_cast %get3A_1697 : vector<1x16xf32> to vector<16xf32>
    %get3A_1699 = arith.constant 22 : i32
    %get3A_1700 = arith.index_cast %get3A_1699 : i32 to index
    %get3A_1701 = arith.constant 0 : index
    %get3A_1702 = tpu.vector_load %arg12[%get3A_1700, %get3A_1701] {strides = array<i32>} : memref<32x32xf32, #tpu.memory_space<vmem>>, vector<1x16xf32>,
    %get3A_1703 = vector.shape_cast %get3A_1702 : vector<1x16xf32> to vector<16xf32>
    %get3A_1704 = arith.constant 22 : i32
    %get3A_1705 = arith.index_cast %get3A_1704 : i32 to index
    %get3A_1706 = arith.constant 0 : index
    %get3A_1707 = tpu.vector_load %arg13[%get3A_1705, %get3A_1706] {strides = array<i32>} : memref<32x32xf32, #tpu.memory_space<vmem>>, vector<1x16xf32>,
    %get3A_1708 = vector.shape_cast %get3A_1707 : vector<1x16xf32> to vector<16xf32>
    %get3A_1709 = arith.constant 22 : i32
    %get3A_1710 = arith.index_cast %get3A_1709 : i32 to index
    %get3A_1711 = arith.constant 0 : index
    %get3A_1712 = tpu.vector_load %arg14[%get3A_1710, %get3A_1711] {strides = array<i32>} : memref<32x32xf32, #tpu.memory_space<vmem>>, vector<1x16xf32>,
    %get3A_1713 = vector.shape_cast %get3A_1712 : vector<1x16xf32> to vector<16xf32>
    %mul3A_1714 = arith.mulf %get3A_1708, %get3A_1698 : vector<16xf32>
    %mul3A_1715 = arith.mulf %get3A_1713, %get3A_1703 : vector<16xf32>
    %sub3A_1716 = arith.subf %mul3A_1714, %mul3A_1715 : vector<16xf32>
    %swap3A_1717 = arith.constant 22 : i32
    %swap3A_1718 = arith.index_cast %swap3A_1717 : i32 to index
    %swap3A_1719 = arith.constant 0 : index
    %swap3A_1720 = tpu.vector_load %arg15[%swap3A_1718, %swap3A_1719] {strides = array<i32>} : memref<32x64xf32, #tpu.memory_space<vmem>>, vector<1x16xf32>,
    %swap3A_1721 = vector.shape_cast %swap3A_1720 : vector<1x16xf32> to vector<16xf32>
    %swap3A_1722 = vector.shape_cast %sub3A_1716 : vector<16xf32> to vector<1x16xf32>
    tpu.vector_store %arg15[%swap3A_1718, %swap3A_1719], %swap3A_1722 {strides = array<i32>} : memref<32x64xf32, #tpu.memory_space<vmem>>, vector<1x16xf32>,
    %mul3A_1723 = arith.mulf %get3A_1708, %get3A_1703 : vector<16xf32>
    %mul3A_1724 = arith.mulf %get3A_1713, %get3A_1698 : vector<16xf32>
    %add3A_1725 = arith.addf %mul3A_1723, %mul3A_1724 : vector<16xf32>
    %swap3A_1726 = arith.constant 22 : i32
    %swap3A_1727 = arith.index_cast %swap3A_1726 : i32 to index
    %swap3A_1728 = arith.constant 32 : index
    %swap3A_1729 = tpu.vector_load %arg15[%swap3A_1727, %swap3A_1728] {strides = array<i32>} : memref<32x64xf32, #tpu.memory_space<vmem>>, vector<1x16xf32>,
    %swap3A_1730 = vector.shape_cast %swap3A_1729 : vector<1x16xf32> to vector<16xf32>
    %swap3A_1731 = vector.shape_cast %add3A_1725 : vector<16xf32> to vector<1x16xf32>
    tpu.vector_store %arg15[%swap3A_1727, %swap3A_1728], %swap3A_1731 {strides = array<i32>} : memref<32x64xf32, #tpu.memory_space<vmem>>, vector<1x16xf32>,
    %get3A_1732 = arith.constant 22 : i32
    %get3A_1733 = arith.index_cast %get3A_1732 : i32 to index
    %get3A_1734 = arith.constant 16 : index
    %get3A_1735 = tpu.vector_load %arg11[%get3A_1733, %get3A_1734] {strides = array<i32>} : memref<32x32xf32, #tpu.memory_space<vmem>>, vector<1x16xf32>,
    %get3A_1736 = vector.shape_cast %get3A_1735 : vector<1x16xf32> to vector<16xf32>
    %get3A_1737 = arith.constant 22 : i32
    %get3A_1738 = arith.index_cast %get3A_1737 : i32 to index
    %get3A_1739 = arith.constant 16 : index
    %get3A_1740 = tpu.vector_load %arg12[%get3A_1738, %get3A_1739] {strides = array<i32>} : memref<32x32xf32, #tpu.memory_space<vmem>>, vector<1x16xf32>,
    %get3A_1741 = vector.shape_cast %get3A_1740 : vector<1x16xf32> to vector<16xf32>
    %get3A_1742 = arith.constant 22 : i32
    %get3A_1743 = arith.index_cast %get3A_1742 : i32 to index
    %get3A_1744 = arith.constant 16 : index
    %get3A_1745 = tpu.vector_load %arg13[%get3A_1743, %get3A_1744] {strides = array<i32>} : memref<32x32xf32, #tpu.memory_space<vmem>>, vector<1x16xf32>,
    %get3A_1746 = vector.shape_cast %get3A_1745 : vector<1x16xf32> to vector<16xf32>
    %get3A_1747 = arith.constant 22 : i32
    %get3A_1748 = arith.index_cast %get3A_1747 : i32 to index
    %get3A_1749 = arith.constant 16 : index
    %get3A_1750 = tpu.vector_load %arg14[%get3A_1748, %get3A_1749] {strides = array<i32>} : memref<32x32xf32, #tpu.memory_space<vmem>>, vector<1x16xf32>,
    %get3A_1751 = vector.shape_cast %get3A_1750 : vector<1x16xf32> to vector<16xf32>
    %mul3A_1752 = arith.mulf %get3A_1746, %get3A_1736 : vector<16xf32>
    %mul3A_1753 = arith.mulf %get3A_1751, %get3A_1741 : vector<16xf32>
    %sub3A_1754 = arith.subf %mul3A_1752, %mul3A_1753 : vector<16xf32>
    %swap3A_1755 = arith.constant 22 : i32
    %swap3A_1756 = arith.index_cast %swap3A_1755 : i32 to index
    %swap3A_1757 = arith.constant 16 : index
    %swap3A_1758 = tpu.vector_load %arg15[%swap3A_1756, %swap3A_1757] {strides = array<i32>} : memref<32x64xf32, #tpu.memory_space<vmem>>, vector<1x16xf32>,
    %swap3A_1759 = vector.shape_cast %swap3A_1758 : vector<1x16xf32> to vector<16xf32>
    %swap3A_1760 = vector.shape_cast %sub3A_1754 : vector<16xf32> to vector<1x16xf32>
    tpu.vector_store %arg15[%swap3A_1756, %swap3A_1757], %swap3A_1760 {strides = array<i32>} : memref<32x64xf32, #tpu.memory_space<vmem>>, vector<1x16xf32>,
    %mul3A_1761 = arith.mulf %get3A_1746, %get3A_1741 : vector<16xf32>
    %mul3A_1762 = arith.mulf %get3A_1751, %get3A_1736 : vector<16xf32>
    %add3A_1763 = arith.addf %mul3A_1761, %mul3A_1762 : vector<16xf32>
    %swap3A_1764 = arith.constant 22 : i32
    %swap3A_1765 = arith.index_cast %swap3A_1764 : i32 to index
    %swap3A_1766 = arith.constant 48 : index
    %swap3A_1767 = tpu.vector_load %arg15[%swap3A_1765, %swap3A_1766] {strides = array<i32>} : memref<32x64xf32, #tpu.memory_space<vmem>>, vector<1x16xf32>,
    %swap3A_1768 = vector.shape_cast %swap3A_1767 : vector<1x16xf32> to vector<16xf32>
    %swap3A_1769 = vector.shape_cast %add3A_1763 : vector<16xf32> to vector<1x16xf32>
    tpu.vector_store %arg15[%swap3A_1765, %swap3A_1766], %swap3A_1769 {strides = array<i32>} : memref<32x64xf32, #tpu.memory_space<vmem>>, vector<1x16xf32>,
    %get3A_1770 = arith.constant 23 : i32
    %get3A_1771 = arith.index_cast %get3A_1770 : i32 to index
    %get3A_1772 = arith.constant 0 : index
    %get3A_1773 = tpu.vector_load %arg11[%get3A_1771, %get3A_1772] {strides = array<i32>} : memref<32x32xf32, #tpu.memory_space<vmem>>, vector<1x16xf32>,
    %get3A_1774 = vector.shape_cast %get3A_1773 : vector<1x16xf32> to vector<16xf32>
    %get3A_1775 = arith.constant 23 : i32
    %get3A_1776 = arith.index_cast %get3A_1775 : i32 to index
    %get3A_1777 = arith.constant 0 : index
    %get3A_1778 = tpu.vector_load %arg12[%get3A_1776, %get3A_1777] {strides = array<i32>} : memref<32x32xf32, #tpu.memory_space<vmem>>, vector<1x16xf32>,
    %get3A_1779 = vector.shape_cast %get3A_1778 : vector<1x16xf32> to vector<16xf32>
    %get3A_1780 = arith.constant 23 : i32
    %get3A_1781 = arith.index_cast %get3A_1780 : i32 to index
    %get3A_1782 = arith.constant 0 : index
    %get3A_1783 = tpu.vector_load %arg13[%get3A_1781, %get3A_1782] {strides = array<i32>} : memref<32x32xf32, #tpu.memory_space<vmem>>, vector<1x16xf32>,
    %get3A_1784 = vector.shape_cast %get3A_1783 : vector<1x16xf32> to vector<16xf32>
    %get3A_1785 = arith.constant 23 : i32
    %get3A_1786 = arith.index_cast %get3A_1785 : i32 to index
    %get3A_1787 = arith.constant 0 : index
    %get3A_1788 = tpu.vector_load %arg14[%get3A_1786, %get3A_1787] {strides = array<i32>} : memref<32x32xf32, #tpu.memory_space<vmem>>, vector<1x16xf32>,
    %get3A_1789 = vector.shape_cast %get3A_1788 : vector<1x16xf32> to vector<16xf32>
    %mul3A_1790 = arith.mulf %get3A_1784, %get3A_1774 : vector<16xf32>
    %mul3A_1791 = arith.mulf %get3A_1789, %get3A_1779 : vector<16xf32>
    %sub3A_1792 = arith.subf %mul3A_1790, %mul3A_1791 : vector<16xf32>
    %swap3A_1793 = arith.constant 23 : i32
    %swap3A_1794 = arith.index_cast %swap3A_1793 : i32 to index
    %swap3A_1795 = arith.constant 0 : index
    %swap3A_1796 = tpu.vector_load %arg15[%swap3A_1794, %swap3A_1795] {strides = array<i32>} : memref<32x64xf32, #tpu.memory_space<vmem>>, vector<1x16xf32>,
    %swap3A_1797 = vector.shape_cast %swap3A_1796 : vector<1x16xf32> to vector<16xf32>
    %swap3A_1798 = vector.shape_cast %sub3A_1792 : vector<16xf32> to vector<1x16xf32>
    tpu.vector_store %arg15[%swap3A_1794, %swap3A_1795], %swap3A_1798 {strides = array<i32>} : memref<32x64xf32, #tpu.memory_space<vmem>>, vector<1x16xf32>,
    %mul3A_1799 = arith.mulf %get3A_1784, %get3A_1779 : vector<16xf32>
    %mul3A_1800 = arith.mulf %get3A_1789, %get3A_1774 : vector<16xf32>
    %add3A_1801 = arith.addf %mul3A_1799, %mul3A_1800 : vector<16xf32>
    %swap3A_1802 = arith.constant 23 : i32
    %swap3A_1803 = arith.index_cast %swap3A_1802 : i32 to index
    %swap3A_1804 = arith.constant 32 : index
    %swap3A_1805 = tpu.vector_load %arg15[%swap3A_1803, %swap3A_1804] {strides = array<i32>} : memref<32x64xf32, #tpu.memory_space<vmem>>, vector<1x16xf32>,
    %swap3A_1806 = vector.shape_cast %swap3A_1805 : vector<1x16xf32> to vector<16xf32>
    %swap3A_1807 = vector.shape_cast %add3A_1801 : vector<16xf32> to vector<1x16xf32>
    tpu.vector_store %arg15[%swap3A_1803, %swap3A_1804], %swap3A_1807 {strides = array<i32>} : memref<32x64xf32, #tpu.memory_space<vmem>>, vector<1x16xf32>,
    %get3A_1808 = arith.constant 23 : i32
    %get3A_1809 = arith.index_cast %get3A_1808 : i32 to index
    %get3A_1810 = arith.constant 16 : index
    %get3A_1811 = tpu.vector_load %arg11[%get3A_1809, %get3A_1810] {strides = array<i32>} : memref<32x32xf32, #tpu.memory_space<vmem>>, vector<1x16xf32>,
    %get3A_1812 = vector.shape_cast %get3A_1811 : vector<1x16xf32> to vector<16xf32>
    %get3A_1813 = arith.constant 23 : i32
    %get3A_1814 = arith.index_cast %get3A_1813 : i32 to index
    %get3A_1815 = arith.constant 16 : index
    %get3A_1816 = tpu.vector_load %arg12[%get3A_1814, %get3A_1815] {strides = array<i32>} : memref<32x32xf32, #tpu.memory_space<vmem>>, vector<1x16xf32>,
    %get3A_1817 = vector.shape_cast %get3A_1816 : vector<1x16xf32> to vector<16xf32>
    %get3A_1818 = arith.constant 23 : i32
    %get3A_1819 = arith.index_cast %get3A_1818 : i32 to index
    %get3A_1820 = arith.constant 16 : index
    %get3A_1821 = tpu.vector_load %arg13[%get3A_1819, %get3A_1820] {strides = array<i32>} : memref<32x32xf32, #tpu.memory_space<vmem>>, vector<1x16xf32>,
    %get3A_1822 = vector.shape_cast %get3A_1821 : vector<1x16xf32> to vector<16xf32>
    %get3A_1823 = arith.constant 23 : i32
    %get3A_1824 = arith.index_cast %get3A_1823 : i32 to index
    %get3A_1825 = arith.constant 16 : index
    %get3A_1826 = tpu.vector_load %arg14[%get3A_1824, %get3A_1825] {strides = array<i32>} : memref<32x32xf32, #tpu.memory_space<vmem>>, vector<1x16xf32>,
    %get3A_1827 = vector.shape_cast %get3A_1826 : vector<1x16xf32> to vector<16xf32>
    %mul3A_1828 = arith.mulf %get3A_1822, %get3A_1812 : vector<16xf32>
    %mul3A_1829 = arith.mulf %get3A_1827, %get3A_1817 : vector<16xf32>
    %sub3A_1830 = arith.subf %mul3A_1828, %mul3A_1829 : vector<16xf32>
    %swap3A_1831 = arith.constant 23 : i32
    %swap3A_1832 = arith.index_cast %swap3A_1831 : i32 to index
    %swap3A_1833 = arith.constant 16 : index
    %swap3A_1834 = tpu.vector_load %arg15[%swap3A_1832, %swap3A_1833] {strides = array<i32>} : memref<32x64xf32, #tpu.memory_space<vmem>>, vector<1x16xf32>,
    %swap3A_1835 = vector.shape_cast %swap3A_1834 : vector<1x16xf32> to vector<16xf32>
    %swap3A_1836 = vector.shape_cast %sub3A_1830 : vector<16xf32> to vector<1x16xf32>
    tpu.vector_store %arg15[%swap3A_1832, %swap3A_1833], %swap3A_1836 {strides = array<i32>} : memref<32x64xf32, #tpu.memory_space<vmem>>, vector<1x16xf32>,
    %mul3A_1837 = arith.mulf %get3A_1822, %get3A_1817 : vector<16xf32>
    %mul3A_1838 = arith.mulf %get3A_1827, %get3A_1812 : vector<16xf32>
    %add3A_1839 = arith.addf %mul3A_1837, %mul3A_1838 : vector<16xf32>
    %swap3A_1840 = arith.constant 23 : i32
    %swap3A_1841 = arith.index_cast %swap3A_1840 : i32 to index
    %swap3A_1842 = arith.constant 48 : index
    %swap3A_1843 = tpu.vector_load %arg15[%swap3A_1841, %swap3A_1842] {strides = array<i32>} : memref<32x64xf32, #tpu.memory_space<vmem>>, vector<1x16xf32>,
    %swap3A_1844 = vector.shape_cast %swap3A_1843 : vector<1x16xf32> to vector<16xf32>
    %swap3A_1845 = vector.shape_cast %add3A_1839 : vector<16xf32> to vector<1x16xf32>
    tpu.vector_store %arg15[%swap3A_1841, %swap3A_1842], %swap3A_1845 {strides = array<i32>} : memref<32x64xf32, #tpu.memory_space<vmem>>, vector<1x16xf32>,
    %get3A_1846 = arith.constant 24 : i32
    %get3A_1847 = arith.index_cast %get3A_1846 : i32 to index
    %get3A_1848 = arith.constant 0 : index
    %get3A_1849 = tpu.vector_load %arg11[%get3A_1847, %get3A_1848] {strides = array<i32>} : memref<32x32xf32, #tpu.memory_space<vmem>>, vector<1x16xf32>,
    %get3A_1850 = vector.shape_cast %get3A_1849 : vector<1x16xf32> to vector<16xf32>
    %get3A_1851 = arith.constant 24 : i32
    %get3A_1852 = arith.index_cast %get3A_1851 : i32 to index
    %get3A_1853 = arith.constant 0 : index
    %get3A_1854 = tpu.vector_load %arg12[%get3A_1852, %get3A_1853] {strides = array<i32>} : memref<32x32xf32, #tpu.memory_space<vmem>>, vector<1x16xf32>,
    %get3A_1855 = vector.shape_cast %get3A_1854 : vector<1x16xf32> to vector<16xf32>
    %get3A_1856 = arith.constant 24 : i32
    %get3A_1857 = arith.index_cast %get3A_1856 : i32 to index
    %get3A_1858 = arith.constant 0 : index
    %get3A_1859 = tpu.vector_load %arg13[%get3A_1857, %get3A_1858] {strides = array<i32>} : memref<32x32xf32, #tpu.memory_space<vmem>>, vector<1x16xf32>,
    %get3A_1860 = vector.shape_cast %get3A_1859 : vector<1x16xf32> to vector<16xf32>
    %get3A_1861 = arith.constant 24 : i32
    %get3A_1862 = arith.index_cast %get3A_1861 : i32 to index
    %get3A_1863 = arith.constant 0 : index
    %get3A_1864 = tpu.vector_load %arg14[%get3A_1862, %get3A_1863] {strides = array<i32>} : memref<32x32xf32, #tpu.memory_space<vmem>>, vector<1x16xf32>,
    %get3A_1865 = vector.shape_cast %get3A_1864 : vector<1x16xf32> to vector<16xf32>
    %mul3A_1866 = arith.mulf %get3A_1860, %get3A_1850 : vector<16xf32>
    %mul3A_1867 = arith.mulf %get3A_1865, %get3A_1855 : vector<16xf32>
    %sub3A_1868 = arith.subf %mul3A_1866, %mul3A_1867 : vector<16xf32>
    %swap3A_1869 = arith.constant 24 : i32
    %swap3A_1870 = arith.index_cast %swap3A_1869 : i32 to index
    %swap3A_1871 = arith.constant 0 : index
    %swap3A_1872 = tpu.vector_load %arg15[%swap3A_1870, %swap3A_1871] {strides = array<i32>} : memref<32x64xf32, #tpu.memory_space<vmem>>, vector<1x16xf32>,
    %swap3A_1873 = vector.shape_cast %swap3A_1872 : vector<1x16xf32> to vector<16xf32>
    %swap3A_1874 = vector.shape_cast %sub3A_1868 : vector<16xf32> to vector<1x16xf32>
    tpu.vector_store %arg15[%swap3A_1870, %swap3A_1871], %swap3A_1874 {strides = array<i32>} : memref<32x64xf32, #tpu.memory_space<vmem>>, vector<1x16xf32>,
    %mul3A_1875 = arith.mulf %get3A_1860, %get3A_1855 : vector<16xf32>
    %mul3A_1876 = arith.mulf %get3A_1865, %get3A_1850 : vector<16xf32>
    %add3A_1877 = arith.addf %mul3A_1875, %mul3A_1876 : vector<16xf32>
    %swap3A_1878 = arith.constant 24 : i32
    %swap3A_1879 = arith.index_cast %swap3A_1878 : i32 to index
    %swap3A_1880 = arith.constant 32 : index
    %swap3A_1881 = tpu.vector_load %arg15[%swap3A_1879, %swap3A_1880] {strides = array<i32>} : memref<32x64xf32, #tpu.memory_space<vmem>>, vector<1x16xf32>,
    %swap3A_1882 = vector.shape_cast %swap3A_1881 : vector<1x16xf32> to vector<16xf32>
    %swap3A_1883 = vector.shape_cast %add3A_1877 : vector<16xf32> to vector<1x16xf32>
    tpu.vector_store %arg15[%swap3A_1879, %swap3A_1880], %swap3A_1883 {strides = array<i32>} : memref<32x64xf32, #tpu.memory_space<vmem>>, vector<1x16xf32>,
    %get3A_1884 = arith.constant 24 : i32
    %get3A_1885 = arith.index_cast %get3A_1884 : i32 to index
    %get3A_1886 = arith.constant 16 : index
    %get3A_1887 = tpu.vector_load %arg11[%get3A_1885, %get3A_1886] {strides = array<i32>} : memref<32x32xf32, #tpu.memory_space<vmem>>, vector<1x16xf32>,
    %get3A_1888 = vector.shape_cast %get3A_1887 : vector<1x16xf32> to vector<16xf32>
    %get3A_1889 = arith.constant 24 : i32
    %get3A_1890 = arith.index_cast %get3A_1889 : i32 to index
    %get3A_1891 = arith.constant 16 : index
    %get3A_1892 = tpu.vector_load %arg12[%get3A_1890, %get3A_1891] {strides = array<i32>} : memref<32x32xf32, #tpu.memory_space<vmem>>, vector<1x16xf32>,
    %get3A_1893 = vector.shape_cast %get3A_1892 : vector<1x16xf32> to vector<16xf32>
    %get3A_1894 = arith.constant 24 : i32
    %get3A_1895 = arith.index_cast %get3A_1894 : i32 to index
    %get3A_1896 = arith.constant 16 : index
    %get3A_1897 = tpu.vector_load %arg13[%get3A_1895, %get3A_1896] {strides = array<i32>} : memref<32x32xf32, #tpu.memory_space<vmem>>, vector<1x16xf32>,
    %get3A_1898 = vector.shape_cast %get3A_1897 : vector<1x16xf32> to vector<16xf32>
    %get3A_1899 = arith.constant 24 : i32
    %get3A_1900 = arith.index_cast %get3A_1899 : i32 to index
    %get3A_1901 = arith.constant 16 : index
    %get3A_1902 = tpu.vector_load %arg14[%get3A_1900, %get3A_1901] {strides = array<i32>} : memref<32x32xf32, #tpu.memory_space<vmem>>, vector<1x16xf32>,
    %get3A_1903 = vector.shape_cast %get3A_1902 : vector<1x16xf32> to vector<16xf32>
    %mul3A_1904 = arith.mulf %get3A_1898, %get3A_1888 : vector<16xf32>
    %mul3A_1905 = arith.mulf %get3A_1903, %get3A_1893 : vector<16xf32>
    %sub3A_1906 = arith.subf %mul3A_1904, %mul3A_1905 : vector<16xf32>
    %swap3A_1907 = arith.constant 24 : i32
    %swap3A_1908 = arith.index_cast %swap3A_1907 : i32 to index
    %swap3A_1909 = arith.constant 16 : index
    %swap3A_1910 = tpu.vector_load %arg15[%swap3A_1908, %swap3A_1909] {strides = array<i32>} : memref<32x64xf32, #tpu.memory_space<vmem>>, vector<1x16xf32>,
    %swap3A_1911 = vector.shape_cast %swap3A_1910 : vector<1x16xf32> to vector<16xf32>
    %swap3A_1912 = vector.shape_cast %sub3A_1906 : vector<16xf32> to vector<1x16xf32>
    tpu.vector_store %arg15[%swap3A_1908, %swap3A_1909], %swap3A_1912 {strides = array<i32>} : memref<32x64xf32, #tpu.memory_space<vmem>>, vector<1x16xf32>,
    %mul3A_1913 = arith.mulf %get3A_1898, %get3A_1893 : vector<16xf32>
    %mul3A_1914 = arith.mulf %get3A_1903, %get3A_1888 : vector<16xf32>
    %add3A_1915 = arith.addf %mul3A_1913, %mul3A_1914 : vector<16xf32>
    %swap3A_1916 = arith.constant 24 : i32
    %swap3A_1917 = arith.index_cast %swap3A_1916 : i32 to index
    %swap3A_1918 = arith.constant 48 : index
    %swap3A_1919 = tpu.vector_load %arg15[%swap3A_1917, %swap3A_1918] {strides = array<i32>} : memref<32x64xf32, #tpu.memory_space<vmem>>, vector<1x16xf32>,
    %swap3A_1920 = vector.shape_cast %swap3A_1919 : vector<1x16xf32> to vector<16xf32>
    %swap3A_1921 = vector.shape_cast %add3A_1915 : vector<16xf32> to vector<1x16xf32>
    tpu.vector_store %arg15[%swap3A_1917, %swap3A_1918], %swap3A_1921 {strides = array<i32>} : memref<32x64xf32, #tpu.memory_space<vmem>>, vector<1x16xf32>,
    %get3A_1922 = arith.constant 25 : i32
    %get3A_1923 = arith.index_cast %get3A_1922 : i32 to index
    %get3A_1924 = arith.constant 0 : index
    %get3A_1925 = tpu.vector_load %arg11[%get3A_1923, %get3A_1924] {strides = array<i32>} : memref<32x32xf32, #tpu.memory_space<vmem>>, vector<1x16xf32>,
    %get3A_1926 = vector.shape_cast %get3A_1925 : vector<1x16xf32> to vector<16xf32>
    %get3A_1927 = arith.constant 25 : i32
    %get3A_1928 = arith.index_cast %get3A_1927 : i32 to index
    %get3A_1929 = arith.constant 0 : index
    %get3A_1930 = tpu.vector_load %arg12[%get3A_1928, %get3A_1929] {strides = array<i32>} : memref<32x32xf32, #tpu.memory_space<vmem>>, vector<1x16xf32>,
    %get3A_1931 = vector.shape_cast %get3A_1930 : vector<1x16xf32> to vector<16xf32>
    %get3A_1932 = arith.constant 25 : i32
    %get3A_1933 = arith.index_cast %get3A_1932 : i32 to index
    %get3A_1934 = arith.constant 0 : index
    %get3A_1935 = tpu.vector_load %arg13[%get3A_1933, %get3A_1934] {strides = array<i32>} : memref<32x32xf32, #tpu.memory_space<vmem>>, vector<1x16xf32>,
    %get3A_1936 = vector.shape_cast %get3A_1935 : vector<1x16xf32> to vector<16xf32>
    %get3A_1937 = arith.constant 25 : i32
    %get3A_1938 = arith.index_cast %get3A_1937 : i32 to index
    %get3A_1939 = arith.constant 0 : index
    %get3A_1940 = tpu.vector_load %arg14[%get3A_1938, %get3A_1939] {strides = array<i32>} : memref<32x32xf32, #tpu.memory_space<vmem>>, vector<1x16xf32>,
    %get3A_1941 = vector.shape_cast %get3A_1940 : vector<1x16xf32> to vector<16xf32>
    %mul3A_1942 = arith.mulf %get3A_1936, %get3A_1926 : vector<16xf32>
    %mul3A_1943 = arith.mulf %get3A_1941, %get3A_1931 : vector<16xf32>
    %sub3A_1944 = arith.subf %mul3A_1942, %mul3A_1943 : vector<16xf32>
    %swap3A_1945 = arith.constant 25 : i32
    %swap3A_1946 = arith.index_cast %swap3A_1945 : i32 to index
    %swap3A_1947 = arith.constant 0 : index
    %swap3A_1948 = tpu.vector_load %arg15[%swap3A_1946, %swap3A_1947] {strides = array<i32>} : memref<32x64xf32, #tpu.memory_space<vmem>>, vector<1x16xf32>,
    %swap3A_1949 = vector.shape_cast %swap3A_1948 : vector<1x16xf32> to vector<16xf32>
    %swap3A_1950 = vector.shape_cast %sub3A_1944 : vector<16xf32> to vector<1x16xf32>
    tpu.vector_store %arg15[%swap3A_1946, %swap3A_1947], %swap3A_1950 {strides = array<i32>} : memref<32x64xf32, #tpu.memory_space<vmem>>, vector<1x16xf32>,
    %mul3A_1951 = arith.mulf %get3A_1936, %get3A_1931 : vector<16xf32>
    %mul3A_1952 = arith.mulf %get3A_1941, %get3A_1926 : vector<16xf32>
    %add3A_1953 = arith.addf %mul3A_1951, %mul3A_1952 : vector<16xf32>
    %swap3A_1954 = arith.constant 25 : i32
    %swap3A_1955 = arith.index_cast %swap3A_1954 : i32 to index
    %swap3A_1956 = arith.constant 32 : index
    %swap3A_1957 = tpu.vector_load %arg15[%swap3A_1955, %swap3A_1956] {strides = array<i32>} : memref<32x64xf32, #tpu.memory_space<vmem>>, vector<1x16xf32>,
    %swap3A_1958 = vector.shape_cast %swap3A_1957 : vector<1x16xf32> to vector<16xf32>
    %swap3A_1959 = vector.shape_cast %add3A_1953 : vector<16xf32> to vector<1x16xf32>
    tpu.vector_store %arg15[%swap3A_1955, %swap3A_1956], %swap3A_1959 {strides = array<i32>} : memref<32x64xf32, #tpu.memory_space<vmem>>, vector<1x16xf32>,
    %get3A_1960 = arith.constant 25 : i32
    %get3A_1961 = arith.index_cast %get3A_1960 : i32 to index
    %get3A_1962 = arith.constant 16 : index
    %get3A_1963 = tpu.vector_load %arg11[%get3A_1961, %get3A_1962] {strides = array<i32>} : memref<32x32xf32, #tpu.memory_space<vmem>>, vector<1x16xf32>,
    %get3A_1964 = vector.shape_cast %get3A_1963 : vector<1x16xf32> to vector<16xf32>
    %get3A_1965 = arith.constant 25 : i32
    %get3A_1966 = arith.index_cast %get3A_1965 : i32 to index
    %get3A_1967 = arith.constant 16 : index
    %get3A_1968 = tpu.vector_load %arg12[%get3A_1966, %get3A_1967] {strides = array<i32>} : memref<32x32xf32, #tpu.memory_space<vmem>>, vector<1x16xf32>,
    %get3A_1969 = vector.shape_cast %get3A_1968 : vector<1x16xf32> to vector<16xf32>
    %get3A_1970 = arith.constant 25 : i32
    %get3A_1971 = arith.index_cast %get3A_1970 : i32 to index
    %get3A_1972 = arith.constant 16 : index
    %get3A_1973 = tpu.vector_load %arg13[%get3A_1971, %get3A_1972] {strides = array<i32>} : memref<32x32xf32, #tpu.memory_space<vmem>>, vector<1x16xf32>,
    %get3A_1974 = vector.shape_cast %get3A_1973 : vector<1x16xf32> to vector<16xf32>
    %get3A_1975 = arith.constant 25 : i32
    %get3A_1976 = arith.index_cast %get3A_1975 : i32 to index
    %get3A_1977 = arith.constant 16 : index
    %get3A_1978 = tpu.vector_load %arg14[%get3A_1976, %get3A_1977] {strides = array<i32>} : memref<32x32xf32, #tpu.memory_space<vmem>>, vector<1x16xf32>,
    %get3A_1979 = vector.shape_cast %get3A_1978 : vector<1x16xf32> to vector<16xf32>
    %mul3A_1980 = arith.mulf %get3A_1974, %get3A_1964 : vector<16xf32>
    %mul3A_1981 = arith.mulf %get3A_1979, %get3A_1969 : vector<16xf32>
    %sub3A_1982 = arith.subf %mul3A_1980, %mul3A_1981 : vector<16xf32>
    %swap3A_1983 = arith.constant 25 : i32
    %swap3A_1984 = arith.index_cast %swap3A_1983 : i32 to index
    %swap3A_1985 = arith.constant 16 : index
    %swap3A_1986 = tpu.vector_load %arg15[%swap3A_1984, %swap3A_1985] {strides = array<i32>} : memref<32x64xf32, #tpu.memory_space<vmem>>, vector<1x16xf32>,
    %swap3A_1987 = vector.shape_cast %swap3A_1986 : vector<1x16xf32> to vector<16xf32>
    %swap3A_1988 = vector.shape_cast %sub3A_1982 : vector<16xf32> to vector<1x16xf32>
    tpu.vector_store %arg15[%swap3A_1984, %swap3A_1985], %swap3A_1988 {strides = array<i32>} : memref<32x64xf32, #tpu.memory_space<vmem>>, vector<1x16xf32>,
    %mul3A_1989 = arith.mulf %get3A_1974, %get3A_1969 : vector<16xf32>
    %mul3A_1990 = arith.mulf %get3A_1979, %get3A_1964 : vector<16xf32>
    %add3A_1991 = arith.addf %mul3A_1989, %mul3A_1990 : vector<16xf32>
    %swap3A_1992 = arith.constant 25 : i32
    %swap3A_1993 = arith.index_cast %swap3A_1992 : i32 to index
    %swap3A_1994 = arith.constant 48 : index
    %swap3A_1995 = tpu.vector_load %arg15[%swap3A_1993, %swap3A_1994] {strides = array<i32>} : memref<32x64xf32, #tpu.memory_space<vmem>>, vector<1x16xf32>,
    %swap3A_1996 = vector.shape_cast %swap3A_1995 : vector<1x16xf32> to vector<16xf32>
    %swap3A_1997 = vector.shape_cast %add3A_1991 : vector<16xf32> to vector<1x16xf32>
    tpu.vector_store %arg15[%swap3A_1993, %swap3A_1994], %swap3A_1997 {strides = array<i32>} : memref<32x64xf32, #tpu.memory_space<vmem>>, vector<1x16xf32>,
    %get3A_1998 = arith.constant 26 : i32
    %get3A_1999 = arith.index_cast %get3A_1998 : i32 to index
    %get3A_2000 = arith.constant 0 : index
    %get3A_2001 = tpu.vector_load %arg11[%get3A_1999, %get3A_2000] {strides = array<i32>} : memref<32x32xf32, #tpu.memory_space<vmem>>, vector<1x16xf32>,
    %get3A_2002 = vector.shape_cast %get3A_2001 : vector<1x16xf32> to vector<16xf32>
    %get3A_2003 = arith.constant 26 : i32
    %get3A_2004 = arith.index_cast %get3A_2003 : i32 to index
    %get3A_2005 = arith.constant 0 : index
    %get3A_2006 = tpu.vector_load %arg12[%get3A_2004, %get3A_2005] {strides = array<i32>} : memref<32x32xf32, #tpu.memory_space<vmem>>, vector<1x16xf32>,
    %get3A_2007 = vector.shape_cast %get3A_2006 : vector<1x16xf32> to vector<16xf32>
    %get3A_2008 = arith.constant 26 : i32
    %get3A_2009 = arith.index_cast %get3A_2008 : i32 to index
    %get3A_2010 = arith.constant 0 : index
    %get3A_2011 = tpu.vector_load %arg13[%get3A_2009, %get3A_2010] {strides = array<i32>} : memref<32x32xf32, #tpu.memory_space<vmem>>, vector<1x16xf32>,
    %get3A_2012 = vector.shape_cast %get3A_2011 : vector<1x16xf32> to vector<16xf32>
    %get3A_2013 = arith.constant 26 : i32
    %get3A_2014 = arith.index_cast %get3A_2013 : i32 to index
    %get3A_2015 = arith.constant 0 : index
    %get3A_2016 = tpu.vector_load %arg14[%get3A_2014, %get3A_2015] {strides = array<i32>} : memref<32x32xf32, #tpu.memory_space<vmem>>, vector<1x16xf32>,
    %get3A_2017 = vector.shape_cast %get3A_2016 : vector<1x16xf32> to vector<16xf32>
    %mul3A_2018 = arith.mulf %get3A_2012, %get3A_2002 : vector<16xf32>
    %mul3A_2019 = arith.mulf %get3A_2017, %get3A_2007 : vector<16xf32>
    %sub3A_2020 = arith.subf %mul3A_2018, %mul3A_2019 : vector<16xf32>
    %swap3A_2021 = arith.constant 26 : i32
    %swap3A_2022 = arith.index_cast %swap3A_2021 : i32 to index
    %swap3A_2023 = arith.constant 0 : index
    %swap3A_2024 = tpu.vector_load %arg15[%swap3A_2022, %swap3A_2023] {strides = array<i32>} : memref<32x64xf32, #tpu.memory_space<vmem>>, vector<1x16xf32>,
    %swap3A_2025 = vector.shape_cast %swap3A_2024 : vector<1x16xf32> to vector<16xf32>
    %swap3A_2026 = vector.shape_cast %sub3A_2020 : vector<16xf32> to vector<1x16xf32>
    tpu.vector_store %arg15[%swap3A_2022, %swap3A_2023], %swap3A_2026 {strides = array<i32>} : memref<32x64xf32, #tpu.memory_space<vmem>>, vector<1x16xf32>,
    %mul3A_2027 = arith.mulf %get3A_2012, %get3A_2007 : vector<16xf32>
    %mul3A_2028 = arith.mulf %get3A_2017, %get3A_2002 : vector<16xf32>
    %add3A_2029 = arith.addf %mul3A_2027, %mul3A_2028 : vector<16xf32>
    %swap3A_2030 = arith.constant 26 : i32
    %swap3A_2031 = arith.index_cast %swap3A_2030 : i32 to index
    %swap3A_2032 = arith.constant 32 : index
    %swap3A_2033 = tpu.vector_load %arg15[%swap3A_2031, %swap3A_2032] {strides = array<i32>} : memref<32x64xf32, #tpu.memory_space<vmem>>, vector<1x16xf32>,
    %swap3A_2034 = vector.shape_cast %swap3A_2033 : vector<1x16xf32> to vector<16xf32>
    %swap3A_2035 = vector.shape_cast %add3A_2029 : vector<16xf32> to vector<1x16xf32>
    tpu.vector_store %arg15[%swap3A_2031, %swap3A_2032], %swap3A_2035 {strides = array<i32>} : memref<32x64xf32, #tpu.memory_space<vmem>>, vector<1x16xf32>,
    %get3A_2036 = arith.constant 26 : i32
    %get3A_2037 = arith.index_cast %get3A_2036 : i32 to index
    %get3A_2038 = arith.constant 16 : index
    %get3A_2039 = tpu.vector_load %arg11[%get3A_2037, %get3A_2038] {strides = array<i32>} : memref<32x32xf32, #tpu.memory_space<vmem>>, vector<1x16xf32>,
    %get3A_2040 = vector.shape_cast %get3A_2039 : vector<1x16xf32> to vector<16xf32>
    %get3A_2041 = arith.constant 26 : i32
    %get3A_2042 = arith.index_cast %get3A_2041 : i32 to index
    %get3A_2043 = arith.constant 16 : index
    %get3A_2044 = tpu.vector_load %arg12[%get3A_2042, %get3A_2043] {strides = array<i32>} : memref<32x32xf32, #tpu.memory_space<vmem>>, vector<1x16xf32>,
    %get3A_2045 = vector.shape_cast %get3A_2044 : vector<1x16xf32> to vector<16xf32>
    %get3A_2046 = arith.constant 26 : i32
    %get3A_2047 = arith.index_cast %get3A_2046 : i32 to index
    %get3A_2048 = arith.constant 16 : index
    %get3A_2049 = tpu.vector_load %arg13[%get3A_2047, %get3A_2048] {strides = array<i32>} : memref<32x32xf32, #tpu.memory_space<vmem>>, vector<1x16xf32>,
    %get3A_2050 = vector.shape_cast %get3A_2049 : vector<1x16xf32> to vector<16xf32>
    %get3A_2051 = arith.constant 26 : i32
    %get3A_2052 = arith.index_cast %get3A_2051 : i32 to index
    %get3A_2053 = arith.constant 16 : index
    %get3A_2054 = tpu.vector_load %arg14[%get3A_2052, %get3A_2053] {strides = array<i32>} : memref<32x32xf32, #tpu.memory_space<vmem>>, vector<1x16xf32>,
    %get3A_2055 = vector.shape_cast %get3A_2054 : vector<1x16xf32> to vector<16xf32>
    %mul3A_2056 = arith.mulf %get3A_2050, %get3A_2040 : vector<16xf32>
    %mul3A_2057 = arith.mulf %get3A_2055, %get3A_2045 : vector<16xf32>
    %sub3A_2058 = arith.subf %mul3A_2056, %mul3A_2057 : vector<16xf32>
    %swap3A_2059 = arith.constant 26 : i32
    %swap3A_2060 = arith.index_cast %swap3A_2059 : i32 to index
    %swap3A_2061 = arith.constant 16 : index
    %swap3A_2062 = tpu.vector_load %arg15[%swap3A_2060, %swap3A_2061] {strides = array<i32>} : memref<32x64xf32, #tpu.memory_space<vmem>>, vector<1x16xf32>,
    %swap3A_2063 = vector.shape_cast %swap3A_2062 : vector<1x16xf32> to vector<16xf32>
    %swap3A_2064 = vector.shape_cast %sub3A_2058 : vector<16xf32> to vector<1x16xf32>
    tpu.vector_store %arg15[%swap3A_2060, %swap3A_2061], %swap3A_2064 {strides = array<i32>} : memref<32x64xf32, #tpu.memory_space<vmem>>, vector<1x16xf32>,
    %mul3A_2065 = arith.mulf %get3A_2050, %get3A_2045 : vector<16xf32>
    %mul3A_2066 = arith.mulf %get3A_2055, %get3A_2040 : vector<16xf32>
    %add3A_2067 = arith.addf %mul3A_2065, %mul3A_2066 : vector<16xf32>
    %swap3A_2068 = arith.constant 26 : i32
    %swap3A_2069 = arith.index_cast %swap3A_2068 : i32 to index
    %swap3A_2070 = arith.constant 48 : index
    %swap3A_2071 = tpu.vector_load %arg15[%swap3A_2069, %swap3A_2070] {strides = array<i32>} : memref<32x64xf32, #tpu.memory_space<vmem>>, vector<1x16xf32>,
    %swap3A_2072 = vector.shape_cast %swap3A_2071 : vector<1x16xf32> to vector<16xf32>
    %swap3A_2073 = vector.shape_cast %add3A_2067 : vector<16xf32> to vector<1x16xf32>
    tpu.vector_store %arg15[%swap3A_2069, %swap3A_2070], %swap3A_2073 {strides = array<i32>} : memref<32x64xf32, #tpu.memory_space<vmem>>, vector<1x16xf32>,
    %get3A_2074 = arith.constant 27 : i32
    %get3A_2075 = arith.index_cast %get3A_2074 : i32 to index
    %get3A_2076 = arith.constant 0 : index
    %get3A_2077 = tpu.vector_load %arg11[%get3A_2075, %get3A_2076] {strides = array<i32>} : memref<32x32xf32, #tpu.memory_space<vmem>>, vector<1x16xf32>,
    %get3A_2078 = vector.shape_cast %get3A_2077 : vector<1x16xf32> to vector<16xf32>
    %get3A_2079 = arith.constant 27 : i32
    %get3A_2080 = arith.index_cast %get3A_2079 : i32 to index
    %get3A_2081 = arith.constant 0 : index
    %get3A_2082 = tpu.vector_load %arg12[%get3A_2080, %get3A_2081] {strides = array<i32>} : memref<32x32xf32, #tpu.memory_space<vmem>>, vector<1x16xf32>,
    %get3A_2083 = vector.shape_cast %get3A_2082 : vector<1x16xf32> to vector<16xf32>
    %get3A_2084 = arith.constant 27 : i32
    %get3A_2085 = arith.index_cast %get3A_2084 : i32 to index
    %get3A_2086 = arith.constant 0 : index
    %get3A_2087 = tpu.vector_load %arg13[%get3A_2085, %get3A_2086] {strides = array<i32>} : memref<32x32xf32, #tpu.memory_space<vmem>>, vector<1x16xf32>,
    %get3A_2088 = vector.shape_cast %get3A_2087 : vector<1x16xf32> to vector<16xf32>
    %get3A_2089 = arith.constant 27 : i32
    %get3A_2090 = arith.index_cast %get3A_2089 : i32 to index
    %get3A_2091 = arith.constant 0 : index
    %get3A_2092 = tpu.vector_load %arg14[%get3A_2090, %get3A_2091] {strides = array<i32>} : memref<32x32xf32, #tpu.memory_space<vmem>>, vector<1x16xf32>,
    %get3A_2093 = vector.shape_cast %get3A_2092 : vector<1x16xf32> to vector<16xf32>
    %mul3A_2094 = arith.mulf %get3A_2088, %get3A_2078 : vector<16xf32>
    %mul3A_2095 = arith.mulf %get3A_2093, %get3A_2083 : vector<16xf32>
    %sub3A_2096 = arith.subf %mul3A_2094, %mul3A_2095 : vector<16xf32>
    %swap3A_2097 = arith.constant 27 : i32
    %swap3A_2098 = arith.index_cast %swap3A_2097 : i32 to index
    %swap3A_2099 = arith.constant 0 : index
    %swap3A_2100 = tpu.vector_load %arg15[%swap3A_2098, %swap3A_2099] {strides = array<i32>} : memref<32x64xf32, #tpu.memory_space<vmem>>, vector<1x16xf32>,
    %swap3A_2101 = vector.shape_cast %swap3A_2100 : vector<1x16xf32> to vector<16xf32>
    %swap3A_2102 = vector.shape_cast %sub3A_2096 : vector<16xf32> to vector<1x16xf32>
    tpu.vector_store %arg15[%swap3A_2098, %swap3A_2099], %swap3A_2102 {strides = array<i32>} : memref<32x64xf32, #tpu.memory_space<vmem>>, vector<1x16xf32>,
    %mul3A_2103 = arith.mulf %get3A_2088, %get3A_2083 : vector<16xf32>
    %mul3A_2104 = arith.mulf %get3A_2093, %get3A_2078 : vector<16xf32>
    %add3A_2105 = arith.addf %mul3A_2103, %mul3A_2104 : vector<16xf32>
    %swap3A_2106 = arith.constant 27 : i32
    %swap3A_2107 = arith.index_cast %swap3A_2106 : i32 to index
    %swap3A_2108 = arith.constant 32 : index
    %swap3A_2109 = tpu.vector_load %arg15[%swap3A_2107, %swap3A_2108] {strides = array<i32>} : memref<32x64xf32, #tpu.memory_space<vmem>>, vector<1x16xf32>,
    %swap3A_2110 = vector.shape_cast %swap3A_2109 : vector<1x16xf32> to vector<16xf32>
    %swap3A_2111 = vector.shape_cast %add3A_2105 : vector<16xf32> to vector<1x16xf32>
    tpu.vector_store %arg15[%swap3A_2107, %swap3A_2108], %swap3A_2111 {strides = array<i32>} : memref<32x64xf32, #tpu.memory_space<vmem>>, vector<1x16xf32>,
    %get3A_2112 = arith.constant 27 : i32
    %get3A_2113 = arith.index_cast %get3A_2112 : i32 to index
    %get3A_2114 = arith.constant 16 : index
    %get3A_2115 = tpu.vector_load %arg11[%get3A_2113, %get3A_2114] {strides = array<i32>} : memref<32x32xf32, #tpu.memory_space<vmem>>, vector<1x16xf32>,
    %get3A_2116 = vector.shape_cast %get3A_2115 : vector<1x16xf32> to vector<16xf32>
    %get3A_2117 = arith.constant 27 : i32
    %get3A_2118 = arith.index_cast %get3A_2117 : i32 to index
    %get3A_2119 = arith.constant 16 : index
    %get3A_2120 = tpu.vector_load %arg12[%get3A_2118, %get3A_2119] {strides = array<i32>} : memref<32x32xf32, #tpu.memory_space<vmem>>, vector<1x16xf32>,
    %get3A_2121 = vector.shape_cast %get3A_2120 : vector<1x16xf32> to vector<16xf32>
    %get3A_2122 = arith.constant 27 : i32
    %get3A_2123 = arith.index_cast %get3A_2122 : i32 to index
    %get3A_2124 = arith.constant 16 : index
    %get3A_2125 = tpu.vector_load %arg13[%get3A_2123, %get3A_2124] {strides = array<i32>} : memref<32x32xf32, #tpu.memory_space<vmem>>, vector<1x16xf32>,
    %get3A_2126 = vector.shape_cast %get3A_2125 : vector<1x16xf32> to vector<16xf32>
    %get3A_2127 = arith.constant 27 : i32
    %get3A_2128 = arith.index_cast %get3A_2127 : i32 to index
    %get3A_2129 = arith.constant 16 : index
    %get3A_2130 = tpu.vector_load %arg14[%get3A_2128, %get3A_2129] {strides = array<i32>} : memref<32x32xf32, #tpu.memory_space<vmem>>, vector<1x16xf32>,
    %get3A_2131 = vector.shape_cast %get3A_2130 : vector<1x16xf32> to vector<16xf32>
    %mul3A_2132 = arith.mulf %get3A_2126, %get3A_2116 : vector<16xf32>
    %mul3A_2133 = arith.mulf %get3A_2131, %get3A_2121 : vector<16xf32>
    %sub3A_2134 = arith.subf %mul3A_2132, %mul3A_2133 : vector<16xf32>
    %swap3A_2135 = arith.constant 27 : i32
    %swap3A_2136 = arith.index_cast %swap3A_2135 : i32 to index
    %swap3A_2137 = arith.constant 16 : index
    %swap3A_2138 = tpu.vector_load %arg15[%swap3A_2136, %swap3A_2137] {strides = array<i32>} : memref<32x64xf32, #tpu.memory_space<vmem>>, vector<1x16xf32>,
    %swap3A_2139 = vector.shape_cast %swap3A_2138 : vector<1x16xf32> to vector<16xf32>
    %swap3A_2140 = vector.shape_cast %sub3A_2134 : vector<16xf32> to vector<1x16xf32>
    tpu.vector_store %arg15[%swap3A_2136, %swap3A_2137], %swap3A_2140 {strides = array<i32>} : memref<32x64xf32, #tpu.memory_space<vmem>>, vector<1x16xf32>,
    %mul3A_2141 = arith.mulf %get3A_2126, %get3A_2121 : vector<16xf32>
    %mul3A_2142 = arith.mulf %get3A_2131, %get3A_2116 : vector<16xf32>
    %add3A_2143 = arith.addf %mul3A_2141, %mul3A_2142 : vector<16xf32>
    %swap3A_2144 = arith.constant 27 : i32
    %swap3A_2145 = arith.index_cast %swap3A_2144 : i32 to index
    %swap3A_2146 = arith.constant 48 : index
    %swap3A_2147 = tpu.vector_load %arg15[%swap3A_2145, %swap3A_2146] {strides = array<i32>} : memref<32x64xf32, #tpu.memory_space<vmem>>, vector<1x16xf32>,
    %swap3A_2148 = vector.shape_cast %swap3A_2147 : vector<1x16xf32> to vector<16xf32>
    %swap3A_2149 = vector.shape_cast %add3A_2143 : vector<16xf32> to vector<1x16xf32>
    tpu.vector_store %arg15[%swap3A_2145, %swap3A_2146], %swap3A_2149 {strides = array<i32>} : memref<32x64xf32, #tpu.memory_space<vmem>>, vector<1x16xf32>,
    %get3A_2150 = arith.constant 28 : i32
    %get3A_2151 = arith.index_cast %get3A_2150 : i32 to index
    %get3A_2152 = arith.constant 0 : index
    %get3A_2153 = tpu.vector_load %arg11[%get3A_2151, %get3A_2152] {strides = array<i32>} : memref<32x32xf32, #tpu.memory_space<vmem>>, vector<1x16xf32>,
    %get3A_2154 = vector.shape_cast %get3A_2153 : vector<1x16xf32> to vector<16xf32>
    %get3A_2155 = arith.constant 28 : i32
    %get3A_2156 = arith.index_cast %get3A_2155 : i32 to index
    %get3A_2157 = arith.constant 0 : index
    %get3A_2158 = tpu.vector_load %arg12[%get3A_2156, %get3A_2157] {strides = array<i32>} : memref<32x32xf32, #tpu.memory_space<vmem>>, vector<1x16xf32>,
    %get3A_2159 = vector.shape_cast %get3A_2158 : vector<1x16xf32> to vector<16xf32>
    %get3A_2160 = arith.constant 28 : i32
    %get3A_2161 = arith.index_cast %get3A_2160 : i32 to index
    %get3A_2162 = arith.constant 0 : index
    %get3A_2163 = tpu.vector_load %arg13[%get3A_2161, %get3A_2162] {strides = array<i32>} : memref<32x32xf32, #tpu.memory_space<vmem>>, vector<1x16xf32>,
    %get3A_2164 = vector.shape_cast %get3A_2163 : vector<1x16xf32> to vector<16xf32>
    %get3A_2165 = arith.constant 28 : i32
    %get3A_2166 = arith.index_cast %get3A_2165 : i32 to index
    %get3A_2167 = arith.constant 0 : index
    %get3A_2168 = tpu.vector_load %arg14[%get3A_2166, %get3A_2167] {strides = array<i32>} : memref<32x32xf32, #tpu.memory_space<vmem>>, vector<1x16xf32>,
    %get3A_2169 = vector.shape_cast %get3A_2168 : vector<1x16xf32> to vector<16xf32>
    %mul3A_2170 = arith.mulf %get3A_2164, %get3A_2154 : vector<16xf32>
    %mul3A_2171 = arith.mulf %get3A_2169, %get3A_2159 : vector<16xf32>
    %sub3A_2172 = arith.subf %mul3A_2170, %mul3A_2171 : vector<16xf32>
    %swap3A_2173 = arith.constant 28 : i32
    %swap3A_2174 = arith.index_cast %swap3A_2173 : i32 to index
    %swap3A_2175 = arith.constant 0 : index
    %swap3A_2176 = tpu.vector_load %arg15[%swap3A_2174, %swap3A_2175] {strides = array<i32>} : memref<32x64xf32, #tpu.memory_space<vmem>>, vector<1x16xf32>,
    %swap3A_2177 = vector.shape_cast %swap3A_2176 : vector<1x16xf32> to vector<16xf32>
    %swap3A_2178 = vector.shape_cast %sub3A_2172 : vector<16xf32> to vector<1x16xf32>
    tpu.vector_store %arg15[%swap3A_2174, %swap3A_2175], %swap3A_2178 {strides = array<i32>} : memref<32x64xf32, #tpu.memory_space<vmem>>, vector<1x16xf32>,
    %mul3A_2179 = arith.mulf %get3A_2164, %get3A_2159 : vector<16xf32>
    %mul3A_2180 = arith.mulf %get3A_2169, %get3A_2154 : vector<16xf32>
    %add3A_2181 = arith.addf %mul3A_2179, %mul3A_2180 : vector<16xf32>
    %swap3A_2182 = arith.constant 28 : i32
    %swap3A_2183 = arith.index_cast %swap3A_2182 : i32 to index
    %swap3A_2184 = arith.constant 32 : index
    %swap3A_2185 = tpu.vector_load %arg15[%swap3A_2183, %swap3A_2184] {strides = array<i32>} : memref<32x64xf32, #tpu.memory_space<vmem>>, vector<1x16xf32>,
    %swap3A_2186 = vector.shape_cast %swap3A_2185 : vector<1x16xf32> to vector<16xf32>
    %swap3A_2187 = vector.shape_cast %add3A_2181 : vector<16xf32> to vector<1x16xf32>
    tpu.vector_store %arg15[%swap3A_2183, %swap3A_2184], %swap3A_2187 {strides = array<i32>} : memref<32x64xf32, #tpu.memory_space<vmem>>, vector<1x16xf32>,
    %get3A_2188 = arith.constant 28 : i32
    %get3A_2189 = arith.index_cast %get3A_2188 : i32 to index
    %get3A_2190 = arith.constant 16 : index
    %get3A_2191 = tpu.vector_load %arg11[%get3A_2189, %get3A_2190] {strides = array<i32>} : memref<32x32xf32, #tpu.memory_space<vmem>>, vector<1x16xf32>,
    %get3A_2192 = vector.shape_cast %get3A_2191 : vector<1x16xf32> to vector<16xf32>
    %get3A_2193 = arith.constant 28 : i32
    %get3A_2194 = arith.index_cast %get3A_2193 : i32 to index
    %get3A_2195 = arith.constant 16 : index
    %get3A_2196 = tpu.vector_load %arg12[%get3A_2194, %get3A_2195] {strides = array<i32>} : memref<32x32xf32, #tpu.memory_space<vmem>>, vector<1x16xf32>,
    %get3A_2197 = vector.shape_cast %get3A_2196 : vector<1x16xf32> to vector<16xf32>
    %get3A_2198 = arith.constant 28 : i32
    %get3A_2199 = arith.index_cast %get3A_2198 : i32 to index
    %get3A_2200 = arith.constant 16 : index
    %get3A_2201 = tpu.vector_load %arg13[%get3A_2199, %get3A_2200] {strides = array<i32>} : memref<32x32xf32, #tpu.memory_space<vmem>>, vector<1x16xf32>,
    %get3A_2202 = vector.shape_cast %get3A_2201 : vector<1x16xf32> to vector<16xf32>
    %get3A_2203 = arith.constant 28 : i32
    %get3A_2204 = arith.index_cast %get3A_2203 : i32 to index
    %get3A_2205 = arith.constant 16 : index
    %get3A_2206 = tpu.vector_load %arg14[%get3A_2204, %get3A_2205] {strides = array<i32>} : memref<32x32xf32, #tpu.memory_space<vmem>>, vector<1x16xf32>,
    %get3A_2207 = vector.shape_cast %get3A_2206 : vector<1x16xf32> to vector<16xf32>
    %mul3A_2208 = arith.mulf %get3A_2202, %get3A_2192 : vector<16xf32>
    %mul3A_2209 = arith.mulf %get3A_2207, %get3A_2197 : vector<16xf32>
    %sub3A_2210 = arith.subf %mul3A_2208, %mul3A_2209 : vector<16xf32>
    %swap3A_2211 = arith.constant 28 : i32
    %swap3A_2212 = arith.index_cast %swap3A_2211 : i32 to index
    %swap3A_2213 = arith.constant 16 : index
    %swap3A_2214 = tpu.vector_load %arg15[%swap3A_2212, %swap3A_2213] {strides = array<i32>} : memref<32x64xf32, #tpu.memory_space<vmem>>, vector<1x16xf32>,
    %swap3A_2215 = vector.shape_cast %swap3A_2214 : vector<1x16xf32> to vector<16xf32>
    %swap3A_2216 = vector.shape_cast %sub3A_2210 : vector<16xf32> to vector<1x16xf32>
    tpu.vector_store %arg15[%swap3A_2212, %swap3A_2213], %swap3A_2216 {strides = array<i32>} : memref<32x64xf32, #tpu.memory_space<vmem>>, vector<1x16xf32>,
    %mul3A_2217 = arith.mulf %get3A_2202, %get3A_2197 : vector<16xf32>
    %mul3A_2218 = arith.mulf %get3A_2207, %get3A_2192 : vector<16xf32>
    %add3A_2219 = arith.addf %mul3A_2217, %mul3A_2218 : vector<16xf32>
    %swap3A_2220 = arith.constant 28 : i32
    %swap3A_2221 = arith.index_cast %swap3A_2220 : i32 to index
    %swap3A_2222 = arith.constant 48 : index
    %swap3A_2223 = tpu.vector_load %arg15[%swap3A_2221, %swap3A_2222] {strides = array<i32>} : memref<32x64xf32, #tpu.memory_space<vmem>>, vector<1x16xf32>,
    %swap3A_2224 = vector.shape_cast %swap3A_2223 : vector<1x16xf32> to vector<16xf32>
    %swap3A_2225 = vector.shape_cast %add3A_2219 : vector<16xf32> to vector<1x16xf32>
    tpu.vector_store %arg15[%swap3A_2221, %swap3A_2222], %swap3A_2225 {strides = array<i32>} : memref<32x64xf32, #tpu.memory_space<vmem>>, vector<1x16xf32>,
    %get3A_2226 = arith.constant 29 : i32
    %get3A_2227 = arith.index_cast %get3A_2226 : i32 to index
    %get3A_2228 = arith.constant 0 : index
    %get3A_2229 = tpu.vector_load %arg11[%get3A_2227, %get3A_2228] {strides = array<i32>} : memref<32x32xf32, #tpu.memory_space<vmem>>, vector<1x16xf32>,
    %get3A_2230 = vector.shape_cast %get3A_2229 : vector<1x16xf32> to vector<16xf32>
    %get3A_2231 = arith.constant 29 : i32
    %get3A_2232 = arith.index_cast %get3A_2231 : i32 to index
    %get3A_2233 = arith.constant 0 : index
    %get3A_2234 = tpu.vector_load %arg12[%get3A_2232, %get3A_2233] {strides = array<i32>} : memref<32x32xf32, #tpu.memory_space<vmem>>, vector<1x16xf32>,
    %get3A_2235 = vector.shape_cast %get3A_2234 : vector<1x16xf32> to vector<16xf32>
    %get3A_2236 = arith.constant 29 : i32
    %get3A_2237 = arith.index_cast %get3A_2236 : i32 to index
    %get3A_2238 = arith.constant 0 : index
    %get3A_2239 = tpu.vector_load %arg13[%get3A_2237, %get3A_2238] {strides = array<i32>} : memref<32x32xf32, #tpu.memory_space<vmem>>, vector<1x16xf32>,
    %get3A_2240 = vector.shape_cast %get3A_2239 : vector<1x16xf32> to vector<16xf32>
    %get3A_2241 = arith.constant 29 : i32
    %get3A_2242 = arith.index_cast %get3A_2241 : i32 to index
    %get3A_2243 = arith.constant 0 : index
    %get3A_2244 = tpu.vector_load %arg14[%get3A_2242, %get3A_2243] {strides = array<i32>} : memref<32x32xf32, #tpu.memory_space<vmem>>, vector<1x16xf32>,
    %get3A_2245 = vector.shape_cast %get3A_2244 : vector<1x16xf32> to vector<16xf32>
    %mul3A_2246 = arith.mulf %get3A_2240, %get3A_2230 : vector<16xf32>
    %mul3A_2247 = arith.mulf %get3A_2245, %get3A_2235 : vector<16xf32>
    %sub3A_2248 = arith.subf %mul3A_2246, %mul3A_2247 : vector<16xf32>
    %swap3A_2249 = arith.constant 29 : i32
    %swap3A_2250 = arith.index_cast %swap3A_2249 : i32 to index
    %swap3A_2251 = arith.constant 0 : index
    %swap3A_2252 = tpu.vector_load %arg15[%swap3A_2250, %swap3A_2251] {strides = array<i32>} : memref<32x64xf32, #tpu.memory_space<vmem>>, vector<1x16xf32>,
    %swap3A_2253 = vector.shape_cast %swap3A_2252 : vector<1x16xf32> to vector<16xf32>
    %swap3A_2254 = vector.shape_cast %sub3A_2248 : vector<16xf32> to vector<1x16xf32>
    tpu.vector_store %arg15[%swap3A_2250, %swap3A_2251], %swap3A_2254 {strides = array<i32>} : memref<32x64xf32, #tpu.memory_space<vmem>>, vector<1x16xf32>,
    %mul3A_2255 = arith.mulf %get3A_2240, %get3A_2235 : vector<16xf32>
    %mul3A_2256 = arith.mulf %get3A_2245, %get3A_2230 : vector<16xf32>
    %add3A_2257 = arith.addf %mul3A_2255, %mul3A_2256 : vector<16xf32>
    %swap3A_2258 = arith.constant 29 : i32
    %swap3A_2259 = arith.index_cast %swap3A_2258 : i32 to index
    %swap3A_2260 = arith.constant 32 : index
    %swap3A_2261 = tpu.vector_load %arg15[%swap3A_2259, %swap3A_2260] {strides = array<i32>} : memref<32x64xf32, #tpu.memory_space<vmem>>, vector<1x16xf32>,
    %swap3A_2262 = vector.shape_cast %swap3A_2261 : vector<1x16xf32> to vector<16xf32>
    %swap3A_2263 = vector.shape_cast %add3A_2257 : vector<16xf32> to vector<1x16xf32>
    tpu.vector_store %arg15[%swap3A_2259, %swap3A_2260], %swap3A_2263 {strides = array<i32>} : memref<32x64xf32, #tpu.memory_space<vmem>>, vector<1x16xf32>,
    %get3A_2264 = arith.constant 29 : i32
    %get3A_2265 = arith.index_cast %get3A_2264 : i32 to index
    %get3A_2266 = arith.constant 16 : index
    %get3A_2267 = tpu.vector_load %arg11[%get3A_2265, %get3A_2266] {strides = array<i32>} : memref<32x32xf32, #tpu.memory_space<vmem>>, vector<1x16xf32>,
    %get3A_2268 = vector.shape_cast %get3A_2267 : vector<1x16xf32> to vector<16xf32>
    %get3A_2269 = arith.constant 29 : i32
    %get3A_2270 = arith.index_cast %get3A_2269 : i32 to index
    %get3A_2271 = arith.constant 16 : index
    %get3A_2272 = tpu.vector_load %arg12[%get3A_2270, %get3A_2271] {strides = array<i32>} : memref<32x32xf32, #tpu.memory_space<vmem>>, vector<1x16xf32>,
    %get3A_2273 = vector.shape_cast %get3A_2272 : vector<1x16xf32> to vector<16xf32>
    %get3A_2274 = arith.constant 29 : i32
    %get3A_2275 = arith.index_cast %get3A_2274 : i32 to index
    %get3A_2276 = arith.constant 16 : index
    %get3A_2277 = tpu.vector_load %arg13[%get3A_2275, %get3A_2276] {strides = array<i32>} : memref<32x32xf32, #tpu.memory_space<vmem>>, vector<1x16xf32>,
    %get3A_2278 = vector.shape_cast %get3A_2277 : vector<1x16xf32> to vector<16xf32>
    %get3A_2279 = arith.constant 29 : i32
    %get3A_2280 = arith.index_cast %get3A_2279 : i32 to index
    %get3A_2281 = arith.constant 16 : index
    %get3A_2282 = tpu.vector_load %arg14[%get3A_2280, %get3A_2281] {strides = array<i32>} : memref<32x32xf32, #tpu.memory_space<vmem>>, vector<1x16xf32>,
    %get3A_2283 = vector.shape_cast %get3A_2282 : vector<1x16xf32> to vector<16xf32>
    %mul3A_2284 = arith.mulf %get3A_2278, %get3A_2268 : vector<16xf32>
    %mul3A_2285 = arith.mulf %get3A_2283, %get3A_2273 : vector<16xf32>
    %sub3A_2286 = arith.subf %mul3A_2284, %mul3A_2285 : vector<16xf32>
    %swap3A_2287 = arith.constant 29 : i32
    %swap3A_2288 = arith.index_cast %swap3A_2287 : i32 to index
    %swap3A_2289 = arith.constant 16 : index
    %swap3A_2290 = tpu.vector_load %arg15[%swap3A_2288, %swap3A_2289] {strides = array<i32>} : memref<32x64xf32, #tpu.memory_space<vmem>>, vector<1x16xf32>,
    %swap3A_2291 = vector.shape_cast %swap3A_2290 : vector<1x16xf32> to vector<16xf32>
    %swap3A_2292 = vector.shape_cast %sub3A_2286 : vector<16xf32> to vector<1x16xf32>
    tpu.vector_store %arg15[%swap3A_2288, %swap3A_2289], %swap3A_2292 {strides = array<i32>} : memref<32x64xf32, #tpu.memory_space<vmem>>, vector<1x16xf32>,
    %mul3A_2293 = arith.mulf %get3A_2278, %get3A_2273 : vector<16xf32>
    %mul3A_2294 = arith.mulf %get3A_2283, %get3A_2268 : vector<16xf32>
    %add3A_2295 = arith.addf %mul3A_2293, %mul3A_2294 : vector<16xf32>
    %swap3A_2296 = arith.constant 29 : i32
    %swap3A_2297 = arith.index_cast %swap3A_2296 : i32 to index
    %swap3A_2298 = arith.constant 48 : index
    %swap3A_2299 = tpu.vector_load %arg15[%swap3A_2297, %swap3A_2298] {strides = array<i32>} : memref<32x64xf32, #tpu.memory_space<vmem>>, vector<1x16xf32>,
    %swap3A_2300 = vector.shape_cast %swap3A_2299 : vector<1x16xf32> to vector<16xf32>
    %swap3A_2301 = vector.shape_cast %add3A_2295 : vector<16xf32> to vector<1x16xf32>
    tpu.vector_store %arg15[%swap3A_2297, %swap3A_2298], %swap3A_2301 {strides = array<i32>} : memref<32x64xf32, #tpu.memory_space<vmem>>, vector<1x16xf32>,
    %get3A_2302 = arith.constant 30 : i32
    %get3A_2303 = arith.index_cast %get3A_2302 : i32 to index
    %get3A_2304 = arith.constant 0 : index
    %get3A_2305 = tpu.vector_load %arg11[%get3A_2303, %get3A_2304] {strides = array<i32>} : memref<32x32xf32, #tpu.memory_space<vmem>>, vector<1x16xf32>,
    %get3A_2306 = vector.shape_cast %get3A_2305 : vector<1x16xf32> to vector<16xf32>
    %get3A_2307 = arith.constant 30 : i32
    %get3A_2308 = arith.index_cast %get3A_2307 : i32 to index
    %get3A_2309 = arith.constant 0 : index
    %get3A_2310 = tpu.vector_load %arg12[%get3A_2308, %get3A_2309] {strides = array<i32>} : memref<32x32xf32, #tpu.memory_space<vmem>>, vector<1x16xf32>,
    %get3A_2311 = vector.shape_cast %get3A_2310 : vector<1x16xf32> to vector<16xf32>
    %get3A_2312 = arith.constant 30 : i32
    %get3A_2313 = arith.index_cast %get3A_2312 : i32 to index
    %get3A_2314 = arith.constant 0 : index
    %get3A_2315 = tpu.vector_load %arg13[%get3A_2313, %get3A_2314] {strides = array<i32>} : memref<32x32xf32, #tpu.memory_space<vmem>>, vector<1x16xf32>,
    %get3A_2316 = vector.shape_cast %get3A_2315 : vector<1x16xf32> to vector<16xf32>
    %get3A_2317 = arith.constant 30 : i32
    %get3A_2318 = arith.index_cast %get3A_2317 : i32 to index
    %get3A_2319 = arith.constant 0 : index
    %get3A_2320 = tpu.vector_load %arg14[%get3A_2318, %get3A_2319] {strides = array<i32>} : memref<32x32xf32, #tpu.memory_space<vmem>>, vector<1x16xf32>,
    %get3A_2321 = vector.shape_cast %get3A_2320 : vector<1x16xf32> to vector<16xf32>
    %mul3A_2322 = arith.mulf %get3A_2316, %get3A_2306 : vector<16xf32>
    %mul3A_2323 = arith.mulf %get3A_2321, %get3A_2311 : vector<16xf32>
    %sub3A_2324 = arith.subf %mul3A_2322, %mul3A_2323 : vector<16xf32>
    %swap3A_2325 = arith.constant 30 : i32
    %swap3A_2326 = arith.index_cast %swap3A_2325 : i32 to index
    %swap3A_2327 = arith.constant 0 : index
    %swap3A_2328 = tpu.vector_load %arg15[%swap3A_2326, %swap3A_2327] {strides = array<i32>} : memref<32x64xf32, #tpu.memory_space<vmem>>, vector<1x16xf32>,
    %swap3A_2329 = vector.shape_cast %swap3A_2328 : vector<1x16xf32> to vector<16xf32>
    %swap3A_2330 = vector.shape_cast %sub3A_2324 : vector<16xf32> to vector<1x16xf32>
    tpu.vector_store %arg15[%swap3A_2326, %swap3A_2327], %swap3A_2330 {strides = array<i32>} : memref<32x64xf32, #tpu.memory_space<vmem>>, vector<1x16xf32>,
    %mul3A_2331 = arith.mulf %get3A_2316, %get3A_2311 : vector<16xf32>
    %mul3A_2332 = arith.mulf %get3A_2321, %get3A_2306 : vector<16xf32>
    %add3A_2333 = arith.addf %mul3A_2331, %mul3A_2332 : vector<16xf32>
    %swap3A_2334 = arith.constant 30 : i32
    %swap3A_2335 = arith.index_cast %swap3A_2334 : i32 to index
    %swap3A_2336 = arith.constant 32 : index
    %swap3A_2337 = tpu.vector_load %arg15[%swap3A_2335, %swap3A_2336] {strides = array<i32>} : memref<32x64xf32, #tpu.memory_space<vmem>>, vector<1x16xf32>,
    %swap3A_2338 = vector.shape_cast %swap3A_2337 : vector<1x16xf32> to vector<16xf32>
    %swap3A_2339 = vector.shape_cast %add3A_2333 : vector<16xf32> to vector<1x16xf32>
    tpu.vector_store %arg15[%swap3A_2335, %swap3A_2336], %swap3A_2339 {strides = array<i32>} : memref<32x64xf32, #tpu.memory_space<vmem>>, vector<1x16xf32>,
    %get3A_2340 = arith.constant 30 : i32
    %get3A_2341 = arith.index_cast %get3A_2340 : i32 to index
    %get3A_2342 = arith.constant 16 : index
    %get3A_2343 = tpu.vector_load %arg11[%get3A_2341, %get3A_2342] {strides = array<i32>} : memref<32x32xf32, #tpu.memory_space<vmem>>, vector<1x16xf32>,
    %get3A_2344 = vector.shape_cast %get3A_2343 : vector<1x16xf32> to vector<16xf32>
    %get3A_2345 = arith.constant 30 : i32
    %get3A_2346 = arith.index_cast %get3A_2345 : i32 to index
    %get3A_2347 = arith.constant 16 : index
    %get3A_2348 = tpu.vector_load %arg12[%get3A_2346, %get3A_2347] {strides = array<i32>} : memref<32x32xf32, #tpu.memory_space<vmem>>, vector<1x16xf32>,
    %get3A_2349 = vector.shape_cast %get3A_2348 : vector<1x16xf32> to vector<16xf32>
    %get3A_2350 = arith.constant 30 : i32
    %get3A_2351 = arith.index_cast %get3A_2350 : i32 to index
    %get3A_2352 = arith.constant 16 : index
    %get3A_2353 = tpu.vector_load %arg13[%get3A_2351, %get3A_2352] {strides = array<i32>} : memref<32x32xf32, #tpu.memory_space<vmem>>, vector<1x16xf32>,
    %get3A_2354 = vector.shape_cast %get3A_2353 : vector<1x16xf32> to vector<16xf32>
    %get3A_2355 = arith.constant 30 : i32
    %get3A_2356 = arith.index_cast %get3A_2355 : i32 to index
    %get3A_2357 = arith.constant 16 : index
    %get3A_2358 = tpu.vector_load %arg14[%get3A_2356, %get3A_2357] {strides = array<i32>} : memref<32x32xf32, #tpu.memory_space<vmem>>, vector<1x16xf32>,
    %get3A_2359 = vector.shape_cast %get3A_2358 : vector<1x16xf32> to vector<16xf32>
    %mul3A_2360 = arith.mulf %get3A_2354, %get3A_2344 : vector<16xf32>
    %mul3A_2361 = arith.mulf %get3A_2359, %get3A_2349 : vector<16xf32>
    %sub3A_2362 = arith.subf %mul3A_2360, %mul3A_2361 : vector<16xf32>
    %swap3A_2363 = arith.constant 30 : i32
    %swap3A_2364 = arith.index_cast %swap3A_2363 : i32 to index
    %swap3A_2365 = arith.constant 16 : index
    %swap3A_2366 = tpu.vector_load %arg15[%swap3A_2364, %swap3A_2365] {strides = array<i32>} : memref<32x64xf32, #tpu.memory_space<vmem>>, vector<1x16xf32>,
    %swap3A_2367 = vector.shape_cast %swap3A_2366 : vector<1x16xf32> to vector<16xf32>
    %swap3A_2368 = vector.shape_cast %sub3A_2362 : vector<16xf32> to vector<1x16xf32>
    tpu.vector_store %arg15[%swap3A_2364, %swap3A_2365], %swap3A_2368 {strides = array<i32>} : memref<32x64xf32, #tpu.memory_space<vmem>>, vector<1x16xf32>,
    %mul3A_2369 = arith.mulf %get3A_2354, %get3A_2349 : vector<16xf32>
    %mul3A_2370 = arith.mulf %get3A_2359, %get3A_2344 : vector<16xf32>
    %add3A_2371 = arith.addf %mul3A_2369, %mul3A_2370 : vector<16xf32>
    %swap3A_2372 = arith.constant 30 : i32
    %swap3A_2373 = arith.index_cast %swap3A_2372 : i32 to index
    %swap3A_2374 = arith.constant 48 : index
    %swap3A_2375 = tpu.vector_load %arg15[%swap3A_2373, %swap3A_2374] {strides = array<i32>} : memref<32x64xf32, #tpu.memory_space<vmem>>, vector<1x16xf32>,
    %swap3A_2376 = vector.shape_cast %swap3A_2375 : vector<1x16xf32> to vector<16xf32>
    %swap3A_2377 = vector.shape_cast %add3A_2371 : vector<16xf32> to vector<1x16xf32>
    tpu.vector_store %arg15[%swap3A_2373, %swap3A_2374], %swap3A_2377 {strides = array<i32>} : memref<32x64xf32, #tpu.memory_space<vmem>>, vector<1x16xf32>,
    %get3A_2378 = arith.constant 31 : i32
    %get3A_2379 = arith.index_cast %get3A_2378 : i32 to index
    %get3A_2380 = arith.constant 0 : index
    %get3A_2381 = tpu.vector_load %arg11[%get3A_2379, %get3A_2380] {strides = array<i32>} : memref<32x32xf32, #tpu.memory_space<vmem>>, vector<1x16xf32>,
    %get3A_2382 = vector.shape_cast %get3A_2381 : vector<1x16xf32> to vector<16xf32>
    %get3A_2383 = arith.constant 31 : i32
    %get3A_2384 = arith.index_cast %get3A_2383 : i32 to index
    %get3A_2385 = arith.constant 0 : index
    %get3A_2386 = tpu.vector_load %arg12[%get3A_2384, %get3A_2385] {strides = array<i32>} : memref<32x32xf32, #tpu.memory_space<vmem>>, vector<1x16xf32>,
    %get3A_2387 = vector.shape_cast %get3A_2386 : vector<1x16xf32> to vector<16xf32>
    %get3A_2388 = arith.constant 31 : i32
    %get3A_2389 = arith.index_cast %get3A_2388 : i32 to index
    %get3A_2390 = arith.constant 0 : index
    %get3A_2391 = tpu.vector_load %arg13[%get3A_2389, %get3A_2390] {strides = array<i32>} : memref<32x32xf32, #tpu.memory_space<vmem>>, vector<1x16xf32>,
    %get3A_2392 = vector.shape_cast %get3A_2391 : vector<1x16xf32> to vector<16xf32>
    %get3A_2393 = arith.constant 31 : i32
    %get3A_2394 = arith.index_cast %get3A_2393 : i32 to index
    %get3A_2395 = arith.constant 0 : index
    %get3A_2396 = tpu.vector_load %arg14[%get3A_2394, %get3A_2395] {strides = array<i32>} : memref<32x32xf32, #tpu.memory_space<vmem>>, vector<1x16xf32>,
    %get3A_2397 = vector.shape_cast %get3A_2396 : vector<1x16xf32> to vector<16xf32>
    %mul3A_2398 = arith.mulf %get3A_2392, %get3A_2382 : vector<16xf32>
    %mul3A_2399 = arith.mulf %get3A_2397, %get3A_2387 : vector<16xf32>
    %sub3A_2400 = arith.subf %mul3A_2398, %mul3A_2399 : vector<16xf32>
    %swap3A_2401 = arith.constant 31 : i32
    %swap3A_2402 = arith.index_cast %swap3A_2401 : i32 to index
    %swap3A_2403 = arith.constant 0 : index
    %swap3A_2404 = tpu.vector_load %arg15[%swap3A_2402, %swap3A_2403] {strides = array<i32>} : memref<32x64xf32, #tpu.memory_space<vmem>>, vector<1x16xf32>,
    %swap3A_2405 = vector.shape_cast %swap3A_2404 : vector<1x16xf32> to vector<16xf32>
    %swap3A_2406 = vector.shape_cast %sub3A_2400 : vector<16xf32> to vector<1x16xf32>
    tpu.vector_store %arg15[%swap3A_2402, %swap3A_2403], %swap3A_2406 {strides = array<i32>} : memref<32x64xf32, #tpu.memory_space<vmem>>, vector<1x16xf32>,
    %mul3A_2407 = arith.mulf %get3A_2392, %get3A_2387 : vector<16xf32>
    %mul3A_2408 = arith.mulf %get3A_2397, %get3A_2382 : vector<16xf32>
    %add3A_2409 = arith.addf %mul3A_2407, %mul3A_2408 : vector<16xf32>
    %swap3A_2410 = arith.constant 31 : i32
    %swap3A_2411 = arith.index_cast %swap3A_2410 : i32 to index
    %swap3A_2412 = arith.constant 32 : index
    %swap3A_2413 = tpu.vector_load %arg15[%swap3A_2411, %swap3A_2412] {strides = array<i32>} : memref<32x64xf32, #tpu.memory_space<vmem>>, vector<1x16xf32>,
    %swap3A_2414 = vector.shape_cast %swap3A_2413 : vector<1x16xf32> to vector<16xf32>
    %swap3A_2415 = vector.shape_cast %add3A_2409 : vector<16xf32> to vector<1x16xf32>
    tpu.vector_store %arg15[%swap3A_2411, %swap3A_2412], %swap3A_2415 {strides = array<i32>} : memref<32x64xf32, #tpu.memory_space<vmem>>, vector<1x16xf32>,
    %get3A_2416 = arith.constant 31 : i32
    %get3A_2417 = arith.index_cast %get3A_2416 : i32 to index
    %get3A_2418 = arith.constant 16 : index
    %get3A_2419 = tpu.vector_load %arg11[%get3A_2417, %get3A_2418] {strides = array<i32>} : memref<32x32xf32, #tpu.memory_space<vmem>>, vector<1x16xf32>,
    %get3A_2420 = vector.shape_cast %get3A_2419 : vector<1x16xf32> to vector<16xf32>
    %get3A_2421 = arith.constant 31 : i32
    %get3A_2422 = arith.index_cast %get3A_2421 : i32 to index
    %get3A_2423 = arith.constant 16 : index
    %get3A_2424 = tpu.vector_load %arg12[%get3A_2422, %get3A_2423] {strides = array<i32>} : memref<32x32xf32, #tpu.memory_space<vmem>>, vector<1x16xf32>,
    %get3A_2425 = vector.shape_cast %get3A_2424 : vector<1x16xf32> to vector<16xf32>
    %get3A_2426 = arith.constant 31 : i32
    %get3A_2427 = arith.index_cast %get3A_2426 : i32 to index
    %get3A_2428 = arith.constant 16 : index
    %get3A_2429 = tpu.vector_load %arg13[%get3A_2427, %get3A_2428] {strides = array<i32>} : memref<32x32xf32, #tpu.memory_space<vmem>>, vector<1x16xf32>,
    %get3A_2430 = vector.shape_cast %get3A_2429 : vector<1x16xf32> to vector<16xf32>
    %get3A_2431 = arith.constant 31 : i32
    %get3A_2432 = arith.index_cast %get3A_2431 : i32 to index
    %get3A_2433 = arith.constant 16 : index
    %get3A_2434 = tpu.vector_load %arg14[%get3A_2432, %get3A_2433] {strides = array<i32>} : memref<32x32xf32, #tpu.memory_space<vmem>>, vector<1x16xf32>,
    %get3A_2435 = vector.shape_cast %get3A_2434 : vector<1x16xf32> to vector<16xf32>
    %mul3A_2436 = arith.mulf %get3A_2430, %get3A_2420 : vector<16xf32>
    %mul3A_2437 = arith.mulf %get3A_2435, %get3A_2425 : vector<16xf32>
    %sub3A_2438 = arith.subf %mul3A_2436, %mul3A_2437 : vector<16xf32>
    %swap3A_2439 = arith.constant 31 : i32
    %swap3A_2440 = arith.index_cast %swap3A_2439 : i32 to index
    %swap3A_2441 = arith.constant 16 : index
    %swap3A_2442 = tpu.vector_load %arg15[%swap3A_2440, %swap3A_2441] {strides = array<i32>} : memref<32x64xf32, #tpu.memory_space<vmem>>, vector<1x16xf32>,
    %swap3A_2443 = vector.shape_cast %swap3A_2442 : vector<1x16xf32> to vector<16xf32>
    %swap3A_2444 = vector.shape_cast %sub3A_2438 : vector<16xf32> to vector<1x16xf32>
    tpu.vector_store %arg15[%swap3A_2440, %swap3A_2441], %swap3A_2444 {strides = array<i32>} : memref<32x64xf32, #tpu.memory_space<vmem>>, vector<1x16xf32>,
    %mul3A_2445 = arith.mulf %get3A_2430, %get3A_2425 : vector<16xf32>
    %mul3A_2446 = arith.mulf %get3A_2435, %get3A_2420 : vector<16xf32>
    %add3A_2447 = arith.addf %mul3A_2445, %mul3A_2446 : vector<16xf32>
    %swap3A_2448 = arith.constant 31 : i32
    %swap3A_2449 = arith.index_cast %swap3A_2448 : i32 to index
    %swap3A_2450 = arith.constant 48 : index
    %swap3A_2451 = tpu.vector_load %arg15[%swap3A_2449, %swap3A_2450] {strides = array<i32>} : memref<32x64xf32, #tpu.memory_space<vmem>>, vector<1x16xf32>,
    %swap3A_2452 = vector.shape_cast %swap3A_2451 : vector<1x16xf32> to vector<16xf32>
    %swap3A_2453 = vector.shape_cast %add3A_2447 : vector<16xf32> to vector<1x16xf32>
    tpu.vector_store %arg15[%swap3A_2449, %swap3A_2450], %swap3A_2453 {strides = array<i32>} : memref<32x64xf32, #tpu.memory_space<vmem>>, vector<1x16xf32>,
    "tpu.region"() ({
      %run_scoped3A = tpu.sem_alloc : memref<!tpu.dma_semaphore, #tpu.memory_space<semaphore_mem>>
      %dma_start3A_2454 = arith.constant 0 : i32
      %dma_start3A_2455 = tpu.memref_slice %arg8[%mul3A_2, %dma_start3A_2454] : memref<1024x64xf32, #tpu.memory_space<hbm>> -> memref<32x64xf32, #tpu.memory_space<hbm>>
      %dma_start3A_2456 = arith.constant 0 : i32
      %dma_start3A_2457 = tpu.memref_slice %arg8[%mul3A_2, %dma_start3A_2456] : memref<1024x64xf32, #tpu.memory_space<hbm>> -> memref<32x64xf32, #tpu.memory_space<hbm>>
      tpu.enqueue_dma source(%arg15 : memref<32x64xf32, #tpu.memory_space<vmem>>) target(%dma_start3A_2457 : memref<32x64xf32, #tpu.memory_space<hbm>>) target_semaphore(%run_scoped3A : memref<!tpu.dma_semaphore, #tpu.memory_space<semaphore_mem>>)
      %dma_wait3A_2458 = arith.constant 0 : i32
      %dma_wait3A_2459 = tpu.memref_slice %arg8[%mul3A_2, %dma_wait3A_2458] : memref<1024x64xf32, #tpu.memory_space<hbm>> -> memref<32x64xf32, #tpu.memory_space<hbm>>
      %dma_wait3A_2460 = arith.constant 0 : i32
      %dma_wait3A_2461 = tpu.memref_slice %arg8[%mul3A_2, %dma_wait3A_2460] : memref<1024x64xf32, #tpu.memory_space<hbm>> -> memref<32x64xf32, #tpu.memory_space<hbm>>
      tpu.wait_dma2 semaphore(%run_scoped3A : memref<!tpu.dma_semaphore, #tpu.memory_space<semaphore_mem>>) src(%arg15 : memref<32x64xf32, #tpu.memory_space<vmem>>) dst(%dma_wait3A_2461 : memref<32x64xf32, #tpu.memory_space<hbm>>)
      tpu.yield
    }) : () -> ()
    return
  }
}

module attributes {stable_mosaic.version = 14 : i64} {
  func.func @_score_tc_kernel(%arg0: i32, %arg1: memref<32x64xf32, #tpu.memory_space<vmem>>, %arg2: memref<64x100000xbf16, #tpu.memory_space<vmem>>, %arg3: memref<32x100000xf32, #tpu.memory_space<vmem>>) attributes {dimension_semantics = [#tpu.dimension_semantics<arbitrary>], iteration_bounds = array<i64: 32>, scalar_prefetch = 0 : i64, scratch_operands = 0 : i64, tpu.core_type = #tpu.core_type<tc>, window_params = [{transform_indices = @transform_0, window_bounds = array<i64: 32, 64>}, {pipeline_mode = #tpu.pipeline_mode<synchronous>, transform_indices = @transform_1, window_bounds = array<i64: 64, 100000>}, {transform_indices = @transform_2, window_bounds = array<i64: 32, 100000>}]} {
    %get3A = arith.constant 0 : index
    %get3A_0 = arith.constant 0 : index
    %get3A_1 = vector.load %arg1[%get3A, %get3A_0] : memref<32x64xf32, #tpu.memory_space<vmem>>, vector<32x64xf32>
    %convert_element_type3A = arith.truncf %get3A_1 : vector<32x64xf32> to vector<32x64xbf16>
    %get3A_2 = arith.constant 0 : index
    %get3A_3 = arith.constant 0 : index
    %get3A_4 = vector.load %arg2[%get3A_2, %get3A_3] : memref<64x100000xbf16, #tpu.memory_space<vmem>>, vector<64x100000xbf16>
    %dot_general3A = arith.constant dense<0.000000e+00> : vector<32x100000xf32>
    %dot_general3A_5 = tpu.matmul %convert_element_type3A, %get3A_4, %dot_general3A {dimension_numbers = #tpu.dot_dimension_numbers<[1], [0], [0], [1], [0, 0, 1, 1], [], []>, transpose_lhs_hint = false} : vector<32x64xbf16>, vector<64x100000xbf16>, vector<32x100000xf32> -> vector<32x100000xf32>
    %swap3A = arith.constant 0 : index
    %swap3A_6 = arith.constant 0 : index
    %swap3A_7 = vector.load %arg3[%swap3A, %swap3A_6] : memref<32x100000xf32, #tpu.memory_space<vmem>>, vector<32x100000xf32>
    tpu.vector_store %arg3[%swap3A, %swap3A_6], %dot_general3A_5 {strides = array<i32>} : memref<32x100000xf32, #tpu.memory_space<vmem>>, vector<32x100000xf32>,
    return
  }
  func.func @transform_0(%arg0: i32) -> (i32, i32) {
    %c0_i32 = arith.constant 0 : i32
    %c0_i32_0 = arith.constant 0 : i32
    return %arg0, %c0_i32 : i32, i32
  }
  func.func @transform_1(%arg0: i32) -> (i32, i32) {
    %c0_i32 = arith.constant 0 : i32
    %c0_i32_0 = arith.constant 0 : i32
    %c0_i32_1 = arith.constant 0 : i32
    return %c0_i32, %c0_i32_0 : i32, i32
  }
  func.func @transform_2(%arg0: i32) -> (i32, i32) {
    %c0_i32 = arith.constant 0 : i32
    %c0_i32_0 = arith.constant 0 : i32
    return %arg0, %c0_i32 : i32, i32
  }
}

</mosaic_0001>

<sc_bundles>
// kernel: kernel.4.cloned.1.call-start
scs
__scs_entry_jumppad:
0x0: {  	(pc) =	sbr.rel $0x88, $3  }
0x1: {  	(tag) =	ssettag $0x0;
	lr =	simm.s32 $0x1  }
0x2: {  	[smem:$0x3F9B] =	sst lr;
	_ =	strace $0xD0000000  }
0x3: {  	_ = 	snop  }
0x4: {  	_ = 	snop  }
0x5: {  	_ = 	snop  }
0x6: {  	_ = 	snop  }
0x7: {  	_ = 	snop  }
__scs_overlays_trampoline_lowered:
0x8: {  	[smem:$0x3FAA] =	sst s0  }
0x9: {  	[smem:$0x3FAB] =	sst s1  }
0xa: {  	[smem:$0x3FAC] =	sst s2  }
0xb: {  	[smem:$0x3FAD] =	sst s3  }
0xc: {  	[smem:$0x3FAE] =	sst s4  }
0xd: {  	[smem:$0x3FAF] =	sst s5  }
0xe: {  	[smem:$0x3FB0] =	sst s6  }
0xf: {  	[smem:$0x3FB1] =	sst s7  }
0x10: {  	[smem:$0x3FB2] =	sst s8  }
0x11: {  	[smem:$0x3FB3] =	sst s9;
	s0 =	simm.s32 @!p0 $0x0  }
0x12: {  	s1 =	sld [smem:$0x3F99];
	s0 =	simm.s32 @p0 $0x1  }
0x13: {  	[smem:$0x3FB4] =	sst s0;
	s0 =	simm.s32 @!p1 $0x0  }
0x14: {  	s2 =	sld [smem:$0x3F98];
	s0 =	simm.s32 @p1 $0x1  }
0x15: {  	[smem:$0x3FB5] =	sst s0;
	s0 =	simm.s32 @!p2 $0x0  }
0x16: {  	s3 =	sld [smem:$0x3FDB];
	s0 =	simm.s32 @p2 $0x1  }
0x17: {  	s4 =	simm.s32 $0x1BF5;
	[smem:$0x3FB7] =	sst s0  }
0x18: {  	s0 =	sld [smem:$0x3F9A];
	_ =	swait.ge [sflag:s4], $0x0  }
0x19: {  	s7 =	sld [smem:$0x3F9B]  }
0x1a: {  	s8 =	sadd.s32 $0xFFFFE003, lr  }
0x1b: {  	s9 =	sadd.s32 $0xFFFFFEF7, lr;
	s5 =	simm.s32 $0xFFFFFFFF;
	p2 =	slt.u32 s8, $0xFFFFF086  }
0x1c: {  	p1 =	slt.u32 s9, $0xF7A;
	s5 =	simm.s32 @!p2 $0x0  }
0x1d: {  	s5 =	simm.s32 @p1 $0x1;
	p0 =	seq.s32 s7, s2  }
0x1e: {  	s7 =	smul.u32 @!p0 $0xF7A, s2;
	p2 =	seq.s32 @!p0 s5, $0x0  }
0x1f: {  	s9 =	smul.u32 $0xF7A, s1;
	s8 =	simm.s32 @!p0 $0x1BF5;
	p2 =	por !p2, p0  }
0x20: {  	[sflag:s8] =	ssyncset.s32 @!p0 $0xFFFFF086;
	s6 =	sadd.s32 @!p0 s3, s7;
	s7 =	simm.s32 @!p0 $0x108  }
0x21: {  	s3 =	sadd.s32 s3, s9;
	s6 =	sadd.s32 @!p0 $0x88, s6;
	s7 =	simm.s32 @p2 $0x1082  }
0x22: {  	[simem:s7], [sflag:s8] =	dma.local @!p0 [hbm:s6], $0xF7A  }
0x23: {  	s9 =	sor.u32 $0xD0000000, s2;
	s6 =	simm.s32 $0x108;
	_ =	swait.ge @!p0 [sflag:s8], $0x0  }
0x24: {  	s3 =	sadd.s32 $0x88, s3;
	s6 =	simm.s32 @!p1 $0x1082;
	[sflag:s4] =	ssyncset.s32 $0xFFFFF086  }
0x25: {  	[simem:s6], [sflag:s4] =	dma.local [hbm:s3], $0xF7A  }
0x26: {  	[smem:$0x3F9B] =	sst s1;
	(tag) =	ssettag s2;
	_ =	strace s9  }
0x27: {  	s1 =	sld [smem:$0x3FAB]  }
0x28: {  	s2 =	sld [smem:$0x3FAC]  }
0x29: {  	s4 =	sld [smem:$0x3FAE]  }
0x2a: {  	p0 =	seq.s32 s5, $0x0;
	s5 =	sld [smem:$0x3FAF]  }
0x2b: {  	s6 =	sld [smem:$0x3FB0]  }
0x2c: {  	s7 =	sld [smem:$0x3FB1]  }
0x2d: {  	s3 =	simm.s32 $0x108;
	s8 =	sld [smem:$0x3FB2]  }
0x2e: {  	s3 =	simm.s32 @!p0 $0x1082;
	s9 =	sld [smem:$0x3FB3]  }
0x2f: {  	lr =	sadd.s32 s0, s3;
	s0 =	sld [smem:$0x3FAA]  }
0x30: {  	s3 =	sld [smem:$0x3FAD]  }
0x31: {  	[smem:$0x3FB6] =	sst s10  }
0x32: {  	s10 =	sld [smem:$0x3FB4];
	_ =	sdelay $0x3  }
0x33: {  	p0 =	seq.s32 s10, $0x1;
	s10 =	sld [smem:$0x3FB6];
	_ =	sdelay $0x3  }
0x34: {  	[smem:$0x3FB6] =	sst s10  }
0x35: {  	s10 =	sld [smem:$0x3FB5];
	_ =	sdelay $0x3  }
0x36: {  	p1 =	seq.s32 s10, $0x1;
	s10 =	sld [smem:$0x3FB6];
	_ =	sdelay $0x3  }
0x37: {  	[smem:$0x3FB6] =	sst s10  }
0x38: {  	s10 =	sld [smem:$0x3FB7]  }
0x39: {  	_ = 	snop;
	(pc) =	sbr.ind lr, $3  }
0x3a: {  	_ = 	snop  }
0x3b: {  	_ = 	snop  }
0x3c: {  	p2 =	seq.s32 s10, $0x1;
	s10 =	sld [smem:$0x3FB6]  }
0x3d: {  	_ =	shalt  }
0x3e: {  	_ =	shalt  }
0x3f: {  	_ =	shalt  }
0x40: {  	_ =	shalt  }
0x41: {  	_ =	shalt  }
0x42: {  	_ =	shalt  }
0x43: {  	_ =	shalt  }
0x44: {  	_ =	shalt  }
0x45: {  	_ =	shalt  }
0x46: {  	_ =	shalt  }
0x47: {  	_ =	shalt  }
0x48: {  	_ =	shalt  }
0x49: {  	_ =	shalt  }
0x4a: {  	_ =	shalt  }
0x4b: {  	_ =	shalt  }
0x4c: {  	_ =	shalt  }
0x4d: {  	_ =	shalt  }
0x4e: {  	_ =	shalt  }
0x4f: {  	_ =	shalt  }
0x50: {  	_ =	shalt  }
0x51: {  	_ =	shalt  }
0x52: {  	_ =	shalt  }
0x53: {  	_ =	shalt  }
0x54: {  	_ =	shalt  }
0x55: {  	_ =	shalt  }
0x56: {  	_ =	shalt  }
0x57: {  	_ =	shalt  }
0x58: {  	_ =	shalt  }
0x59: {  	_ =	shalt  }
0x5a: {  	_ =	shalt  }
0x5b: {  	_ =	shalt  }
0x5c: {  	_ =	shalt  }
0x5d: {  	_ =	shalt  }
0x5e: {  	_ =	shalt  }
0x5f: {  	_ =	shalt  }
0x60: {  	_ =	shalt  }
0x61: {  	_ =	shalt  }
0x62: {  	_ =	shalt  }
0x63: {  	_ =	shalt  }
0x64: {  	_ =	shalt  }
0x65: {  	_ =	shalt  }
0x66: {  	_ =	shalt  }
0x67: {  	_ =	shalt  }
0x68: {  	_ =	shalt  }
0x69: {  	_ =	shalt  }
0x6a: {  	_ =	shalt  }
0x6b: {  	_ =	shalt  }
0x6c: {  	_ =	shalt  }
0x6d: {  	_ =	shalt  }
0x6e: {  	_ =	shalt  }
0x6f: {  	_ =	shalt  }
0x70: {  	_ =	shalt  }
0x71: {  	_ =	shalt  }
0x72: {  	_ =	shalt  }
0x73: {  	_ =	shalt  }
0x74: {  	_ =	shalt  }
0x75: {  	_ =	shalt  }
0x76: {  	_ =	shalt  }
0x77: {  	_ =	shalt  }
0x78: {  	_ =	shalt  }
0x79: {  	_ =	shalt  }
0x7a: {  	_ =	shalt  }
0x7b: {  	_ =	shalt  }
0x7c: {  	_ =	shalt  }
0x7d: {  	_ =	shalt  }
0x7e: {  	_ =	shalt  }
0x7f: {  	_ =	shalt  }
0x80: {  	_ =	shalt  }
0x81: {  	_ =	shalt  }
0x82: {  	_ =	shalt  }
0x83: {  	_ =	shalt  }
0x84: {  	_ =	shalt  }
0x85: {  	_ =	shalt  }
0x86: {  	_ =	shalt  }
0x87: {  	_ =	shalt  }
.Lfunc_end0:
.L_simem_size_0:
called_computation_lowered:
.L_overlay_start_0:
0x88: {  	s2 =	sld [smem:$0x3FD9]  }
0x89: {  	s3 =	sld [smem:$0x3FFE];
	_ =	sdelay $0x1  }
0x8a: {  	s1 =	srdreg.scid  }
0x8b: {  	s0 =	sand.u32 $0x1, s1  }
0x8c: {  	s17 =	sshll.u32 s0, $0xA;
	s2 =	sadd.s32 s3, s2  }
0x8d: {  	s2 =	sadd.s32 s2, s17  }
0x8e: {  	[smem:$0x3FC2] =	sst s2  }
0x8f: {  	_ = 	snop  }
0x90: {  	s2 =	sld [smem:$0x3FC9]  }
0x91: {  	s18 =	sld [smem:$0x3FC8];
	(tm) =	ssettm $0x1  }
0x92: {  	s4 =	sld [smem:$0x3FFB];
	_ =	sdelay $0x3  }
0x93: {  	_ =	strace s4  }
0x94: {  	s4 =	sld [smem:$0x3FFC];
	_ =	sdelay $0x3  }
0x95: {  	_ =	strace s4  }
0x96: {  	s4 =	sld [smem:$0x3FFD];
	_ =	sdelay $0x3  }
0x97: {  	_ =	strace s4  }
0x98: {  	_ =	strace $0x8FFFFFFF  }
0x99: {  	s19 =	sld [smem:$0x3FDB];
	_ =	sdelay $0x1  }
0x9a: {  	s5 =	simm.s32 $_scs_section_size  }
0x9b: {  	s6 =	simm.s32 $_size__tile_overlayer_lowered;
	s7 =	simm.s32 $_tile_overlayer_lowered  }
0x9c: {  	s22 =	simm.s32 $0x1BFF;
	s21 =	sshll.u32 s7, $0x1;
	s4 =	sadd.s32 s5, s19  }
0x9d: {  	s8 =	simm.s32 $0x0;
	s20 =	sshll.u32 s6, $0x1;
	s6 =	sadd.s32 s21, s4  }
0x9e: {  	[timem:s8], [sflag:s22] =	dma.local [hbm:s6], s20  }
0x9f: {  	_ =	swait.ge [sflag:s22], s20  }
0xa0: {  	s5 =	ssub.s32 $0x0, s20;
	[sflag:s22] =	ssyncset.done $0x0  }
0xa1: {  	[sflag:s22] =	ssyncadd.s32 s5;
	_ =	sdelay $0x1  }
0xa2: {  	s23 =	simm.s32 $0x1B8B  }
0xa3: {  	_ =	swait.ge [sflag:s23], $0x1  }
0xa4: {  	[sflag:s23] =	ssyncset.done $0x0  }
0xa5: {  	s25 =	simm.s32 $0x1B8E;
	s24 =	sld [smem:$0x3FFE];
	[sflag:s23] =	ssyncadd.s32 $0xFFFFFFFF  }
0xa6: {  	s26 =	simm.s32 $execute0_lowered;
	[smem:$0x3FD2] =	sst s25  }
0xa7: {  	s6 =	sshll.u32 s26, $0x1;
	_ =	strace $0x80000046;
	[dreg:$0x1] =	wrdreg $0xFFFFFFFF  }
0xa8: {  	s28 =	simm.s32 $_size_execute0_lowered;
	s4 =	sadd.s32 s4, s6;
	[dreg:$0x0] =	wrdreg $0x0  }
0xa9: {  	s6 =	sshll.u32 s28, $0x1;
	[dreg:$0x2] =	wrdreg s4  }
0xaa: {  	[dreg:$0x3] =	wrdreg s6  }
0xab: {  	[dreg:$0x4] =	wrdreg $0xC0  }
0xac: {  	_ =	task [dreg:s8], $0x5FFFF  }
0xad: {  	[dreg:$0x1] =	wrdreg $0xFFFFFFFF  }
0xae: {  	[dreg:$0x0] =	wrdreg $0x60  }
0xaf: {  	[dreg:$0x2] =	wrdreg s2  }
0xb0: {  	[dreg:$0x3] =	wrdreg s18  }
0xb1: {  	[dreg:$0x4] =	wrdreg s24  }
0xb2: {  	[dreg:$0x5] =	wrdreg $0x9  }
0xb3: {  	_ =	task.clear_ibuf [dreg:s8], $0x6FFFF;
	_ =	strace $0x90000046  }
0xb4: {  	s29 =	simm.s32 $0x9;
	_ =	strace $0x80000048  }
0xb5: {  	_ =	swait.ge [sflag:s29], $0x1  }
0xb6: {  	[sflag:s29] =	ssyncadd.s32 $0xFFFFFFFF  }
0xb7: {  	_ =	strace $0x90000048  }
0xb8: {  	_ =	sfence  }
0xb9: {  	s30 =	sld [smem:$0x0];
	_ =	sdelay $0x2  }
0xba: {  	s31 =	sshll.u32 s1, $0xD;
	s1 =	sshrl.u32 s1, $0x2  }
0xbb: {  	s3 =	sand.u32 $0x4000, s31;
	s1 =	sadd.s32 s1, s30  }
0xbc: {  	s0 =	sor.u32 s3, s0;
	s1 =	sshll.u32 s1, $0x11  }
0xbd: {  	s0 =	sor.u32 s1, s0  }
0xbe: {  	s0 =	sadd.s32 $0x8F2B, s0  }
0xbf: {  	[sflag:s0] =	ssyncadd.remote.s32 $0x1  }
0xc0: {  	_ =	sfence.sel $0xFFFF  }
0xc1: {  	[dreg:$0x0] =	wrdreg $0xFFFFFFFF;
	(pc) =	sbr.abs _section_cstart, $3  }
0xc2: {  	[dreg:$0x1] =	wrdreg $0xFFFFFFFF  }
0xc3: {  	_ =	task.clear_ibuf [dreg:s8], $0x2FFFF;
	_ =	strace $0x9FFFFFFF  }
0xc4: {  	(tm) =	ssettm $0x7FFFFFFF  }
0xc5: {  	_ =	shalt  }
tec
execute0_lowered:
.L_overlay_start_1:
0x0: {  	(tag) =	ssettag $0x1  }
0x1: {  	s7 =	rddreg [dreg:$0x0]  }
0x2: {  	s8 =	rddreg [dreg:$0x1]  }
0x3: {  	s9 =	rddreg [dreg:$0x2]  }
0x4: {  	s0 =	rddreg [dreg:$0x3];
	s1 =	simm.s32 $0x0  }
0x5: {  	s4 =	srdreg.scid;
	s2 =	stileid.u32;
	s14 =	simm.s32 $0x1  }
0x6: {  	s15 =	simm.s32 $0x440;
	s16 =	simm.s32 $0x840;
	s17 =	simm.s32 $0xC40  }
0x7: {  	s18 =	simm.s32 $0x1040;
	[smem:$0x7FF] =	sst s1;
	s3 =	sadd.s32 $0x3600, s9  }
0x8: {  	s6 =	sand.u32 $0x1, s4;
	s4 =	sadd.s32 $0x65200, s9;
	s10 =	sshll.u32 s2, $0x6  }
0x9: {  	s5 =	sadd.s32 $0x2600, s9;
	s11 =	sshll.u32 s6, $0x5;
	s31 =	ssub.s32 $0x2, s6  }
0xa: {  	_ =	strace $0x80000047;
	s10 =	sor.u32 s11, s10;
	s13 =	sshrl.u32 s31, $0x1  }
0xb: {  	s6 =	sadd.s32 $0x2E00, s9;
	s12 =	sshll.u32 s10, $0x3;
	s11 =	ssub.s32 s31, s13  }
0xc: {  	s10 =	sshrl.u32 s10, $0x3;
	s13 =	simm.s32 $0x40;
	s9 =	sadd.s32 s12, s9  }
0xd: {  	s7 =	sadd.s32 s7, s10;
	s8 =	sadd.s32 s8, s10;
	s10 =	smax.u32 s11, $0x1  }
0xe: {  	s11 =	simm.s32 $0x2;
	s12 =	simm.s32 $0x20;
	s9 =	sadd.s32 $0xC6E00, s9  }
.LBB2_1:
0xf: {  	[tilespmem:s1], [sflag:$0x2] =	stream.linear.gather [hbm4b:s7+s1], $0x20, $0x38;
	[tilespmem:$0x1840] =	vst v63  }
0x10: {  	_ =	swait.ge [sflag:s11], $0x20  }
0x11: {  	[sflag:s11] =	ssyncset.done $0x0  }
0x12: {  	[sflag:s11] =	ssyncadd.s32 $0xFFFFFFE0  }
0x13: {  	[tilespmem:s12], [sflag:$0x2] =	stream.linear.gather [hbm4b:s8+s1], $0x20, $0x38;
	[tilespmem:$0x1840] =	vst v63  }
0x14: {  	_ =	swait.ge [sflag:s11], $0x20  }
0x15: {  	[sflag:s11] =	ssyncset.done $0x0  }
0x16: {  	[sflag:s11] =	ssyncadd.s32 $0xFFFFFFE0  }
0x17: {  	[tilespmem:s13], [sflag:$0x1] =	stream.indirect.gather [hbm4b:s3+s12], $0x20, s1, s12, $0xb8;
	[tilespmem:$0x1840] =	vst v63  }
0x18: {  	_ =	swait.ge [sflag:s14], $0x400  }
0x19: {  	[sflag:s14] =	ssyncset.done $0x0  }
0x1a: {  	[sflag:s14] =	ssyncadd.s32 $0xFFFFFC00  }
0x1b: {  	[tilespmem:s15], [sflag:$0x1] =	stream.indirect.gather [hbm4b:s4+s12], $0x20, s1, s12, $0xb8;
	[tilespmem:$0x1840] =	vst v63  }
0x1c: {  	_ =	swait.ge [sflag:s14], $0x400  }
0x1d: {  	[sflag:s14] =	ssyncset.done $0x0  }
0x1e: {  	[sflag:s14] =	ssyncadd.s32 $0xFFFFFC00  }
0x1f: {  	[tilespmem:s16], [sflag:$0x1] =	stream.indirect.gather [hbm4b:s5+s12], $0x20, s12, s12, $0xb8;
	[tilespmem:$0x1840] =	vst v63  }
0x20: {  	_ =	swait.ge [sflag:s14], $0x400  }
0x21: {  	[sflag:s14] =	ssyncset.done $0x0  }
0x22: {  	[sflag:s14] =	ssyncadd.s32 $0xFFFFFC00  }
0x23: {  	[tilespmem:s17], [sflag:$0x1] =	stream.indirect.gather [hbm4b:s6+s12], $0x20, s12, s12, $0xb8;
	[tilespmem:$0x1840] =	vst v63  }
0x24: {  	_ =	swait.ge [sflag:s14], $0x400  }
0x25: {  	[sflag:s14] =	ssyncset.done $0x0  }
0x26: {  	[sflag:s14] =	ssyncadd.s32 $0xFFFFFC00  }
0x27: {  	v5 =	vld [tilespmem:$0x40]  }
0x28: {  	v4 =	vld [tilespmem:$0x440]  }
0x29: {  	v2 =	vld [tilespmem:$0x840]  }
0x2a: {  	v3 =	vld [tilespmem:$0xC40]  }
0x2b: {  	v9 =	vld [tilespmem:$0x50]  }
0x2c: {  	v8 =	vld [tilespmem:$0x450]  }
0x2d: {  	v6 =	vld [tilespmem:$0x850]  }
0x2e: {  	v7 =	vld [tilespmem:$0xC50]  }
0x2f: {  	v13 =	vld [tilespmem:$0x60]  }
0x30: {  	v12 =	vld [tilespmem:$0x460]  }
0x31: {  	v10 =	vld [tilespmem:$0x860]  }
0x32: {  	v11 =	vld [tilespmem:$0xC60]  }
0x33: {  	v17 =	vld [tilespmem:$0x70]  }
0x34: {  	v16 =	vld [tilespmem:$0x470]  }
0x35: {  	v14 =	vld [tilespmem:$0x870]  }
0x36: {  	v15 =	vld [tilespmem:$0xC70]  }
0x37: {  	v21 =	vld [tilespmem:$0x80]  }
0x38: {  	v20 =	vld [tilespmem:$0x480]  }
0x39: {  	v18 =	vld [tilespmem:$0x880]  }
0x3a: {  	v19 =	vld [tilespmem:$0xC80]  }
0x3b: {  	v25 =	vld [tilespmem:$0x90]  }
0x3c: {  	v24 =	vld [tilespmem:$0x490]  }
0x3d: {  	v22 =	vld [tilespmem:$0x890]  }
0x3e: {  	v23 =	vld [tilespmem:$0xC90]  }
0x3f: {  	v29 =	vld [tilespmem:$0xA0]  }
0x40: {  	v28 =	vld [tilespmem:$0x4A0]  }
0x41: {  	v26 =	vld [tilespmem:$0x8A0]  }
0x42: {  	v27 =	vld [tilespmem:$0xCA0]  }
0x43: {  	v33 =	vld [tilespmem:$0xB0]  }
0x44: {  	v32 =	vld [tilespmem:$0x4B0]  }
0x45: {  	v30 =	vld [tilespmem:$0x8B0]  }
0x46: {  	v31 =	vld [tilespmem:$0xCB0]  }
0x47: {  	v37 =	vld [tilespmem:$0xC0]  }
0x48: {  	v36 =	vld [tilespmem:$0x4C0]  }
0x49: {  	v34 =	vld [tilespmem:$0x8C0]  }
0x4a: {  	v35 =	vld [tilespmem:$0xCC0]  }
0x4b: {  	v55 =	vld [tilespmem:$0xD0]  }
0x4c: {  	v40 =	vld [tilespmem:$0x4D0]  }
0x4d: {  	v38 =	vld [tilespmem:$0x8D0]  }
0x4e: {  	v39 =	vld [tilespmem:$0xCD0]  }
0x4f: {  	v52 =	vld [tilespmem:$0xE0]  }
0x50: {  	v57 =	vld [tilespmem:$0x4E0]  }
0x51: {  	v42 =	vld [tilespmem:$0x8E0]  }
0x52: {  	v41 =	vld [tilespmem:$0xCE0]  }
0x53: {  	v46 =	vld [tilespmem:$0xF0]  }
0x54: {  	v59 =	vld [tilespmem:$0x4F0]  }
0x55: {  	v61 =	vld [tilespmem:$0xD30]  }
0x56: {  	v44 =	vld [tilespmem:$0x8F0]  }
0x57: {  	v43 =	vld [tilespmem:$0xCF0]  }
0x58: {  	v48 =	vld [tilespmem:$0x100]  }
0x59: {  	v63 =	vld [tilespmem:$0x500]  }
0x5a: {  	[tilespmem:$0x1FA50] =	vst v61;
	v61 =	vld [tilespmem:$0x140]  }
0x5b: {  	v47 =	vld [tilespmem:$0x900]  }
0x5c: {  	v45 =	vld [tilespmem:$0xD00]  }
0x5d: {  	v53 =	vld [tilespmem:$0x110]  }
0x5e: {  	v51 =	vld [tilespmem:$0x510]  }
0x5f: {  	[tilespmem:$0x1FA60] =	vst v61;
	v61 =	vld [tilespmem:$0x540]  }
0x60: {  	v50 =	vld [tilespmem:$0x910]  }
0x61: {  	v49 =	vld [tilespmem:$0xD10]  }
0x62: {  	v0 =	vld [tilespmem:$0x130]  }
0x63: {  	v62 =	vld [tilespmem:$0x530]  }
0x64: {  	[tilespmem:$0x1FA80] =	vst v61;
	v61 =	vld [tilespmem:$0x940]  }
0x65: {  	v60 =	vld [tilespmem:$0x120]  }
0x66: {  	v58 =	vld [tilespmem:$0x520]  }
0x67: {  	v56 =	vld [tilespmem:$0x920];
	[tilespmem:$0x1FA30] =	vst v0  }
0x68: {  	v54 =	vld [tilespmem:$0xD20];
	[tilespmem:$0x1FA40] =	vst v62  }
0x69: {  	v62 =	vld [tilespmem:$0x930];
	[tilespmem:$0x1FA70] =	vst v61  }
0x6a: {  	v0 =	vld [tilespmem:$0xD40]  }
0x6b: {  	v61 =	vld [tilespmem:$0x150];
	_ =	sdelay $0x4  }
0x6c: {  	[tilespmem:$0x1FAA0] =	vst v61;
	v61 =	vld [tilespmem:$0x550];
	_ =	sdelay $0x4  }
0x6d: {  	[tilespmem:$0x1FAC0] =	vst v61;
	v61 =	vld [tilespmem:$0x950];
	_ =	sdelay $0x4  }
0x6e: {  	[tilespmem:$0x1FAB0] =	vst v61;
	v61 =	vld [tilespmem:$0xD50];
	_ =	sdelay $0x4  }
0x6f: {  	[tilespmem:$0x1FAD0] =	vst v61;
	v61 =	vld [tilespmem:$0x160];
	_ =	sdelay $0x4  }
0x70: {  	[tilespmem:$0x1FAE0] =	vst v61;
	v61 =	vld [tilespmem:$0x560];
	_ =	sdelay $0x4  }
0x71: {  	[tilespmem:$0x1FB00] =	vst v61;
	v61 =	vld [tilespmem:$0x960];
	_ =	sdelay $0x4  }
0x72: {  	[tilespmem:$0x1FAF0] =	vst v61;
	v61 =	vld [tilespmem:$0xD60];
	_ =	sdelay $0x4  }
0x73: {  	[tilespmem:$0x1FB10] =	vst v61;
	v61 =	vld [tilespmem:$0x170];
	_ =	sdelay $0x4  }
0x74: {  	[tilespmem:$0x1FB20] =	vst v61;
	v61 =	vld [tilespmem:$0x570];
	_ =	sdelay $0x4  }
0x75: {  	[tilespmem:$0x1FB40] =	vst v61;
	v61 =	vld [tilespmem:$0x970];
	_ =	sdelay $0x4  }
0x76: {  	[tilespmem:$0x1FB30] =	vst v61;
	v61 =	vld [tilespmem:$0xD70];
	_ =	sdelay $0x4  }
0x77: {  	[tilespmem:$0x1FB50] =	vst v61;
	v61 =	vld [tilespmem:$0x180];
	_ =	sdelay $0x4  }
0x78: {  	[tilespmem:$0x1FB60] =	vst v61;
	v61 =	vld [tilespmem:$0x580];
	_ =	sdelay $0x4  }
0x79: {  	[tilespmem:$0x1FB80] =	vst v61;
	v61 =	vld [tilespmem:$0x980];
	_ =	sdelay $0x4  }
0x7a: {  	[tilespmem:$0x1FB70] =	vst v61;
	v61 =	vld [tilespmem:$0xD80];
	_ =	sdelay $0x4  }
0x7b: {  	[tilespmem:$0x1FB90] =	vst v61;
	v61 =	vld [tilespmem:$0x190];
	_ =	sdelay $0x4  }
0x7c: {  	[tilespmem:$0x1FBA0] =	vst v61;
	v61 =	vld [tilespmem:$0x590];
	_ =	sdelay $0x4  }
0x7d: {  	[tilespmem:$0x1FBC0] =	vst v61;
	v61 =	vld [tilespmem:$0x990];
	_ =	sdelay $0x4  }
0x7e: {  	[tilespmem:$0x1FBB0] =	vst v61;
	v61 =	vld [tilespmem:$0xD90];
	_ =	sdelay $0x4  }
0x7f: {  	[tilespmem:$0x1FBD0] =	vst v61;
	v61 =	vld [tilespmem:$0x1A0];
	_ =	sdelay $0x4  }
0x80: {  	[tilespmem:$0x1FBE0] =	vst v61;
	v61 =	vld [tilespmem:$0x5A0];
	_ =	sdelay $0x4  }
0x81: {  	[tilespmem:$0x1FC00] =	vst v61;
	v61 =	vld [tilespmem:$0x9A0];
	_ =	sdelay $0x4  }
0x82: {  	[tilespmem:$0x1FBF0] =	vst v61;
	v61 =	vld [tilespmem:$0xDA0];
	_ =	sdelay $0x4  }
0x83: {  	[tilespmem:$0x1FC10] =	vst v61;
	v61 =	vld [tilespmem:$0x1B0];
	_ =	sdelay $0x4  }
0x84: {  	[tilespmem:$0x1FC20] =	vst v61;
	v61 =	vld [tilespmem:$0x5B0];
	_ =	sdelay $0x4  }
0x85: {  	[tilespmem:$0x1FC40] =	vst v61;
	v61 =	vld [tilespmem:$0x9B0];
	_ =	sdelay $0x4  }
0x86: {  	[tilespmem:$0x1FC30] =	vst v61;
	v61 =	vld [tilespmem:$0xDB0];
	_ =	sdelay $0x4  }
0x87: {  	[tilespmem:$0x1FC50] =	vst v61;
	v61 =	vld [tilespmem:$0x1C0];
	_ =	sdelay $0x4  }
0x88: {  	[tilespmem:$0x1FC60] =	vst v61;
	v61 =	vld [tilespmem:$0x5C0];
	_ =	sdelay $0x4  }
0x89: {  	[tilespmem:$0x1FC80] =	vst v61;
	v61 =	vld [tilespmem:$0x9C0];
	_ =	sdelay $0x4  }
0x8a: {  	[tilespmem:$0x1FC70] =	vst v61;
	v61 =	vld [tilespmem:$0xDC0];
	_ =	sdelay $0x4  }
0x8b: {  	[tilespmem:$0x1FC90] =	vst v61;
	v61 =	vld [tilespmem:$0x1D0];
	_ =	sdelay $0x4  }
0x8c: {  	[tilespmem:$0x1FCA0] =	vst v61;
	v61 =	vld [tilespmem:$0x5D0];
	_ =	sdelay $0x4  }
0x8d: {  	[tilespmem:$0x1FCC0] =	vst v61;
	v61 =	vld [tilespmem:$0x9D0];
	_ =	sdelay $0x4  }
0x8e: {  	[tilespmem:$0x1FCB0] =	vst v61;
	v61 =	vld [tilespmem:$0xDD0];
	_ =	sdelay $0x4  }
0x8f: {  	[tilespmem:$0x1FCD0] =	vst v61;
	v61 =	vld [tilespmem:$0x1E0];
	_ =	sdelay $0x4  }
0x90: {  	[tilespmem:$0x1FCE0] =	vst v61;
	v61 =	vld [tilespmem:$0x5E0];
	_ =	sdelay $0x3  }
0x91: {  	[tilespmem:$0x1FA90] =	vst v0  }
0x92: {  	v1 =	vmul.f32 v2, v5;
	v0 =	vmul.f32 v3, v4;
	[tilespmem:$0x1FD00] =	vst v61;
	v61 =	vld [tilespmem:$0x9E0];
	_ =	sdelay $0x1  }
0x93: {  	v2 =	vmul.f32 v2, v4;
	v3 =	vmul.f32 v3, v5;
	v0 =	vsub.f32 v1, v0  }
0x94: {  	v4 =	vmul.f32 v7, v8;
	v5 =	vld [tilespmem:$0xAF0];
	v1 =	vmul.f32 v6, v9  }
0x95: {  	v2 =	vadd.f32 v3, v2;
	v3 =	vmul.f32 v6, v8;
	v9 =	vmul.f32 v7, v9;
	v7 =	vld [tilespmem:$0x6E0];
	[tilespmem:$0x1040] =	vst v0  }
0x96: {  	v0 =	vsub.f32 v1, v4;
	v1 =	vmul.f32 v10, v13;
	v4 =	vmul.f32 v11, v12;
	[tilespmem:$0x1FCF0] =	vst v61;
	v61 =	vld [tilespmem:$0xDE0]  }
0x97: {  	[tilespmem:$0x1060] =	vst v2;
	v2 =	vadd.f32 v9, v3;
	v9 =	vmul.f32 v10, v12;
	v10 =	vmul.f32 v11, v13;
	v11 =	vld [tilespmem:$0xE60]  }
0x98: {  	v13 =	vld [tilespmem:$0x270]  }
0x99: {  	v12 =	vmul.f32 v15, v16;
	v3 =	vld [tilespmem:$0xAE0];
	[tilespmem:$0x1050] =	vst v0  }
0x9a: {  	[tilespmem:$0x1070] =	vst v2;
	v2 =	vadd.f32 v10, v9;
	v9 =	vmul.f32 v14, v16;
	v10 =	vmul.f32 v15, v17;
	v15 =	vld [tilespmem:$0xA70]  }
0x9b: {  	v0 =	vsub.f32 v1, v4;
	v1 =	vmul.f32 v14, v17;
	[tilespmem:$0x1FD10] =	vst v61;
	v61 =	vld [tilespmem:$0x1F0]  }
0x9c: {  	v16 =	vadd.f32 v10, v9;
	v10 =	vld [tilespmem:$0x280]  }
0x9d: {  	v12 =	vsub.f32 v1, v12;
	v1 =	vld [tilespmem:$0xEE0]  }
0x9e: {  	[tilespmem:$0x10A0] =	vst v2;
	v2 =	vld [tilespmem:$0x6F0]  }
0x9f: {  	v14 =	vmul.f32 v19, v20;
	[tilespmem:$0x1FF00] =	vst v11;
	v11 =	vld [tilespmem:$0x670]  }
0xa0: {  	v17 =	vmul.f32 v18, v20;
	v9 =	vmul.f32 v23, v24;
	[tilespmem:$0x1FD20] =	vst v61;
	v61 =	vld [tilespmem:$0x5F0]  }
0xa1: {  	[tilespmem:$0x1FF10] =	vst v13;
	v13 =	vmul.f32 v18, v21;
	v18 =	vmul.f32 v19, v21;
	v19 =	vld [tilespmem:$0xE70]  }
0xa2: {  	v21 =	vmul.f32 v22, v25;
	[tilespmem:$0x1090] =	vst v12;
	v12 =	vmul.f32 v22, v24;
	v22 =	vld [tilespmem:$0xE80]  }
0xa3: {  	[tilespmem:$0x10B0] =	vst v16;
	v20 =	vsub.f32 v13, v14;
	v14 =	vld [tilespmem:$0x680]  }
0xa4: {  	[tilespmem:$0x1FF20] =	vst v15;
	v15 =	vsub.f32 v21, v9;
	v9 =	vld [tilespmem:$0xA90]  }
0xa5: {  	[tilespmem:$0x1FD40] =	vst v61;
	v61 =	vld [tilespmem:$0x9F0]  }
0xa6: {  	v16 =	vmul.f32 v26, v29;
	[tilespmem:$0x10C0] =	vst v20;
	v20 =	vmul.f32 v26, v28;
	v26 =	vld [tilespmem:$0x290]  }
0xa7: {  	v24 =	vmul.f32 v30, v33;
	v13 =	vmul.f32 v23, v25;
	[tilespmem:$0x1FF30] =	vst v11;
	v11 =	vadd.f32 v18, v17;
	v18 =	vld [tilespmem:$0xA80]  }
0xa8: {  	v17 =	vmul.f32 v27, v28;
	v28 =	vmul.f32 v30, v32;
	v30 =	vld [tilespmem:$0x690]  }
0xa9: {  	v21 =	vmul.f32 v27, v29;
	[tilespmem:$0x1FF40] =	vst v19;
	v19 =	vadd.f32 v13, v12;
	v13 =	vld [tilespmem:$0xE90]  }
0xaa: {  	v25 =	vmul.f32 v31, v32;
	v29 =	vmul.f32 v31, v33;
	[tilespmem:$0x1FD30] =	vst v61;
	v61 =	vld [tilespmem:$0xDF0]  }
0xab: {  	v33 =	vmul.f32 v35, v36;
	[tilespmem:$0x10D0] =	vst v15;
	v15 =	vmul.f32 v38, v55;
	v27 =	vadd.f32 v21, v20;
	v21 =	vld [tilespmem:$0x6A0]  }
0xac: {  	[tilespmem:$0x1FF50] =	vst v10;
	v32 =	vmul.f32 v34, v37;
	v20 =	vmul.f32 v39, v55;
	v55 =	vld [tilespmem:$0xAA0]  }
0xad: {  	v12 =	vmul.f32 v35, v37;
	[tilespmem:$0x1FF70] =	vst v14;
	v23 =	vsub.f32 v16, v17;
	v10 =	vadd.f32 v29, v28;
	v17 =	vld [tilespmem:$0x2A0]  }
0xae: {  	[tilespmem:$0x10E0] =	vst v11;
	v14 =	vsub.f32 v32, v33;
	v29 =	vmul.f32 v44, v46;
	v33 =	vmul.f32 v43, v46;
	v46 =	vld [tilespmem:$0xAB0]  }
0xaf: {  	v35 =	vmul.f32 v47, v48;
	v11 =	vmul.f32 v34, v36;
	[tilespmem:$0x1FD50] =	vst v61;
	v61 =	vld [tilespmem:$0x200]  }
0xb0: {  	[tilespmem:$0x10F0] =	vst v19;
	v16 =	vmul.f32 v39, v40;
	v19 =	vmul.f32 v38, v40;
	v40 =	vld [tilespmem:$0xEB0]  }
0xb1: {  	[tilespmem:$0x1FFA0] =	vst v9;
	v36 =	vmul.f32 v45, v63;
	v38 =	vmul.f32 v47, v63;
	v63 =	vld [tilespmem:$0x2C0]  }
0xb2: {  	v47 =	vmul.f32 v50, v53;
	v9 =	vmul.f32 v50, v51;
	v50 =	vld [tilespmem:$0x1FAD0];
	[tilespmem:$0x1120] =	vst v27  }
0xb3: {  	v31 =	vsub.f32 v24, v25;
	v24 =	vmul.f32 v41, v57;
	[tilespmem:$0x1FF90] =	vst v26;
	v26 =	vmul.f32 v42, v57;
	v57 =	vld [tilespmem:$0xEA0]  }
0xb4: {  	v32 =	vmul.f32 v44, v59;
	[tilespmem:$0x1FD60] =	vst v61;
	v61 =	vld [tilespmem:$0x600]  }
0xb5: {  	v27 =	vmul.f32 v41, v52;
	[tilespmem:$0x1100] =	vst v23;
	v23 =	vmul.f32 v42, v52;
	v52 =	vld [tilespmem:$0x2B0]  }
0xb6: {  	v37 =	vadd.f32 v33, v32;
	v32 =	vld [tilespmem:$0xAC0]  }
0xb7: {  	v33 =	vld [tilespmem:$0x1FA60]  }
0xb8: {  	v44 =	vmul.f32 v45, v48;
	v45 =	vsub.f32 v35, v36;
	v36 =	vld [tilespmem:$0x1FA80]  }
0xb9: {  	[tilespmem:$0x1FD80] =	vst v61;
	v61 =	vld [tilespmem:$0xA00]  }
0xba: {  	v8 =	vadd.f32 v44, v38;
	v38 =	vld [tilespmem:$0x1FA90]  }
0xbb: {  	v48 =	vmul.f32 v49, v51;
	[tilespmem:$0x1130] =	vst v10;
	v10 =	vmul.f32 v49, v53;
	v49 =	vld [tilespmem:$0x1FAC0]  }
0xbc: {  	[tilespmem:$0x1FFB0] =	vst v30;
	v30 =	vmul.f32 v43, v59;
	v59 =	vld [tilespmem:$0x6B0]  }
0xbd: {  	[tilespmem:$0x1FF60] =	vst v18;
	v18 =	vadd.f32 v12, v11;
	v11 =	vsub.f32 v47, v48;
	v47 =	vld [tilespmem:$0x1FAB0]  }
0xbe: {  	[tilespmem:$0x1FD70] =	vst v61;
	v61 =	vld [tilespmem:$0xE00]  }
0xbf: {  	[tilespmem:$0x11B0] =	vst v37;
	v37 =	vld [tilespmem:$0x6C0]  }
0xc0: {  	[tilespmem:$0x1110] =	vst v31;
	v31 =	vadd.f32 v27, v26;
	v26 =	vld [tilespmem:$0xEC0]  }
0xc1: {  	v28 =	vsub.f32 v23, v24;
	v23 =	vld [tilespmem:$0x1FA40]  }
0xc2: {  	[tilespmem:$0x1FF80] =	vst v22;
	v24 =	vld [tilespmem:$0x1FA50]  }
0xc3: {  	[tilespmem:$0x1FD90] =	vst v61;
	v61 =	vld [tilespmem:$0x210]  }
0xc4: {  	[tilespmem:$0x1FFE0] =	vst v21;
	v21 =	vld [tilespmem:$0x6D0]  }
0xc5: {  	v22 =	vsub.f32 v15, v16;
	v15 =	vmul.f32 v56, v58;
	v16 =	vmul.f32 v54, v60;
	[tilespmem:$0x11C0] =	vst v45;
	v45 =	vld [tilespmem:$0x1FAA0]  }
0xc6: {  	[tilespmem:$0x11E0] =	vst v8;
	v8 =	vld [tilespmem:$0x700]  }
0xc7: {  	v27 =	vadd.f32 v16, v15;
	v15 =	vld [tilespmem:$0xB10]  }
0xc8: {  	[tilespmem:$0x1FDA0] =	vst v61;
	v61 =	vld [tilespmem:$0x610]  }
0xc9: {  	[tilespmem:$0x1160] =	vst v18;
	v18 =	vld [tilespmem:$0x1FA30]  }
0xca: {  	v25 =	vadd.f32 v20, v19;
	[tilespmem:$0x1FFC0] =	vst v13;
	v34 =	vsub.f32 v29, v30;
	v30 =	vld [tilespmem:$0x2D0]  }
0xcb: {  	[tilespmem:$0x11D0] =	vst v11;
	v11 =	vld [tilespmem:$0xED0]  }
0xcc: {  	v13 =	vmul.f32 v54, v58;
	[tilespmem:$0x1170] =	vst v25;
	v58 =	vld [tilespmem:$0x1FAE0]  }
0xcd: {  	[tilespmem:$0x1FDC0] =	vst v61;
	v61 =	vld [tilespmem:$0xA10]  }
0xce: {  	[tilespmem:$0x1190] =	vst v34;
	v34 =	vld [tilespmem:$0x1FA70]  }
0xcf: {  	v12 =	vmul.f32 v56, v60;
	[tilespmem:$0x1FFF0] =	vst v63;
	v63 =	vld [tilespmem:$0x1FB00]  }
0xd0: {  	[tilespmem:$0x1FFD0] =	vst v17;
	v60 =	vld [tilespmem:$0x1FAF0]  }
0xd1: {  	v17 =	vsub.f32 v12, v13;
	[tilespmem:$0x1180] =	vst v28;
	v16 =	vld [tilespmem:$0x1FB10]  }
0xd2: {  	v54 =	vmul.f32 v47, v49;
	[tilespmem:$0x1FDB0] =	vst v61;
	v61 =	vld [tilespmem:$0xE10]  }
0xd3: {  	[tilespmem:$0x1200] =	vst v17;
	v17 =	vld [tilespmem:$0x2E0];
	v25 =	vmul.f32 v24, v23;
	v28 =	vmul.f32 v62, v23  }
0xd4: {  	v19 =	vmul.f32 v62, v18;
	v29 =	vmul.f32 v24, v18;
	v18 =	vld [tilespmem:$0xAD0]  }
0xd5: {  	[tilespmem:$0x1150] =	vst v22;
	v6 =	vmul.f32 v50, v45;
	v22 =	vmul.f32 v60, v63;
	v24 =	vld [tilespmem:$0x1FB20]  }
0xd6: {  	[tilespmem:$0x11A0] =	vst v31;
	v31 =	vsub.f32 v19, v25;
	v19 =	vmul.f32 v16, v63;
	v23 =	vmul.f32 v16, v58;
	v63 =	vld [tilespmem:$0x2F0]  }
0xd7: {  	v62 =	vmul.f32 v60, v58;
	[tilespmem:$0x1FDD0] =	vst v61;
	v61 =	vld [tilespmem:$0x220]  }
0xd8: {  	v20 =	vadd.f32 v6, v54;
	v6 =	vadd.f32 v23, v22;
	v22 =	vld [tilespmem:$0xB20]  }
0xd9: {  	v4 =	vsub.f32 v62, v19;
	v23 =	vld [tilespmem:$0xF20]  }
0xda: {  	[tilespmem:$0x12A0] =	vst v6;
	v6 =	vld [tilespmem:$0xEF0]  }
0xdb: {  	[tilespmem:$0x1280] =	vst v4;
	v4 =	vld [tilespmem:$0x300]  }
0xdc: {  	[tilespmem:$0x1FDE0] =	vst v61;
	v61 =	vld [tilespmem:$0x620]  }
0xdd: {  	v41 =	vadd.f32 v29, v28;
	v28 =	vld [tilespmem:$0x1FB40]  }
0xde: {  	v39 =	vmul.f32 v38, v36;
	v35 =	vmul.f32 v34, v33;
	v25 =	vld [tilespmem:$0x1FB30]  }
0xdf: {  	v29 =	vld [tilespmem:$0x1FB50]  }
0xe0: {  	v44 =	vsub.f32 v35, v39;
	v35 =	vld [tilespmem:$0x1FB60]  }
0xe1: {  	[tilespmem:$0x1FE00] =	vst v61;
	v61 =	vld [tilespmem:$0xA20]  }
0xe2: {  	v39 =	vld [tilespmem:$0x1FB80]  }
0xe3: {  	v42 =	vmul.f32 v34, v36;
	v36 =	vld [tilespmem:$0x1FB70]  }
0xe4: {  	[tilespmem:$0x1230] =	vst v41;
	v41 =	vld [tilespmem:$0x1FB90]  }
0xe5: {  	v48 =	vmul.f32 v47, v45;
	v45 =	vld [tilespmem:$0x1FBA0]  }
0xe6: {  	[tilespmem:$0x1FDF0] =	vst v61;
	v61 =	vld [tilespmem:$0xE20]  }
0xe7: {  	v51 =	vmul.f32 v50, v49;
	v49 =	vld [tilespmem:$0x1FBC0]  }
0xe8: {  	v47 =	vld [tilespmem:$0x1FBB0]  }
0xe9: {  	v50 =	vld [tilespmem:$0x1FBD0]  }
0xea: {  	v58 =	vld [tilespmem:$0x1FBE0]  }
0xeb: {  	v43 =	vmul.f32 v38, v33;
	[tilespmem:$0x1FE10] =	vst v61;
	v61 =	vld [tilespmem:$0x230]  }
0xec: {  	[tilespmem:$0x1220] =	vst v27;
	v27 =	vmul.f32 v25, v24;
	v33 =	vmul.f32 v29, v24;
	v24 =	vld [tilespmem:$0x1FC00]  }
0xed: {  	[tilespmem:$0x1210] =	vst v31;
	v31 =	vmul.f32 v29, v28;
	v60 =	vld [tilespmem:$0x1FBF0]  }
0xee: {  	[tilespmem:$0x1140] =	vst v14;
	v14 =	vadd.f32 v10, v9;
	v10 =	vmul.f32 v25, v28;
	v25 =	vld [tilespmem:$0x1FC10]  }
0xef: {  	v34 =	vsub.f32 v27, v31;
	v31 =	vld [tilespmem:$0x1FC20]  }
0xf0: {  	[tilespmem:$0x1FE20] =	vst v61;
	v61 =	vld [tilespmem:$0x630]  }
0xf1: {  	[tilespmem:$0x1240] =	vst v44;
	v38 =	vmul.f32 v36, v35;
	v44 =	vmul.f32 v41, v35;
	v35 =	vld [tilespmem:$0x1FC40]  }
0xf2: {  	v53 =	vadd.f32 v43, v42;
	v10 =	vadd.f32 v33, v10;
	v43 =	vmul.f32 v36, v39;
	v33 =	vld [tilespmem:$0x1FC30]  }
0xf3: {  	v36 =	vld [tilespmem:$0x1FC50]  }
0xf4: {  	v12 =	vadd.f32 v44, v43;
	v43 =	vld [tilespmem:$0x1FC60]  }
0xf5: {  	v56 =	vsub.f32 v48, v51;
	v48 =	vmul.f32 v47, v45;
	[tilespmem:$0x1FE40] =	vst v61;
	v61 =	vld [tilespmem:$0xA30]  }
0xf6: {  	[tilespmem:$0x1260] =	vst v53;
	v53 =	vmul.f32 v47, v49;
	v51 =	vmul.f32 v50, v49;
	v47 =	vld [tilespmem:$0x1FC80]  }
0xf7: {  	v54 =	vmul.f32 v50, v45;
	v44 =	vld [tilespmem:$0x1FC70]  }
0xf8: {  	[tilespmem:$0x1250] =	vst v56;
	v56 =	vsub.f32 v48, v51;
	v48 =	vld [tilespmem:$0x1FC90]  }
0xf9: {  	v13 =	vadd.f32 v54, v53;
	v53 =	vld [tilespmem:$0x1FCA0]  }
0xfa: {  	v42 =	vmul.f32 v41, v39;
	[tilespmem:$0x1FE30] =	vst v61;
	v61 =	vld [tilespmem:$0xE30]  }
0xfb: {  	v62 =	vmul.f32 v60, v58;
	v29 =	vmul.f32 v25, v58;
	v58 =	vld [tilespmem:$0x1FCC0]  }
0xfc: {  	[tilespmem:$0x1290] =	vst v34;
	v9 =	vsub.f32 v38, v42;
	v34 =	vmul.f32 v33, v31;
	v38 =	vmul.f32 v36, v35;
	v54 =	vld [tilespmem:$0x1FCB0]  }
0xfd: {  	v28 =	vmul.f32 v60, v24;
	v60 =	vld [tilespmem:$0x1FCD0]  }
0xfe: {  	v42 =	vsub.f32 v34, v38;
	v38 =	vld [tilespmem:$0x1FCE0]  }
0xff: {  	v39 =	vmul.f32 v33, v35;
	v41 =	vmul.f32 v36, v31;
	[tilespmem:$0x1FE50] =	vst v61;
	v61 =	vld [tilespmem:$0x240]  }
0x100: {  	[tilespmem:$0x1310] =	vst v42;
	v42 =	vld [tilespmem:$0x1FD00]  }
0x101: {  	v19 =	vadd.f32 v41, v39;
	v45 =	vmul.f32 v44, v43;
	v49 =	vmul.f32 v48, v47;
	v39 =	vld [tilespmem:$0x1FCF0]  }
0x102: {  	[tilespmem:$0x1080] =	vst v0;
	v51 =	vmul.f32 v48, v43;
	v43 =	vld [tilespmem:$0x1FD10]  }
0x103: {  	[tilespmem:$0x1270] =	vst v20;
	v20 =	vsub.f32 v45, v49;
	v49 =	vld [tilespmem:$0x1FD20]  }
0x104: {  	v27 =	vmul.f32 v25, v24;
	v50 =	vmul.f32 v44, v47;
	[tilespmem:$0x1FE60] =	vst v61;
	v61 =	vld [tilespmem:$0x640]  }
0x105: {  	[tilespmem:$0x12D0] =	vst v56;
	v56 =	vmul.f32 v54, v53;
	v0 =	vmul.f32 v60, v53;
	v53 =	vld [tilespmem:$0x1FD40]  }
0x106: {  	v24 =	vadd.f32 v51, v50;
	v50 =	vld [tilespmem:$0x1FD30]  }
0x107: {  	[tilespmem:$0x11F0] =	vst v14;
	v14 =	vsub.f32 v62, v27;
	v27 =	vmul.f32 v54, v58;
	v54 =	vld [tilespmem:$0x1FD50]  }
0x108: {  	v62 =	vmul.f32 v60, v58;
	v60 =	vld [tilespmem:$0x1FD60]  }
0x109: {  	[tilespmem:$0x1FE80] =	vst v61;
	v61 =	vld [tilespmem:$0xA40]  }
0x10a: {  	v36 =	vsub.f32 v56, v62;
	v47 =	vmul.f32 v39, v42;
	v48 =	vmul.f32 v43, v38;
	v62 =	vld [tilespmem:$0x1FD70]  }
0x10b: {  	v44 =	vmul.f32 v43, v42;
	v43 =	vld [tilespmem:$0x1FD90]  }
0x10c: {  	v16 =	vadd.f32 v29, v28;
	v28 =	vadd.f32 v48, v47;
	v47 =	vld [tilespmem:$0x1FDA0]  }
0x10d: {  	v51 =	vmul.f32 v50, v49;
	v33 =	vmul.f32 v50, v53;
	v50 =	vld [tilespmem:$0x1FDC0]  }
0x10e: {  	v56 =	vmul.f32 v54, v53;
	[tilespmem:$0x1FE70] =	vst v61;
	v61 =	vld [tilespmem:$0xE40]  }
0x10f: {  	v48 =	vld [tilespmem:$0x1FDB0]  }
0x110: {  	v58 =	vsub.f32 v51, v56;
	v51 =	vld [tilespmem:$0x1FDD0]  }
0x111: {  	v42 =	vld [tilespmem:$0x1FD80]  }
0x112: {  	[tilespmem:$0x12B0] =	vst v10;
	v10 =	vld [tilespmem:$0xB00]  }
0x113: {  	v34 =	vmul.f32 v54, v49;
	[tilespmem:$0x1FE90] =	vst v61;
	v61 =	vld [tilespmem:$0x250]  }
0x114: {  	[tilespmem:$0x12E0] =	vst v12;
	v12 =	vld [tilespmem:$0xF00];
	v45 =	vadd.f32 v0, v27;
	v0 =	vmul.f32 v62, v60;
	v35 =	vmul.f32 v43, v60  }
0x115: {  	v49 =	vmul.f32 v48, v47;
	v53 =	vmul.f32 v51, v50;
	v60 =	vld [tilespmem:$0x1FDE0]  }
0x116: {  	[tilespmem:$0x1370] =	vst v45;
	v45 =	vmul.f32 v62, v42;
	v62 =	vld [tilespmem:$0x1FDF0]  }
0x117: {  	[tilespmem:$0x1390] =	vst v58;
	v58 =	vsub.f32 v49, v53;
	v49 =	vld [tilespmem:$0x1FE10]  }
0x118: {  	v41 =	vmul.f32 v39, v38;
	[tilespmem:$0x1FEA0] =	vst v61;
	v61 =	vld [tilespmem:$0x650]  }
0x119: {  	v54 =	vmul.f32 v48, v50;
	v56 =	vmul.f32 v51, v47;
	v48 =	vld [tilespmem:$0x1FE00]  }
0x11a: {  	v25 =	vsub.f32 v41, v44;
	v33 =	vadd.f32 v34, v33;
	v44 =	vmul.f32 v43, v42;
	v53 =	vld [tilespmem:$0x1FE20]  }
0x11b: {  	v34 =	vadd.f32 v35, v45;
	v35 =	vadd.f32 v56, v54;
	v54 =	vld [tilespmem:$0x1FE30]  }
0x11c: {  	v31 =	vsub.f32 v0, v44;
	v0 =	vmul.f32 v62, v60;
	v41 =	vmul.f32 v49, v60;
	v60 =	vld [tilespmem:$0x1FE50]  }
0x11d: {  	[tilespmem:$0x1FEC0] =	vst v61;
	v61 =	vld [tilespmem:$0xA50]  }
0x11e: {  	[tilespmem:$0x13D0] =	vst v58;
	v58 =	vld [tilespmem:$0x1FE40]  }
0x11f: {  	[tilespmem:$0x12C0] =	vst v9;
	v9 =	vld [tilespmem:$0x310]  }
0x120: {  	[tilespmem:$0x12F0] =	vst v13;
	v13 =	vld [tilespmem:$0x710];
	v51 =	vmul.f32 v62, v48  }
0x121: {  	v56 =	vmul.f32 v54, v53;
	v43 =	vmul.f32 v60, v53;
	v53 =	vld [tilespmem:$0x1FE60]  }
0x122: {  	[tilespmem:$0x1FEB0] =	vst v61;
	v61 =	vld [tilespmem:$0xE50]  }
0x123: {  	v39 =	vadd.f32 v41, v51;
	v41 =	vmul.f32 v54, v58;
	v62 =	vmul.f32 v60, v58;
	v58 =	vld [tilespmem:$0x1FE80]  }
0x124: {  	v50 =	vmul.f32 v49, v48;
	v54 =	vld [tilespmem:$0x1FE70]  }
0x125: {  	v60 =	vld [tilespmem:$0x1FE90]  }
0x126: {  	v29 =	vld [tilespmem:$0x740];
	[tilespmem:$0x1350] =	vst v36;
	v36 =	vsub.f32 v0, v50;
	v0 =	vsub.f32 v56, v62  }
0x127: {  	[tilespmem:$0x1FED0] =	vst v61;
	v61 =	vld [tilespmem:$0x260]  }
0x128: {  	[tilespmem:$0x1410] =	vst v0;
	v0 =	vld [tilespmem:$0x1FEA0]  }
0x129: {  	v41 =	vadd.f32 v43, v41;
	v56 =	vmul.f32 v54, v53;
	v43 =	vmul.f32 v54, v58;
	v54 =	vld [tilespmem:$0x1FEB0]  }
0x12a: {  	v62 =	vmul.f32 v60, v58;
	v45 =	vmul.f32 v60, v53;
	v60 =	vld [tilespmem:$0x1FED0]  }
0x12b: {  	v58 =	vld [tilespmem:$0x1FEC0]  }
0x12c: {  	[tilespmem:$0x1FEE0] =	vst v61;
	v61 =	vld [tilespmem:$0x660]  }
0x12d: {  	[tilespmem:$0x1320] =	vst v16;
	v16 =	vld [tilespmem:$0xF10]  }
0x12e: {  	[tilespmem:$0x1300] =	vst v14;
	v14 =	vld [tilespmem:$0x320]  }
0x12f: {  	v42 =	vsub.f32 v56, v62;
	v56 =	vmul.f32 v54, v0;
	v49 =	vmul.f32 v60, v0;
	v0 =	vld [tilespmem:$0x1FEE0]  }
0x130: {  	v62 =	vmul.f32 v60, v58;
	v60 =	vld [tilespmem:$0x1FF00]  }
0x131: {  	[tilespmem:$0x1FEF0] =	vst v61;
	v61 =	vld [tilespmem:$0xA60]  }
0x132: {  	v48 =	vmul.f32 v54, v58;
	v58 =	vld [tilespmem:$0x1FEF0]  }
0x133: {  	[tilespmem:$0x1330] =	vst v19;
	v19 =	vld [tilespmem:$0x720]  }
0x134: {  	[tilespmem:$0x1340] =	vst v20;
	v20 =	vld [tilespmem:$0x330];
	v45 =	vadd.f32 v45, v43  }
0x135: {  	[tilespmem:$0x1360] =	vst v24;
	v24 =	vld [tilespmem:$0x730]  }
0x136: {  	[tilespmem:$0x1460] =	vst v45;
	v54 =	vld [tilespmem:$0x1FF10];
	v45 =	vadd.f32 v49, v48;
	v49 =	vmul.f32 v60, v0  }
0x137: {  	[tilespmem:$0x1440] =	vst v42;
	v42 =	vsub.f32 v56, v62;
	v56 =	vmul.f32 v61, v0;
	v62 =	vmul.f32 v60, v58;
	v60 =	vld [tilespmem:$0x1FF30]  }
0x138: {  	v48 =	vmul.f32 v61, v58;
	v61 =	vld [tilespmem:$0x1FF40]  }
0x139: {  	v47 =	vsub.f32 v56, v62;
	v56 =	vld [tilespmem:$0x1FF20]  }
0x13a: {  	v27 =	vld [tilespmem:$0xB30]  }
0x13b: {  	v38 =	vld [tilespmem:$0xB50]  }
0x13c: {  	[tilespmem:$0x13A0] =	vst v28;
	v28 =	vld [tilespmem:$0xF30]  }
0x13d: {  	v58 =	vld [tilespmem:$0x1FF70];
	v62 =	vmul.f32 v61, v60  }
0x13e: {  	v0 =	vmul.f32 v56, v54;
	v53 =	vmul.f32 v56, v60;
	v56 =	vld [tilespmem:$0x1FF50]  }
0x13f: {  	v60 =	vld [tilespmem:$0x1FF60]  }
0x140: {  	[tilespmem:$0x1480] =	vst v47;
	v47 =	vsub.f32 v0, v62;
	v0 =	vld [tilespmem:$0x1FF80]  }
0x141: {  	[tilespmem:$0x1380] =	vst v25;
	v25 =	vld [tilespmem:$0x340]  }
0x142: {  	[tilespmem:$0x13B0] =	vst v33;
	v33 =	vld [tilespmem:$0xB40]  }
0x143: {  	v44 =	vld [tilespmem:$0xF60]  }
0x144: {  	[tilespmem:$0x13E0] =	vst v34;
	v34 =	vld [tilespmem:$0xF40]  }
0x145: {  	[tilespmem:$0x13C0] =	vst v31;
	v31 =	vld [tilespmem:$0x350];
	v50 =	vmul.f32 v60, v56;
	v62 =	vmul.f32 v0, v58  }
0x146: {  	v54 =	vmul.f32 v61, v54;
	v61 =	vld [tilespmem:$0x1FFB0]  }
0x147: {  	v51 =	vsub.f32 v50, v62;
	v50 =	vld [tilespmem:$0x1FF90]  }
0x148: {  	v62 =	vld [tilespmem:$0x1FFA0]  }
0x149: {  	v56 =	vmul.f32 v0, v56;
	v0 =	vld [tilespmem:$0x1FFC0]  }
0x14a: {  	[tilespmem:$0x13F0] =	vst v35;
	v35 =	vld [tilespmem:$0x750]  }
0x14b: {  	[tilespmem:$0x1420] =	vst v39;
	v39 =	vld [tilespmem:$0xF50];
	v53 =	vadd.f32 v54, v53;
	v54 =	vmul.f32 v60, v58  }
0x14c: {  	[tilespmem:$0x1400] =	vst v36;
	v36 =	vld [tilespmem:$0x360]  }
0x14d: {  	v54 =	vadd.f32 v56, v54;
	v58 =	vmul.f32 v62, v50;
	v56 =	vmul.f32 v62, v61;
	v62 =	vld [tilespmem:$0x1FFD0]  }
0x14e: {  	v60 =	vmul.f32 v0, v61;
	v61 =	vmul.f32 v0, v50;
	v0 =	vld [tilespmem:$0x1FFE0]  }
0x14f: {  	[tilespmem:$0x1430] =	vst v41;
	v41 =	vld [tilespmem:$0x760]  }
0x150: {  	v43 =	vld [tilespmem:$0xB60]  }
0x151: {  	[tilespmem:$0x1450] =	vst v42;
	v42 =	vld [tilespmem:$0x370]  }
0x152: {  	[tilespmem:$0x1470] =	vst v45;
	v45 =	vld [tilespmem:$0x770];
	v49 =	vadd.f32 v49, v48  }
0x153: {  	v48 =	vld [tilespmem:$0xB70];
	[tilespmem:$0x14C0] =	vst v51;
	v51 =	vsub.f32 v58, v60;
	v58 =	vmul.f32 v55, v62;
	v60 =	vmul.f32 v57, v0  }
0x154: {  	[tilespmem:$0x14A0] =	vst v49;
	v49 =	vld [tilespmem:$0xF70];
	v55 =	vmul.f32 v55, v0;
	v57 =	vmul.f32 v57, v62  }
0x155: {  	[tilespmem:$0x1490] =	vst v47;
	v47 =	vld [tilespmem:$0x380];
	v0 =	vmul.f32 v40, v59;
	v58 =	vsub.f32 v58, v60;
	v60 =	vmul.f32 v46, v52  }
0x156: {  	[tilespmem:$0x14B0] =	vst v53;
	v53 =	vld [tilespmem:$0xB80]  }
0x157: {  	v55 =	vadd.f32 v57, v55;
	v57 =	vsub.f32 v60, v0;
	v60 =	vld [tilespmem:$0x1FFF0]  }
0x158: {  	[tilespmem:$0x14E0] =	vst v54;
	v54 =	vld [tilespmem:$0xF80];
	v56 =	vadd.f32 v61, v56  }
0x159: {  	v50 =	vld [tilespmem:$0x780];
	[tilespmem:$0x14D0] =	vst v51  }
0x15a: {  	v51 =	vld [tilespmem:$0x390];
	[tilespmem:$0x14F0] =	vst v56;
	v56 =	vmul.f32 v46, v59;
	v62 =	vmul.f32 v26, v37  }
0x15b: {  	v37 =	vmul.f32 v32, v37;
	v52 =	vmul.f32 v40, v52;
	v40 =	vld [tilespmem:$0x790]  }
0x15c: {  	v59 =	vmul.f32 v6, v63;
	v46 =	vld [tilespmem:$0xB90];
	[tilespmem:$0x1500] =	vst v58;
	v61 =	vmul.f32 v32, v60  }
0x15d: {  	[tilespmem:$0x1520] =	vst v55;
	v52 =	vadd.f32 v52, v56;
	v0 =	vmul.f32 v11, v21;
	v56 =	vld [tilespmem:$0xBA0];
	v60 =	vmul.f32 v26, v60  }
0x15e: {  	v11 =	vmul.f32 v11, v30;
	[tilespmem:$0x1510] =	vst v57;
	v32 =	vld [tilespmem:$0xF90];
	v61 =	vsub.f32 v61, v62;
	v62 =	vmul.f32 v18, v30  }
0x15f: {  	v58 =	vmul.f32 v6, v2;
	[tilespmem:$0x1530] =	vst v52;
	v26 =	vld [tilespmem:$0x3A0];
	v37 =	vadd.f32 v60, v37;
	v18 =	vmul.f32 v18, v21  }
0x160: {  	v2 =	vmul.f32 v5, v2;
	v21 =	vld [tilespmem:$0x7A0];
	[tilespmem:$0x1540] =	vst v61;
	v60 =	vsub.f32 v62, v0;
	v61 =	vmul.f32 v3, v17  }
0x161: {  	v62 =	vmul.f32 v1, v7;
	[tilespmem:$0x1560] =	vst v37;
	v11 =	vadd.f32 v11, v18;
	v3 =	vmul.f32 v3, v7;
	v7 =	vld [tilespmem:$0xFA0]  }
0x162: {  	v57 =	vmul.f32 v5, v63;
	v1 =	vmul.f32 v1, v17;
	v37 =	vld [tilespmem:$0x3B0];
	v0 =	vadd.f32 v59, v2;
	[tilespmem:$0x1550] =	vst v60  }
0x163: {  	v63 =	vmul.f32 v10, v8;
	v52 =	vmul.f32 v15, v9;
	v17 =	vld [tilespmem:$0xBB0];
	v55 =	vsub.f32 v61, v62;
	[tilespmem:$0x1570] =	vst v11  }
0x164: {  	v18 =	vmul.f32 v12, v4;
	v59 =	vmul.f32 v16, v9;
	v9 =	vld [tilespmem:$0x7C0];
	v1 =	vadd.f32 v1, v3;
	[tilespmem:$0x15B0] =	vst v0  }
0x165: {  	v3 =	vld [tilespmem:$0x7B0];
	v60 =	vsub.f32 v57, v58;
	v61 =	vmul.f32 v10, v4;
	v62 =	vmul.f32 v12, v8;
	[tilespmem:$0x1580] =	vst v55  }
0x166: {  	v4 =	vld [tilespmem:$0xFB0];
	v57 =	vadd.f32 v18, v63;
	v58 =	vmul.f32 v15, v13;
	v18 =	vmul.f32 v23, v14;
	[tilespmem:$0x15A0] =	vst v1  }
0x167: {  	v10 =	vld [tilespmem:$0x3C0];
	[tilespmem:$0x1590] =	vst v60;
	v30 =	vsub.f32 v61, v62;
	v55 =	vmul.f32 v16, v13;
	v61 =	vmul.f32 v22, v14  }
0x168: {  	v11 =	vld [tilespmem:$0xBC0];
	v62 =	vmul.f32 v23, v19;
	[tilespmem:$0x15E0] =	vst v57;
	v63 =	vadd.f32 v59, v58;
	v16 =	vmul.f32 v22, v19  }
0x169: {  	v12 =	vld [tilespmem:$0xFC0];
	v22 =	vmul.f32 v27, v20;
	v23 =	vmul.f32 v28, v24;
	[tilespmem:$0x15C0] =	vst v30;
	v60 =	vsub.f32 v52, v55  }
0x16a: {  	v15 =	vld [tilespmem:$0xBD0];
	v58 =	vmul.f32 v33, v25;
	v59 =	vmul.f32 v34, v29;
	v19 =	vsub.f32 v61, v62;
	[tilespmem:$0x15F0] =	vst v63  }
0x16b: {  	v8 =	vld [tilespmem:$0xC10];
	v30 =	vadd.f32 v18, v16;
	v52 =	vmul.f32 v27, v24;
	v55 =	vmul.f32 v28, v20;
	[tilespmem:$0x15D0] =	vst v60  }
0x16c: {  	v13 =	vld [tilespmem:$0x3D0];
	v57 =	vsub.f32 v22, v23;
	v61 =	vmul.f32 v33, v29;
	v62 =	vmul.f32 v34, v25;
	[tilespmem:$0x1600] =	vst v19  }
0x16d: {  	v14 =	vld [tilespmem:$0x7D0];
	v63 =	vsub.f32 v58, v59;
	v22 =	vmul.f32 v38, v31;
	v23 =	vmul.f32 v39, v35;
	[tilespmem:$0x1620] =	vst v30  }
0x16e: {  	v16 =	vld [tilespmem:$0xFD0];
	v25 =	vmul.f32 v38, v35;
	v27 =	vmul.f32 v39, v31;
	v60 =	vadd.f32 v55, v52;
	[tilespmem:$0x1610] =	vst v57  }
0x16f: {  	v18 =	vld [tilespmem:$0x3E0];
	v29 =	vmul.f32 v43, v36;
	v33 =	vmul.f32 v43, v41;
	v24 =	vadd.f32 v62, v61;
	[tilespmem:$0x1640] =	vst v63  }
0x170: {  	v20 =	vld [tilespmem:$0xBE0];
	v34 =	vmul.f32 v44, v36;
	v36 =	vmul.f32 v48, v42;
	v28 =	vsub.f32 v22, v23;
	[tilespmem:$0x1630] =	vst v60  }
0x171: {  	v38 =	vmul.f32 v49, v45;
	v43 =	vmul.f32 v49, v42;
	v19 =	vld [tilespmem:$0x7E0];
	v31 =	vadd.f32 v27, v25;
	[tilespmem:$0x1660] =	vst v24  }
0x172: {  	v30 =	vmul.f32 v44, v41;
	v22 =	vld [tilespmem:$0xFE0];
	v39 =	vadd.f32 v34, v33;
	v41 =	vmul.f32 v48, v45;
	[tilespmem:$0x1650] =	vst v28  }
0x173: {  	v23 =	vld [tilespmem:$0x3F0];
	v44 =	vsub.f32 v36, v38;
	v45 =	vmul.f32 v53, v47;
	v48 =	vmul.f32 v54, v50;
	[tilespmem:$0x1670] =	vst v31  }
0x174: {  	v25 =	vld [tilespmem:$0xBF0];
	v52 =	vmul.f32 v53, v50;
	v53 =	vmul.f32 v54, v47;
	v35 =	vsub.f32 v29, v30;
	[tilespmem:$0x16A0] =	vst v39  }
0x175: {  	v27 =	vld [tilespmem:$0xFF0];
	v55 =	vmul.f32 v46, v51;
	v57 =	vmul.f32 v32, v40;
	v49 =	vadd.f32 v43, v41;
	[tilespmem:$0x1690] =	vst v44  }
0x176: {  	v63 =	vmul.f32 v7, v21;
	v34 =	vmul.f32 v56, v21;
	v21 =	vld [tilespmem:$0x410];
	v54 =	vsub.f32 v45, v48;
	[tilespmem:$0x1680] =	vst v35  }
0x177: {  	v62 =	vmul.f32 v56, v26;
	v24 =	vld [tilespmem:$0x7F0];
	v58 =	vadd.f32 v53, v52;
	[tilespmem:$0x16B0] =	vst v49  }
0x178: {  	v59 =	vmul.f32 v46, v40;
	v28 =	vld [tilespmem:$0x400];
	v60 =	vmul.f32 v32, v51;
	v61 =	vsub.f32 v55, v57;
	[tilespmem:$0x16C0] =	vst v54  }
0x179: {  	v38 =	vmul.f32 v17, v37;
	v29 =	vld [tilespmem:$0x800];
	v36 =	vsub.f32 v62, v63;
	v39 =	vmul.f32 v4, v3;
	[tilespmem:$0x16E0] =	vst v58  }
0x17a: {  	v42 =	vmul.f32 v4, v37;
	v30 =	vld [tilespmem:$0xC00];
	v41 =	vmul.f32 v17, v3;
	v33 =	vadd.f32 v60, v59;
	[tilespmem:$0x16D0] =	vst v61  }
0x17b: {  	v3 =	vld [tilespmem:$0x810];
	v44 =	vmul.f32 v11, v10;
	v45 =	vmul.f32 v12, v9;
	[tilespmem:$0x1700] =	vst v36;
	v43 =	vsub.f32 v38, v39  }
0x17c: {  	v47 =	vmul.f32 v11, v9;
	v48 =	vmul.f32 v12, v10;
	v9 =	vld [tilespmem:$0x1010];
	v46 =	vadd.f32 v42, v41;
	[tilespmem:$0x16F0] =	vst v33  }
0x17d: {  	v50 =	vmul.f32 v15, v13;
	v10 =	vld [tilespmem:$0x420];
	v51 =	vmul.f32 v16, v14;
	v49 =	vsub.f32 v44, v45;
	[tilespmem:$0x1710] =	vst v43  }
0x17e: {  	v55 =	vld [tilespmem:$0x820];
	v35 =	vmul.f32 v7, v26;
	v52 =	vadd.f32 v48, v47;
	[tilespmem:$0x1730] =	vst v46  }
0x17f: {  	v53 =	vmul.f32 v15, v14;
	v63 =	vld [tilespmem:$0x1020];
	v54 =	vmul.f32 v16, v13;
	v56 =	vsub.f32 v50, v51;
	[tilespmem:$0x1740] =	vst v49  }
0x180: {  	v31 =	vld [tilespmem:$0x430];
	v57 =	vmul.f32 v20, v18;
	v58 =	vmul.f32 v22, v19;
	v40 =	vadd.f32 v35, v34;
	[tilespmem:$0x1760] =	vst v52  }
0x181: {  	v7 =	vld [tilespmem:$0x1000];
	v61 =	vmul.f32 v20, v19;
	v62 =	vmul.f32 v22, v18;
	v60 =	vadd.f32 v54, v53;
	[tilespmem:$0x1750] =	vst v56  }
0x182: {  	v59 =	vld [tilespmem:$0xC20];
	v22 =	vmul.f32 v25, v23;
	v20 =	vsub.f32 v57, v58;
	v26 =	vmul.f32 v27, v24;
	[tilespmem:$0x1720] =	vst v40  }
0x183: {  	v39 =	vld [tilespmem:$0xC30];
	v34 =	vmul.f32 v27, v23;
	v32 =	vadd.f32 v62, v61;
	v33 =	vmul.f32 v25, v24;
	[tilespmem:$0x1770] =	vst v60  }
0x184: {  	v45 =	vmul.f32 v8, v21;
	v35 =	vld [tilespmem:$0x830];
	v46 =	vmul.f32 v9, v3;
	[tilespmem:$0x1780] =	vst v20;
	v36 =	vsub.f32 v22, v26  }
0x185: {  	v43 =	vld [tilespmem:$0x1030];
	v48 =	vmul.f32 v8, v3;
	v49 =	vmul.f32 v9, v21;
	[tilespmem:$0x17A0] =	vst v32;
	v40 =	vadd.f32 v34, v33  }
0x186: {  	v37 =	vmul.f32 v30, v28;
	v38 =	vmul.f32 v7, v29;
	v50 =	vsub.f32 v45, v46;
	[tilespmem:$0x1790] =	vst v36  }
0x187: {  	v41 =	vmul.f32 v30, v29;
	v42 =	vmul.f32 v7, v28;
	v53 =	vadd.f32 v49, v48;
	[tilespmem:$0x17B0] =	vst v40  }
0x188: {  	v52 =	vmul.f32 v63, v55;
	v51 =	vmul.f32 v59, v10;
	v44 =	vsub.f32 v37, v38;
	[tilespmem:$0x17D0] =	vst v50  }
0x189: {  	v54 =	vmul.f32 v59, v55;
	v55 =	vmul.f32 v63, v10;
	v47 =	vadd.f32 v42, v41;
	[tilespmem:$0x17F0] =	vst v53  }
0x18a: {  	v57 =	vmul.f32 v39, v31;
	v56 =	vsub.f32 v51, v52;
	v58 =	vmul.f32 v43, v35;
	[tilespmem:$0x17C0] =	vst v44  }
0x18b: {  	v59 =	vadd.f32 v55, v54;
	v60 =	vmul.f32 v39, v35;
	v61 =	vmul.f32 v43, v31;
	[tilespmem:$0x17E0] =	vst v47  }
0x18c: {  	[tilespmem:$0x1800] =	vst v56;
	v62 =	vsub.f32 v57, v58  }
0x18d: {  	[tilespmem:$0x1820] =	vst v59;
	v63 =	vadd.f32 v61, v60  }
0x18e: {  	p0 =	sne.s32 s10, $0x1;
	[tilespmem:$0x1810] =	vst v62  }
.Ltmp0:
0x18f: {  	[tilespmem:$0x1830] =	vst v63;
	(pc) =	sbr.rel @p0 .LBB2_1-.Ltmp0, $4  }
0x190: {  	[hbm4b:s9+s1] =	stream.linear.scatter [tilespmem:s18], [sflag:$0x2], $0x800, $0x38;
	[tilespmem:$0x1840] =	vst v63  }
0x191: {  	_ =	swait.ge [sflag:s11], $0x800  }
0x192: {  	[sflag:s11] =	ssyncset.done $0x0  }
0x193: {  	s10 =	sadd.s32 $0xFFFFFFFF, s10;
	[sflag:s11] =	ssyncadd.s32 $0xFFFFF800  }
0x194: {  	_ =	sfence.sel $0x180000  }
0x195: {  	[bflag:$0x0] =	sbarrier.arrive $0xFFFF  }
0x196: {  	p0 =	sne.s32 s2, $0x0;
	_ =	strace $0x90000047  }
0x197: {  	s0 =	sadd.s32 @!p0 $0x100000, s0;
	[bflag:$0x2] =	sbarrier.arrive $0xFFFF  }
0x198: {  	[sflag:s0] =	ssyncadd.tile.s32 @!p0 $0x1;
	_ =	shalt  }
.Lfunc_end2:
_tile_overlayer_lowered:
.L_overlay_start_2:
0x199: {  	(tag) =	ssettag $0x2  }
0x19a: {  	s0 =	rddreg [dreg:$0x0];
	s2 =	stileid.u32  }
0x19b: {  	s1 =	rddreg [dreg:$0x1];
	p0 =	sne.s32 s2, $0x0  }
0x19c: {  	s3 =	rddreg [dreg:$0x2];
	[bflag:$0x3] =	sbarrier.arrive $0xFFFF;
	s2 =	simm.s32 @!p0 $0x1C02  }
0x19d: {  	[timem:s3], [sflag:s2] =	dma.local @!p0 [hbm:s0], s1  }
0x19e: {  	s0 =	simm.s32 @!p0 $0x2  }
0x19f: {  	_ =	swait.ge @!p0 [sflag:s0], s1  }
0x1a0: {  	s1 =	ssub.s32 @!p0 $0x0, s1;
	[sflag:s0] =	ssyncset.done @!p0 $0x0  }
0x1a1: {  	[sflag:s0] =	ssyncadd.s32 @!p0 s1  }
0x1a2: {  	[bflag:$0x3] =	sbarrier.arrive $0xFFFF  }
0x1a3: {  	_ =	shalt  }

</sc_bundles>
